<compile_context>
chip_gen: v7x
topology: tpu7x:2x2x1
jax: 0.10.2.dev20260603
libtpu: 0.0.44.dev20260713+nightly
codegen_flags: <defaults>
</compile_context>

<pallas_src>
import functools

import jax
import jax.numpy as jnp
from jax import lax
from jax.experimental import pallas as pl
from jax.experimental.pallas import tpu as pltpu
from jax.experimental.pallas import tpu_sc as plsc

N = 10000
E = 320000
D = 128
DH = D // 2
NC = 2
NS = 16
NW = NC * NS

DEG_EPW = E // NW
DEG_CH = 80
DEG_NCHUNK = DEG_EPW // DEG_CH

EPW = E // NS
CH = 80
NCHUNK = EPW // CH
NBUF = 8
LOOK = 4
HEADN = NBUF - LOOK
STEADY = ((NCHUNK - HEADN - LOOK) // NBUF) * NBUF

NPAD = 10240
RPT = NPAD // NS
BLK = 2048
GRID = 5

_mesh = plsc.VectorSubcoreMesh(core_axis_name="c", subcore_axis_name="s")
_sc_params = pltpu.CompilerParams(needs_layout_passes=False)
_sc_linear_params = pltpu.CompilerParams(needs_layout_passes=False,
                                         use_tc_tiling_on_sc=False)


@functools.partial(
    pl.kernel,
    out_type=jax.ShapeDtypeStruct((NW, NPAD), jnp.float32),
    mesh=_mesh,
    compiler_params=_sc_linear_params,
    scratch_types=[
        pltpu.VMEM((DEG_NCHUNK, DEG_CH), jnp.int32),
        pltpu.VMEM((NPAD,), jnp.float32),
    ],
)
def _deg_kernel(row_hbm, degp_hbm, idx_v, deg_v):
    cid = lax.axis_index("c")
    sid = lax.axis_index("s")
    w = sid * NC + cid
    pltpu.sync_copy(row_hbm.at[w // 2, pl.ds((w % 2) * DEG_NCHUNK, DEG_NCHUNK)],
                    idx_v)

    def zero_body(i, carry):
        deg_v[pl.ds(i * 16, 16)] = jnp.zeros((16,), jnp.float32)
        return carry

    lax.fori_loop(0, NPAD // 16, zero_body, 0)

    def chunk_body(c5, carry):
        for cc in range(5):
            c = c5 * 5 + cc
            for j in range(DEG_CH // 16):
                idx = idx_v[c, pl.ds(j * 16, 16)]
                cnt, last = plsc.scan_count(idx)
                plsc.addupdate_scatter(deg_v, [idx], cnt.astype(jnp.float32),
                                       mask=last)
        return carry

    lax.fori_loop(0, DEG_NCHUNK // 5, chunk_body, 0)
    pltpu.sync_copy(deg_v, degp_hbm.at[w])


@functools.partial(
    pl.kernel,
    out_type=jax.ShapeDtypeStruct((NPAD, D), jnp.float32),
    mesh=_mesh,
    compiler_params=_sc_linear_params,
    scratch_types=(
        [
            pltpu.VMEM((NCHUNK, CH), jnp.int32),
            pltpu.VMEM((NCHUNK, CH), jnp.int32),
            pltpu.VMEM_SHARED((NPAD, DH), jnp.float32),
        ]
        + [pltpu.VMEM((CH, DH), jnp.float32) for _ in range(NBUF)]
        + [pltpu.SemaphoreType.DMA for _ in range(2 * NBUF)]
    ),
)
def _agg_kernel(y_hbm, col_hbm, row_hbm, z_hbm, col_v, row_v, z_sh, *rest):
    buf = rest[:NBUF]
    sg = rest[NBUF:2 * NBUF]
    ss = rest[2 * NBUF:3 * NBUF]
    cid = lax.axis_index("c")
    sid = lax.axis_index("s")
    pltpu.sync_copy(col_hbm.at[sid], col_v)
    pltpu.sync_copy(row_hbm.at[sid], row_v)

    def col_off_body(c, carry):
        for j in range(CH // 16):
            v = col_v[c, pl.ds(j * 16, 16)]
            col_v[c, pl.ds(j * 16, 16)] = v * 2 + cid
        return carry

    lax.fori_loop(0, NCHUNK, col_off_body, 0)

    def zbuf_body(i, carry):
        for j in range(DH // 16):
            buf[0][i, pl.ds(j * 16, 16)] = jnp.zeros((16,), jnp.float32)
        return carry

    lax.fori_loop(0, CH, zbuf_body, 0)
    zbase = sid * RPT
    for k in range(RPT // CH):
        pltpu.sync_copy(buf[0], z_sh.at[pl.ds(zbase + k * CH, CH)])
    rem = RPT % CH
    if rem:
        pltpu.sync_copy(buf[0].at[pl.ds(0, rem)],
                        z_sh.at[pl.ds(zbase + (RPT // CH) * CH, rem)])
    plsc.subcore_barrier()

    def gather(c, k):
        pltpu.async_copy(y_hbm.at[col_v.at[c]], buf[k], sg[k])

    def wait_gather(k):
        pltpu.make_async_copy(y_hbm.at[col_v.at[0]], buf[k], sg[k]).wait()

    def scatter(c, k):
        pltpu.async_copy(buf[k], z_sh.at[row_v.at[c]], ss[k], add=True)

    def wait_scatter(k):
        pltpu.make_async_copy(buf[k], z_sh.at[row_v.at[0]], ss[k]).wait()

    for k in range(LOOK):
        gather(k, k)

    for c in range(HEADN):
        k = c % NBUF
        wait_gather(k)
        scatter(c, k)
        kk = (c + LOOK) % NBUF
        gather(c + LOOK, kk)

    def group_body(g, carry):
        base = HEADN + g * NBUF
        for j in range(NBUF):
            k = (HEADN + j) % NBUF
            wait_gather(k)
            scatter(base + j, k)
            kk = (HEADN + j + LOOK) % NBUF
            wait_scatter(kk)
            gather(base + j + LOOK, kk)
        return carry

    lax.fori_loop(0, STEADY // NBUF, group_body, 0)

    for c in range(HEADN + STEADY, NCHUNK - LOOK):
        k = c % NBUF
        wait_gather(k)
        scatter(c, k)
        kk = (c + LOOK) % NBUF
        wait_scatter(kk)
        gather(c + LOOK, kk)

    for c in range(NCHUNK - LOOK, NCHUNK):
        k = c % NBUF
        wait_gather(k)
        scatter(c, k)

    for c in range(NCHUNK - NBUF, NCHUNK):
        wait_scatter(c % NBUF)

    plsc.subcore_barrier()
    pltpu.sync_copy(z_sh.at[pl.ds(sid * RPT, RPT)],
                    z_hbm.at[pl.ds(sid * RPT, RPT), pl.ds(cid * DH, DH)])


def _proj_body(x_ref, w_ref, degp_ref, y_ref):
    xp = lax.dot_general(x_ref[...], w_ref[...], (((1,), (1,)), ((), ())),
                         preferred_element_type=jnp.float32)
    deg = jnp.maximum(jnp.sum(degp_ref[...], axis=0), 1.0)
    y_ref[...] = xp * lax.rsqrt(deg)[:, None]


def _final_body(z_ref, degp_ref, b_ref, o_ref):
    deg = jnp.maximum(jnp.sum(degp_ref[...], axis=0), 1.0)
    s = lax.rsqrt(deg)[:, None]
    o_ref[...] = z_ref[...] * s + b_ref[...]


def kernel(x, edge_index, W, b):
    row16 = edge_index[0].reshape(NS, NCHUNK, CH)
    col16 = edge_index[1].reshape(NS, NCHUNK, CH)

    degp = _deg_kernel(row16)

    y = pl.pallas_call(
        _proj_body,
        grid=(GRID,),
        in_specs=[
            pl.BlockSpec((BLK, D), lambda i: (i, 0)),
            pl.BlockSpec((D, D), lambda i: (0, 0)),
            pl.BlockSpec((NW, BLK), lambda i: (0, i)),
        ],
        out_specs=pl.BlockSpec((BLK, D), lambda i: (i, 0)),
        out_shape=jax.ShapeDtypeStruct((N, D), jnp.float32),
    )(x, W, degp)

    z = _agg_kernel(y.reshape(2 * N, DH), col16, row16)

    out = pl.pallas_call(
        _final_body,
        grid=(GRID,),
        in_specs=[
            pl.BlockSpec((BLK, D), lambda i: (i, 0)),
            pl.BlockSpec((NW, BLK), lambda i: (0, i)),
            pl.BlockSpec((1, D), lambda i: (0, 0)),
        ],
        out_specs=pl.BlockSpec((BLK, D), lambda i: (i, 0)),
        out_shape=jax.ShapeDtypeStruct((N, D), jnp.float32),
    )(z, degp, b.reshape(1, D))

    return out

# --- scband reference (transcript-rebuilt; emitter-appended) ---
"""Pipeline reference for scband-gcnatpconv-62723702391589 (READ-ONLY COPY).

The authoritative reference and input builder live on the scoring server;
editing this copy changes nothing except your own understanding.
"""

import jax, jax.numpy as jnp
import numpy as np

N = 10000
E = 320000
D_IN = 128
D_OUT = 128
R = 0.5


def setup_inputs(seed: int = 0) -> dict:
    key = jax.random.key(seed)
    k1, k2, k3, k4 = jax.random.split(key, 4)
    x = jax.random.normal(k1, (N, D_IN), dtype=jnp.float32)
    edge_index = jax.random.randint(k2, (2, E), 0, N, dtype=jnp.int32)
    # Linear layer params (torch nn.Linear: y = x @ W.T + b)
    bound = 1.0 / np.sqrt(D_IN)
    W = jax.random.uniform(k3, (D_OUT, D_IN), dtype=jnp.float32, minval=-bound, maxval=bound)
    b = jax.random.uniform(k4, (D_OUT,), dtype=jnp.float32, minval=-bound, maxval=bound)
    return {"x": x, "edge_index": edge_index, "W": W, "b": b}


def reference(x, edge_index, W, b):
    # to_torch_sparse_tensor(edge_index): COO adjacency A with A[row, col] = 1
    row = edge_index[0]
    col = edge_index[1]
    # adj_norm(A, norm='attn', exponent=r): generalized degree normalization
    #   A_norm = D^{-r} A D^{-(1-r)}  (degree computed from adjacency rows)
    deg = jnp.zeros((N,), dtype=x.dtype).at[row].add(1.0)
    deg = jnp.clip(deg, 1.0)
    w_edge = jnp.power(deg[row], -R) * jnp.power(deg[col], -(1.0 - R))
    # A_norm @ x : gather source features, scale, scatter-add to destination rows
    msg = x[col] * w_edge[:, None]
    agg = jax.ops.segment_sum(msg, row, num_segments=N)
    # self.lin(...)
    return agg @ W.T + b

if __name__ == "__main__":
    import jax
    _d = setup_inputs()
    print(jax.jit(kernel)(*tuple(_d.values())))

</pallas_src>

<mosaic_0001>
#map = affine_map<(d0, d1) -> (0, 0, 0)>
#map1 = affine_map<(d0, d1) -> (0, 0)>
module attributes {stable_mosaic.version = 14 : i64} {
  func.func @_deg_kernel(%arg0: i32, %arg1: i32, %arg2: memref<16x250x80xi32, #tpu.memory_space<hbm>>, %arg3: memref<32x10240xf32, #tpu.memory_space<hbm>>, %arg4: memref<125x80xi32, #tpu.memory_space<vmem>>, %arg5: memref<10240xf32, #tpu.memory_space<vmem>>) attributes {dimension_semantics = [#tpu.dimension_semantics<core_parallel>, #tpu.dimension_semantics<subcore_parallel>], iteration_bounds = array<i64: 2, 16>, scalar_prefetch = 0 : i64, scratch_operands = 2 : i64, tpu.core_type = #tpu.core_type<sc_vector_subcore>, window_params = [{transform_indices = #map}, {transform_indices = #map1}]} {
    %mul3A = arith.constant 2 : i32
    %mul3A_0 = arith.muli %arg1, %mul3A : i32
    %add3A = arith.addi %mul3A_0, %arg0 : i32
    %jit3A = arith.constant 2 : i32
    %div3A = arith.divsi %add3A, %jit3A : i32
    %sign3A = arith.constant 0 : i32
    %sign3A_1 = arith.cmpi sgt, %add3A, %sign3A : i32
    %sign3A_2 = arith.extui %sign3A_1 : i1 to i32
    %sign3A_3 = arith.constant 0 : i32
    %sign3A_4 = arith.cmpi slt, %add3A, %sign3A_3 : i32
    %sign3A_5 = arith.extui %sign3A_4 : i1 to i32
    %sign3A_6 = arith.subi %sign3A_2, %sign3A_5 : i32
    %sign3A_7 = arith.constant 0 : i32
    %sign3A_8 = arith.cmpi sgt, %jit3A, %sign3A_7 : i32
    %sign3A_9 = arith.extui %sign3A_8 : i1 to i32
    %sign3A_10 = arith.constant 0 : i32
    %sign3A_11 = arith.cmpi slt, %jit3A, %sign3A_10 : i32
    %sign3A_12 = arith.extui %sign3A_11 : i1 to i32
    %sign3A_13 = arith.subi %sign3A_9, %sign3A_12 : i32
    %ne3A = arith.cmpi ne, %sign3A_6, %sign3A_13 : i32
    %rem3A = arith.remsi %add3A, %jit3A : i32
    %ne3A_14 = arith.constant 0 : i32
    %ne3A_15 = arith.cmpi ne, %rem3A, %ne3A_14 : i32
    %and3A = arith.andi %ne3A, %ne3A_15 : i1
    %sub3A = arith.constant 1 : i32
    %sub3A_16 = arith.subi %div3A, %sub3A : i32
    %select_n3A = arith.select %and3A, %sub3A_16, %div3A : i32
    %jit3A_17 = arith.constant 2 : i32
    %eq3A = arith.constant 0 : i32
    %eq3A_18 = arith.cmpi eq, %jit3A_17, %eq3A : i32
    %jit3A_19 = arith.constant 1 : i32
    %select_n3A_20 = arith.select %eq3A_18, %jit3A_19, %jit3A_17 : i32
    %rem3A_21 = arith.remsi %add3A, %select_n3A_20 : i32
    %ne3A_22 = arith.constant 0 : i32
    %ne3A_23 = arith.cmpi ne, %rem3A_21, %ne3A_22 : i32
    %lt3A = arith.constant 0 : i32
    %lt3A_24 = arith.cmpi slt, %rem3A_21, %lt3A : i32
    %lt3A_25 = arith.constant 0 : i32
    %lt3A_26 = arith.cmpi slt, %select_n3A_20, %lt3A_25 : i32
    %ne3A_27 = arith.xori %lt3A_24, %lt3A_26 : i1
    %and3A_28 = arith.andi %ne3A_27, %ne3A_23 : i1
    %add3A_29 = arith.addi %rem3A_21, %select_n3A_20 : i32
    %select_n3A_30 = arith.select %and3A_28, %add3A_29, %rem3A_21 : i32
    %mul3A_31 = arith.constant 125 : i32
    %mul3A_32 = arith.muli %select_n3A_30, %mul3A_31 : i32
    "tpu.region"() ({
      %run_scoped3A = tpu.sem_alloc : memref<!tpu.dma_semaphore, #tpu.memory_space<semaphore_mem>>
      %dma_start3A = arith.constant 0 : i32
      %dma_start3A_44 = tpu.memref_slice %arg2[%select_n3A, %mul3A_32, %dma_start3A] : memref<16x250x80xi32, #tpu.memory_space<hbm>> -> memref<1x125x80xi32, #tpu.memory_space<hbm>>
      %dma_start3A_45 = tpu.memref_squeeze %dma_start3A_44 : memref<1x125x80xi32, #tpu.memory_space<hbm>> -> memref<125x80xi32, #tpu.memory_space<hbm>>
      %dma_start3A_46 = arith.constant 0 : i32
      %dma_start3A_47 = tpu.memref_slice %arg2[%select_n3A, %mul3A_32, %dma_start3A_46] : memref<16x250x80xi32, #tpu.memory_space<hbm>> -> memref<1x125x80xi32, #tpu.memory_space<hbm>>
      %dma_start3A_48 = tpu.memref_squeeze %dma_start3A_47 : memref<1x125x80xi32, #tpu.memory_space<hbm>> -> memref<125x80xi32, #tpu.memory_space<hbm>>
      tpu.enqueue_dma source(%dma_start3A_48 : memref<125x80xi32, #tpu.memory_space<hbm>>) target(%arg4 : memref<125x80xi32, #tpu.memory_space<vmem>>) target_semaphore(%run_scoped3A : memref<!tpu.dma_semaphore, #tpu.memory_space<semaphore_mem>>)
      %dma_wait3A = arith.constant 0 : i32
      %dma_wait3A_49 = tpu.memref_slice %arg2[%select_n3A, %mul3A_32, %dma_wait3A] : memref<16x250x80xi32, #tpu.memory_space<hbm>> -> memref<1x125x80xi32, #tpu.memory_space<hbm>>
      %dma_wait3A_50 = tpu.memref_squeeze %dma_wait3A_49 : memref<1x125x80xi32, #tpu.memory_space<hbm>> -> memref<125x80xi32, #tpu.memory_space<hbm>>
      %dma_wait3A_51 = arith.constant 0 : i32
      %dma_wait3A_52 = tpu.memref_slice %arg2[%select_n3A, %mul3A_32, %dma_wait3A_51] : memref<16x250x80xi32, #tpu.memory_space<hbm>> -> memref<1x125x80xi32, #tpu.memory_space<hbm>>
      %dma_wait3A_53 = tpu.memref_squeeze %dma_wait3A_52 : memref<1x125x80xi32, #tpu.memory_space<hbm>> -> memref<125x80xi32, #tpu.memory_space<hbm>>
      tpu.wait_dma2 semaphore(%run_scoped3A : memref<!tpu.dma_semaphore, #tpu.memory_space<semaphore_mem>>) src(%dma_wait3A_53 : memref<125x80xi32, #tpu.memory_space<hbm>>) dst(%arg4 : memref<125x80xi32, #tpu.memory_space<vmem>>)
      tpu.yield
    }) : () -> ()
    %scan3A = arith.constant 0 : i32
    %scan3A_33 = arith.constant 0 : i32
    %scan3A_34 = arith.constant 640 : i32
    %scan3A_35 = arith.addi %scan3A_33, %scan3A_34 : i32
    %scan3A_36 = arith.constant 1 : i32
    scf.for %scan3A_44 = %scan3A_33 to %scan3A_35 step %scan3A_36  : i32 {
      %broadcast_in_dim3A = arith.constant 0.000000e+00 : f32
      %broadcast_in_dim3A_45 = vector.broadcast %broadcast_in_dim3A : f32 to vector<16xf32>
      %mul3A_46 = arith.constant 16 : i32
      %mul3A_47 = arith.muli %scan3A_44, %mul3A_46 : i32
      %swap3A = arith.index_cast %mul3A_47 : i32 to index
      %swap3A_48 = tpu.vector_load %arg5[%swap3A] {strides = array<i32>} : memref<10240xf32, #tpu.memory_space<vmem>>, vector<16xf32>,
      tpu.vector_store %arg5[%swap3A], %broadcast_in_dim3A_45 {strides = array<i32>} : memref<10240xf32, #tpu.memory_space<vmem>>, vector<16xf32>,
    }
    %scan3A_37 = arith.constant 640 : i32
    %scan3A_38 = arith.constant 0 : i32
    %scan3A_39 = arith.constant 0 : i32
    %scan3A_40 = arith.constant 25 : i32
    %scan3A_41 = arith.addi %scan3A_39, %scan3A_40 : i32
    %scan3A_42 = arith.constant 1 : i32
    scf.for %scan3A_44 = %scan3A_39 to %scan3A_41 step %scan3A_42  : i32 {
      %mul3A_45 = arith.constant 5 : i32
      %mul3A_46 = arith.muli %scan3A_44, %mul3A_45 : i32
      %add3A_47 = arith.constant 0 : i32
      %add3A_48 = arith.addi %mul3A_46, %add3A_47 : i32
      %get3A = arith.index_cast %add3A_48 : i32 to index
      %get3A_49 = arith.constant 0 : index
      %get3A_50 = tpu.vector_load %arg4[%get3A, %get3A_49] {strides = array<i32>} : memref<125x80xi32, #tpu.memory_space<vmem>>, vector<16xi32>,
      %broadcast_in_dim3A = arith.constant true
      %broadcast_in_dim3A_51 = vector.broadcast %broadcast_in_dim3A : i1 to vector<16xi1>
      %unique3A, %unique3A_52 = tpu.scan_count mask(%broadcast_in_dim3A_51 : vector<16xi1>) value(%get3A_50 : vector<16xi32>) : vector<16xi1>, vector<16xi32>
      %convert_element_type3A = arith.sitofp %unique3A_52 : vector<16xi32> to vector<16xf32>
      tpu.vector_store_idx %arg5[%get3A_50], %convert_element_type3A masked %unique3A {add = true} : memref<10240xf32, #tpu.memory_space<vmem>>[vector<16xi32>], vector<16xf32>, vector<16xi1>
      %get3A_53 = arith.index_cast %add3A_48 : i32 to index
      %get3A_54 = arith.constant 16 : index
      %get3A_55 = tpu.vector_load %arg4[%get3A_53, %get3A_54] {strides = array<i32>} : memref<125x80xi32, #tpu.memory_space<vmem>>, vector<16xi32>,
      %broadcast_in_dim3A_56 = arith.constant true
      %broadcast_in_dim3A_57 = vector.broadcast %broadcast_in_dim3A_56 : i1 to vector<16xi1>
      %unique3A_58, %unique3A_59 = tpu.scan_count mask(%broadcast_in_dim3A_57 : vector<16xi1>) value(%get3A_55 : vector<16xi32>) : vector<16xi1>, vector<16xi32>
      %convert_element_type3A_60 = arith.sitofp %unique3A_59 : vector<16xi32> to vector<16xf32>
      tpu.vector_store_idx %arg5[%get3A_55], %convert_element_type3A_60 masked %unique3A_58 {add = true} : memref<10240xf32, #tpu.memory_space<vmem>>[vector<16xi32>], vector<16xf32>, vector<16xi1>
      %get3A_61 = arith.index_cast %add3A_48 : i32 to index
      %get3A_62 = arith.constant 32 : index
      %get3A_63 = tpu.vector_load %arg4[%get3A_61, %get3A_62] {strides = array<i32>} : memref<125x80xi32, #tpu.memory_space<vmem>>, vector<16xi32>,
      %broadcast_in_dim3A_64 = arith.constant true
      %broadcast_in_dim3A_65 = vector.broadcast %broadcast_in_dim3A_64 : i1 to vector<16xi1>
      %unique3A_66, %unique3A_67 = tpu.scan_count mask(%broadcast_in_dim3A_65 : vector<16xi1>) value(%get3A_63 : vector<16xi32>) : vector<16xi1>, vector<16xi32>
      %convert_element_type3A_68 = arith.sitofp %unique3A_67 : vector<16xi32> to vector<16xf32>
      tpu.vector_store_idx %arg5[%get3A_63], %convert_element_type3A_68 masked %unique3A_66 {add = true} : memref<10240xf32, #tpu.memory_space<vmem>>[vector<16xi32>], vector<16xf32>, vector<16xi1>
      %get3A_69 = arith.index_cast %add3A_48 : i32 to index
      %get3A_70 = arith.constant 48 : index
      %get3A_71 = tpu.vector_load %arg4[%get3A_69, %get3A_70] {strides = array<i32>} : memref<125x80xi32, #tpu.memory_space<vmem>>, vector<16xi32>,
      %broadcast_in_dim3A_72 = arith.constant true
      %broadcast_in_dim3A_73 = vector.broadcast %broadcast_in_dim3A_72 : i1 to vector<16xi1>
      %unique3A_74, %unique3A_75 = tpu.scan_count mask(%broadcast_in_dim3A_73 : vector<16xi1>) value(%get3A_71 : vector<16xi32>) : vector<16xi1>, vector<16xi32>
      %convert_element_type3A_76 = arith.sitofp %unique3A_75 : vector<16xi32> to vector<16xf32>
      tpu.vector_store_idx %arg5[%get3A_71], %convert_element_type3A_76 masked %unique3A_74 {add = true} : memref<10240xf32, #tpu.memory_space<vmem>>[vector<16xi32>], vector<16xf32>, vector<16xi1>
      %get3A_77 = arith.index_cast %add3A_48 : i32 to index
      %get3A_78 = arith.constant 64 : index
      %get3A_79 = tpu.vector_load %arg4[%get3A_77, %get3A_78] {strides = array<i32>} : memref<125x80xi32, #tpu.memory_space<vmem>>, vector<16xi32>,
      %broadcast_in_dim3A_80 = arith.constant true
      %broadcast_in_dim3A_81 = vector.broadcast %broadcast_in_dim3A_80 : i1 to vector<16xi1>
      %unique3A_82, %unique3A_83 = tpu.scan_count mask(%broadcast_in_dim3A_81 : vector<16xi1>) value(%get3A_79 : vector<16xi32>) : vector<16xi1>, vector<16xi32>
      %convert_element_type3A_84 = arith.sitofp %unique3A_83 : vector<16xi32> to vector<16xf32>
      tpu.vector_store_idx %arg5[%get3A_79], %convert_element_type3A_84 masked %unique3A_82 {add = true} : memref<10240xf32, #tpu.memory_space<vmem>>[vector<16xi32>], vector<16xf32>, vector<16xi1>
      %mul3A_85 = arith.constant 5 : i32
      %mul3A_86 = arith.muli %scan3A_44, %mul3A_85 : i32
      %add3A_87 = arith.constant 1 : i32
      %add3A_88 = arith.addi %mul3A_86, %add3A_87 : i32
      %get3A_89 = arith.index_cast %add3A_88 : i32 to index
      %get3A_90 = arith.constant 0 : index
      %get3A_91 = tpu.vector_load %arg4[%get3A_89, %get3A_90] {strides = array<i32>} : memref<125x80xi32, #tpu.memory_space<vmem>>, vector<16xi32>,
      %broadcast_in_dim3A_92 = arith.constant true
      %broadcast_in_dim3A_93 = vector.broadcast %broadcast_in_dim3A_92 : i1 to vector<16xi1>
      %unique3A_94, %unique3A_95 = tpu.scan_count mask(%broadcast_in_dim3A_93 : vector<16xi1>) value(%get3A_91 : vector<16xi32>) : vector<16xi1>, vector<16xi32>
      %convert_element_type3A_96 = arith.sitofp %unique3A_95 : vector<16xi32> to vector<16xf32>
      tpu.vector_store_idx %arg5[%get3A_91], %convert_element_type3A_96 masked %unique3A_94 {add = true} : memref<10240xf32, #tpu.memory_space<vmem>>[vector<16xi32>], vector<16xf32>, vector<16xi1>
      %get3A_97 = arith.index_cast %add3A_88 : i32 to index
      %get3A_98 = arith.constant 16 : index
      %get3A_99 = tpu.vector_load %arg4[%get3A_97, %get3A_98] {strides = array<i32>} : memref<125x80xi32, #tpu.memory_space<vmem>>, vector<16xi32>,
      %broadcast_in_dim3A_100 = arith.constant true
      %broadcast_in_dim3A_101 = vector.broadcast %broadcast_in_dim3A_100 : i1 to vector<16xi1>
      %unique3A_102, %unique3A_103 = tpu.scan_count mask(%broadcast_in_dim3A_101 : vector<16xi1>) value(%get3A_99 : vector<16xi32>) : vector<16xi1>, vector<16xi32>
      %convert_element_type3A_104 = arith.sitofp %unique3A_103 : vector<16xi32> to vector<16xf32>
      tpu.vector_store_idx %arg5[%get3A_99], %convert_element_type3A_104 masked %unique3A_102 {add = true} : memref<10240xf32, #tpu.memory_space<vmem>>[vector<16xi32>], vector<16xf32>, vector<16xi1>
      %get3A_105 = arith.index_cast %add3A_88 : i32 to index
      %get3A_106 = arith.constant 32 : index
      %get3A_107 = tpu.vector_load %arg4[%get3A_105, %get3A_106] {strides = array<i32>} : memref<125x80xi32, #tpu.memory_space<vmem>>, vector<16xi32>,
      %broadcast_in_dim3A_108 = arith.constant true
      %broadcast_in_dim3A_109 = vector.broadcast %broadcast_in_dim3A_108 : i1 to vector<16xi1>
      %unique3A_110, %unique3A_111 = tpu.scan_count mask(%broadcast_in_dim3A_109 : vector<16xi1>) value(%get3A_107 : vector<16xi32>) : vector<16xi1>, vector<16xi32>
      %convert_element_type3A_112 = arith.sitofp %unique3A_111 : vector<16xi32> to vector<16xf32>
      tpu.vector_store_idx %arg5[%get3A_107], %convert_element_type3A_112 masked %unique3A_110 {add = true} : memref<10240xf32, #tpu.memory_space<vmem>>[vector<16xi32>], vector<16xf32>, vector<16xi1>
      %get3A_113 = arith.index_cast %add3A_88 : i32 to index
      %get3A_114 = arith.constant 48 : index
      %get3A_115 = tpu.vector_load %arg4[%get3A_113, %get3A_114] {strides = array<i32>} : memref<125x80xi32, #tpu.memory_space<vmem>>, vector<16xi32>,
      %broadcast_in_dim3A_116 = arith.constant true
      %broadcast_in_dim3A_117 = vector.broadcast %broadcast_in_dim3A_116 : i1 to vector<16xi1>
      %unique3A_118, %unique3A_119 = tpu.scan_count mask(%broadcast_in_dim3A_117 : vector<16xi1>) value(%get3A_115 : vector<16xi32>) : vector<16xi1>, vector<16xi32>
      %convert_element_type3A_120 = arith.sitofp %unique3A_119 : vector<16xi32> to vector<16xf32>
      tpu.vector_store_idx %arg5[%get3A_115], %convert_element_type3A_120 masked %unique3A_118 {add = true} : memref<10240xf32, #tpu.memory_space<vmem>>[vector<16xi32>], vector<16xf32>, vector<16xi1>
      %get3A_121 = arith.index_cast %add3A_88 : i32 to index
      %get3A_122 = arith.constant 64 : index
      %get3A_123 = tpu.vector_load %arg4[%get3A_121, %get3A_122] {strides = array<i32>} : memref<125x80xi32, #tpu.memory_space<vmem>>, vector<16xi32>,
      %broadcast_in_dim3A_124 = arith.constant true
      %broadcast_in_dim3A_125 = vector.broadcast %broadcast_in_dim3A_124 : i1 to vector<16xi1>
      %unique3A_126, %unique3A_127 = tpu.scan_count mask(%broadcast_in_dim3A_125 : vector<16xi1>) value(%get3A_123 : vector<16xi32>) : vector<16xi1>, vector<16xi32>
      %convert_element_type3A_128 = arith.sitofp %unique3A_127 : vector<16xi32> to vector<16xf32>
      tpu.vector_store_idx %arg5[%get3A_123], %convert_element_type3A_128 masked %unique3A_126 {add = true} : memref<10240xf32, #tpu.memory_space<vmem>>[vector<16xi32>], vector<16xf32>, vector<16xi1>
      %mul3A_129 = arith.constant 5 : i32
      %mul3A_130 = arith.muli %scan3A_44, %mul3A_129 : i32
      %add3A_131 = arith.constant 2 : i32
      %add3A_132 = arith.addi %mul3A_130, %add3A_131 : i32
      %get3A_133 = arith.index_cast %add3A_132 : i32 to index
      %get3A_134 = arith.constant 0 : index
      %get3A_135 = tpu.vector_load %arg4[%get3A_133, %get3A_134] {strides = array<i32>} : memref<125x80xi32, #tpu.memory_space<vmem>>, vector<16xi32>,
      %broadcast_in_dim3A_136 = arith.constant true
      %broadcast_in_dim3A_137 = vector.broadcast %broadcast_in_dim3A_136 : i1 to vector<16xi1>
      %unique3A_138, %unique3A_139 = tpu.scan_count mask(%broadcast_in_dim3A_137 : vector<16xi1>) value(%get3A_135 : vector<16xi32>) : vector<16xi1>, vector<16xi32>
      %convert_element_type3A_140 = arith.sitofp %unique3A_139 : vector<16xi32> to vector<16xf32>
      tpu.vector_store_idx %arg5[%get3A_135], %convert_element_type3A_140 masked %unique3A_138 {add = true} : memref<10240xf32, #tpu.memory_space<vmem>>[vector<16xi32>], vector<16xf32>, vector<16xi1>
      %get3A_141 = arith.index_cast %add3A_132 : i32 to index
      %get3A_142 = arith.constant 16 : index
      %get3A_143 = tpu.vector_load %arg4[%get3A_141, %get3A_142] {strides = array<i32>} : memref<125x80xi32, #tpu.memory_space<vmem>>, vector<16xi32>,
      %broadcast_in_dim3A_144 = arith.constant true
      %broadcast_in_dim3A_145 = vector.broadcast %broadcast_in_dim3A_144 : i1 to vector<16xi1>
      %unique3A_146, %unique3A_147 = tpu.scan_count mask(%broadcast_in_dim3A_145 : vector<16xi1>) value(%get3A_143 : vector<16xi32>) : vector<16xi1>, vector<16xi32>
      %convert_element_type3A_148 = arith.sitofp %unique3A_147 : vector<16xi32> to vector<16xf32>
      tpu.vector_store_idx %arg5[%get3A_143], %convert_element_type3A_148 masked %unique3A_146 {add = true} : memref<10240xf32, #tpu.memory_space<vmem>>[vector<16xi32>], vector<16xf32>, vector<16xi1>
      %get3A_149 = arith.index_cast %add3A_132 : i32 to index
      %get3A_150 = arith.constant 32 : index
      %get3A_151 = tpu.vector_load %arg4[%get3A_149, %get3A_150] {strides = array<i32>} : memref<125x80xi32, #tpu.memory_space<vmem>>, vector<16xi32>,
      %broadcast_in_dim3A_152 = arith.constant true
      %broadcast_in_dim3A_153 = vector.broadcast %broadcast_in_dim3A_152 : i1 to vector<16xi1>
      %unique3A_154, %unique3A_155 = tpu.scan_count mask(%broadcast_in_dim3A_153 : vector<16xi1>) value(%get3A_151 : vector<16xi32>) : vector<16xi1>, vector<16xi32>
      %convert_element_type3A_156 = arith.sitofp %unique3A_155 : vector<16xi32> to vector<16xf32>
      tpu.vector_store_idx %arg5[%get3A_151], %convert_element_type3A_156 masked %unique3A_154 {add = true} : memref<10240xf32, #tpu.memory_space<vmem>>[vector<16xi32>], vector<16xf32>, vector<16xi1>
      %get3A_157 = arith.index_cast %add3A_132 : i32 to index
      %get3A_158 = arith.constant 48 : index
      %get3A_159 = tpu.vector_load %arg4[%get3A_157, %get3A_158] {strides = array<i32>} : memref<125x80xi32, #tpu.memory_space<vmem>>, vector<16xi32>,
      %broadcast_in_dim3A_160 = arith.constant true
      %broadcast_in_dim3A_161 = vector.broadcast %broadcast_in_dim3A_160 : i1 to vector<16xi1>
      %unique3A_162, %unique3A_163 = tpu.scan_count mask(%broadcast_in_dim3A_161 : vector<16xi1>) value(%get3A_159 : vector<16xi32>) : vector<16xi1>, vector<16xi32>
      %convert_element_type3A_164 = arith.sitofp %unique3A_163 : vector<16xi32> to vector<16xf32>
      tpu.vector_store_idx %arg5[%get3A_159], %convert_element_type3A_164 masked %unique3A_162 {add = true} : memref<10240xf32, #tpu.memory_space<vmem>>[vector<16xi32>], vector<16xf32>, vector<16xi1>
      %get3A_165 = arith.index_cast %add3A_132 : i32 to index
      %get3A_166 = arith.constant 64 : index
      %get3A_167 = tpu.vector_load %arg4[%get3A_165, %get3A_166] {strides = array<i32>} : memref<125x80xi32, #tpu.memory_space<vmem>>, vector<16xi32>,
      %broadcast_in_dim3A_168 = arith.constant true
      %broadcast_in_dim3A_169 = vector.broadcast %broadcast_in_dim3A_168 : i1 to vector<16xi1>
      %unique3A_170, %unique3A_171 = tpu.scan_count mask(%broadcast_in_dim3A_169 : vector<16xi1>) value(%get3A_167 : vector<16xi32>) : vector<16xi1>, vector<16xi32>
      %convert_element_type3A_172 = arith.sitofp %unique3A_171 : vector<16xi32> to vector<16xf32>
      tpu.vector_store_idx %arg5[%get3A_167], %convert_element_type3A_172 masked %unique3A_170 {add = true} : memref<10240xf32, #tpu.memory_space<vmem>>[vector<16xi32>], vector<16xf32>, vector<16xi1>
      %mul3A_173 = arith.constant 5 : i32
      %mul3A_174 = arith.muli %scan3A_44, %mul3A_173 : i32
      %add3A_175 = arith.constant 3 : i32
      %add3A_176 = arith.addi %mul3A_174, %add3A_175 : i32
      %get3A_177 = arith.index_cast %add3A_176 : i32 to index
      %get3A_178 = arith.constant 0 : index
      %get3A_179 = tpu.vector_load %arg4[%get3A_177, %get3A_178] {strides = array<i32>} : memref<125x80xi32, #tpu.memory_space<vmem>>, vector<16xi32>,
      %broadcast_in_dim3A_180 = arith.constant true
      %broadcast_in_dim3A_181 = vector.broadcast %broadcast_in_dim3A_180 : i1 to vector<16xi1>
      %unique3A_182, %unique3A_183 = tpu.scan_count mask(%broadcast_in_dim3A_181 : vector<16xi1>) value(%get3A_179 : vector<16xi32>) : vector<16xi1>, vector<16xi32>
      %convert_element_type3A_184 = arith.sitofp %unique3A_183 : vector<16xi32> to vector<16xf32>
      tpu.vector_store_idx %arg5[%get3A_179], %convert_element_type3A_184 masked %unique3A_182 {add = true} : memref<10240xf32, #tpu.memory_space<vmem>>[vector<16xi32>], vector<16xf32>, vector<16xi1>
      %get3A_185 = arith.index_cast %add3A_176 : i32 to index
      %get3A_186 = arith.constant 16 : index
      %get3A_187 = tpu.vector_load %arg4[%get3A_185, %get3A_186] {strides = array<i32>} : memref<125x80xi32, #tpu.memory_space<vmem>>, vector<16xi32>,
      %broadcast_in_dim3A_188 = arith.constant true
      %broadcast_in_dim3A_189 = vector.broadcast %broadcast_in_dim3A_188 : i1 to vector<16xi1>
      %unique3A_190, %unique3A_191 = tpu.scan_count mask(%broadcast_in_dim3A_189 : vector<16xi1>) value(%get3A_187 : vector<16xi32>) : vector<16xi1>, vector<16xi32>
      %convert_element_type3A_192 = arith.sitofp %unique3A_191 : vector<16xi32> to vector<16xf32>
      tpu.vector_store_idx %arg5[%get3A_187], %convert_element_type3A_192 masked %unique3A_190 {add = true} : memref<10240xf32, #tpu.memory_space<vmem>>[vector<16xi32>], vector<16xf32>, vector<16xi1>
      %get3A_193 = arith.index_cast %add3A_176 : i32 to index
      %get3A_194 = arith.constant 32 : index
      %get3A_195 = tpu.vector_load %arg4[%get3A_193, %get3A_194] {strides = array<i32>} : memref<125x80xi32, #tpu.memory_space<vmem>>, vector<16xi32>,
      %broadcast_in_dim3A_196 = arith.constant true
      %broadcast_in_dim3A_197 = vector.broadcast %broadcast_in_dim3A_196 : i1 to vector<16xi1>
      %unique3A_198, %unique3A_199 = tpu.scan_count mask(%broadcast_in_dim3A_197 : vector<16xi1>) value(%get3A_195 : vector<16xi32>) : vector<16xi1>, vector<16xi32>
      %convert_element_type3A_200 = arith.sitofp %unique3A_199 : vector<16xi32> to vector<16xf32>
      tpu.vector_store_idx %arg5[%get3A_195], %convert_element_type3A_200 masked %unique3A_198 {add = true} : memref<10240xf32, #tpu.memory_space<vmem>>[vector<16xi32>], vector<16xf32>, vector<16xi1>
      %get3A_201 = arith.index_cast %add3A_176 : i32 to index
      %get3A_202 = arith.constant 48 : index
      %get3A_203 = tpu.vector_load %arg4[%get3A_201, %get3A_202] {strides = array<i32>} : memref<125x80xi32, #tpu.memory_space<vmem>>, vector<16xi32>,
      %broadcast_in_dim3A_204 = arith.constant true
      %broadcast_in_dim3A_205 = vector.broadcast %broadcast_in_dim3A_204 : i1 to vector<16xi1>
      %unique3A_206, %unique3A_207 = tpu.scan_count mask(%broadcast_in_dim3A_205 : vector<16xi1>) value(%get3A_203 : vector<16xi32>) : vector<16xi1>, vector<16xi32>
      %convert_element_type3A_208 = arith.sitofp %unique3A_207 : vector<16xi32> to vector<16xf32>
      tpu.vector_store_idx %arg5[%get3A_203], %convert_element_type3A_208 masked %unique3A_206 {add = true} : memref<10240xf32, #tpu.memory_space<vmem>>[vector<16xi32>], vector<16xf32>, vector<16xi1>
      %get3A_209 = arith.index_cast %add3A_176 : i32 to index
      %get3A_210 = arith.constant 64 : index
      %get3A_211 = tpu.vector_load %arg4[%get3A_209, %get3A_210] {strides = array<i32>} : memref<125x80xi32, #tpu.memory_space<vmem>>, vector<16xi32>,
      %broadcast_in_dim3A_212 = arith.constant true
      %broadcast_in_dim3A_213 = vector.broadcast %broadcast_in_dim3A_212 : i1 to vector<16xi1>
      %unique3A_214, %unique3A_215 = tpu.scan_count mask(%broadcast_in_dim3A_213 : vector<16xi1>) value(%get3A_211 : vector<16xi32>) : vector<16xi1>, vector<16xi32>
      %convert_element_type3A_216 = arith.sitofp %unique3A_215 : vector<16xi32> to vector<16xf32>
      tpu.vector_store_idx %arg5[%get3A_211], %convert_element_type3A_216 masked %unique3A_214 {add = true} : memref<10240xf32, #tpu.memory_space<vmem>>[vector<16xi32>], vector<16xf32>, vector<16xi1>
      %mul3A_217 = arith.constant 5 : i32
      %mul3A_218 = arith.muli %scan3A_44, %mul3A_217 : i32
      %add3A_219 = arith.constant 4 : i32
      %add3A_220 = arith.addi %mul3A_218, %add3A_219 : i32
      %get3A_221 = arith.index_cast %add3A_220 : i32 to index
      %get3A_222 = arith.constant 0 : index
      %get3A_223 = tpu.vector_load %arg4[%get3A_221, %get3A_222] {strides = array<i32>} : memref<125x80xi32, #tpu.memory_space<vmem>>, vector<16xi32>,
      %broadcast_in_dim3A_224 = arith.constant true
      %broadcast_in_dim3A_225 = vector.broadcast %broadcast_in_dim3A_224 : i1 to vector<16xi1>
      %unique3A_226, %unique3A_227 = tpu.scan_count mask(%broadcast_in_dim3A_225 : vector<16xi1>) value(%get3A_223 : vector<16xi32>) : vector<16xi1>, vector<16xi32>
      %convert_element_type3A_228 = arith.sitofp %unique3A_227 : vector<16xi32> to vector<16xf32>
      tpu.vector_store_idx %arg5[%get3A_223], %convert_element_type3A_228 masked %unique3A_226 {add = true} : memref<10240xf32, #tpu.memory_space<vmem>>[vector<16xi32>], vector<16xf32>, vector<16xi1>
      %get3A_229 = arith.index_cast %add3A_220 : i32 to index
      %get3A_230 = arith.constant 16 : index
      %get3A_231 = tpu.vector_load %arg4[%get3A_229, %get3A_230] {strides = array<i32>} : memref<125x80xi32, #tpu.memory_space<vmem>>, vector<16xi32>,
      %broadcast_in_dim3A_232 = arith.constant true
      %broadcast_in_dim3A_233 = vector.broadcast %broadcast_in_dim3A_232 : i1 to vector<16xi1>
      %unique3A_234, %unique3A_235 = tpu.scan_count mask(%broadcast_in_dim3A_233 : vector<16xi1>) value(%get3A_231 : vector<16xi32>) : vector<16xi1>, vector<16xi32>
      %convert_element_type3A_236 = arith.sitofp %unique3A_235 : vector<16xi32> to vector<16xf32>
      tpu.vector_store_idx %arg5[%get3A_231], %convert_element_type3A_236 masked %unique3A_234 {add = true} : memref<10240xf32, #tpu.memory_space<vmem>>[vector<16xi32>], vector<16xf32>, vector<16xi1>
      %get3A_237 = arith.index_cast %add3A_220 : i32 to index
      %get3A_238 = arith.constant 32 : index
      %get3A_239 = tpu.vector_load %arg4[%get3A_237, %get3A_238] {strides = array<i32>} : memref<125x80xi32, #tpu.memory_space<vmem>>, vector<16xi32>,
      %broadcast_in_dim3A_240 = arith.constant true
      %broadcast_in_dim3A_241 = vector.broadcast %broadcast_in_dim3A_240 : i1 to vector<16xi1>
      %unique3A_242, %unique3A_243 = tpu.scan_count mask(%broadcast_in_dim3A_241 : vector<16xi1>) value(%get3A_239 : vector<16xi32>) : vector<16xi1>, vector<16xi32>
      %convert_element_type3A_244 = arith.sitofp %unique3A_243 : vector<16xi32> to vector<16xf32>
      tpu.vector_store_idx %arg5[%get3A_239], %convert_element_type3A_244 masked %unique3A_242 {add = true} : memref<10240xf32, #tpu.memory_space<vmem>>[vector<16xi32>], vector<16xf32>, vector<16xi1>
      %get3A_245 = arith.index_cast %add3A_220 : i32 to index
      %get3A_246 = arith.constant 48 : index
      %get3A_247 = tpu.vector_load %arg4[%get3A_245, %get3A_246] {strides = array<i32>} : memref<125x80xi32, #tpu.memory_space<vmem>>, vector<16xi32>,
      %broadcast_in_dim3A_248 = arith.constant true
      %broadcast_in_dim3A_249 = vector.broadcast %broadcast_in_dim3A_248 : i1 to vector<16xi1>
      %unique3A_250, %unique3A_251 = tpu.scan_count mask(%broadcast_in_dim3A_249 : vector<16xi1>) value(%get3A_247 : vector<16xi32>) : vector<16xi1>, vector<16xi32>
      %convert_element_type3A_252 = arith.sitofp %unique3A_251 : vector<16xi32> to vector<16xf32>
      tpu.vector_store_idx %arg5[%get3A_247], %convert_element_type3A_252 masked %unique3A_250 {add = true} : memref<10240xf32, #tpu.memory_space<vmem>>[vector<16xi32>], vector<16xf32>, vector<16xi1>
      %get3A_253 = arith.index_cast %add3A_220 : i32 to index
      %get3A_254 = arith.constant 64 : index
      %get3A_255 = tpu.vector_load %arg4[%get3A_253, %get3A_254] {strides = array<i32>} : memref<125x80xi32, #tpu.memory_space<vmem>>, vector<16xi32>,
      %broadcast_in_dim3A_256 = arith.constant true
      %broadcast_in_dim3A_257 = vector.broadcast %broadcast_in_dim3A_256 : i1 to vector<16xi1>
      %unique3A_258, %unique3A_259 = tpu.scan_count mask(%broadcast_in_dim3A_257 : vector<16xi1>) value(%get3A_255 : vector<16xi32>) : vector<16xi1>, vector<16xi32>
      %convert_element_type3A_260 = arith.sitofp %unique3A_259 : vector<16xi32> to vector<16xf32>
      tpu.vector_store_idx %arg5[%get3A_255], %convert_element_type3A_260 masked %unique3A_258 {add = true} : memref<10240xf32, #tpu.memory_space<vmem>>[vector<16xi32>], vector<16xf32>, vector<16xi1>
    }
    %scan3A_43 = arith.constant 25 : i32
    "tpu.region"() ({
      %run_scoped3A = tpu.sem_alloc : memref<!tpu.dma_semaphore, #tpu.memory_space<semaphore_mem>>
      %dma_start3A = arith.constant 0 : i32
      %dma_start3A_44 = tpu.memref_slice %arg3[%add3A, %dma_start3A] : memref<32x10240xf32, #tpu.memory_space<hbm>> -> memref<1x10240xf32, #tpu.memory_space<hbm>>
      %dma_start3A_45 = tpu.memref_squeeze %dma_start3A_44 : memref<1x10240xf32, #tpu.memory_space<hbm>> -> memref<10240xf32, #tpu.memory_space<hbm>>
      %dma_start3A_46 = arith.constant 0 : i32
      %dma_start3A_47 = tpu.memref_slice %arg3[%add3A, %dma_start3A_46] : memref<32x10240xf32, #tpu.memory_space<hbm>> -> memref<1x10240xf32, #tpu.memory_space<hbm>>
      %dma_start3A_48 = tpu.memref_squeeze %dma_start3A_47 : memref<1x10240xf32, #tpu.memory_space<hbm>> -> memref<10240xf32, #tpu.memory_space<hbm>>
      tpu.enqueue_dma source(%arg5 : memref<10240xf32, #tpu.memory_space<vmem>>) target(%dma_start3A_48 : memref<10240xf32, #tpu.memory_space<hbm>>) target_semaphore(%run_scoped3A : memref<!tpu.dma_semaphore, #tpu.memory_space<semaphore_mem>>)
      %dma_wait3A = arith.constant 0 : i32
      %dma_wait3A_49 = tpu.memref_slice %arg3[%add3A, %dma_wait3A] : memref<32x10240xf32, #tpu.memory_space<hbm>> -> memref<1x10240xf32, #tpu.memory_space<hbm>>
      %dma_wait3A_50 = tpu.memref_squeeze %dma_wait3A_49 : memref<1x10240xf32, #tpu.memory_space<hbm>> -> memref<10240xf32, #tpu.memory_space<hbm>>
      %dma_wait3A_51 = arith.constant 0 : i32
      %dma_wait3A_52 = tpu.memref_slice %arg3[%add3A, %dma_wait3A_51] : memref<32x10240xf32, #tpu.memory_space<hbm>> -> memref<1x10240xf32, #tpu.memory_space<hbm>>
      %dma_wait3A_53 = tpu.memref_squeeze %dma_wait3A_52 : memref<1x10240xf32, #tpu.memory_space<hbm>> -> memref<10240xf32, #tpu.memory_space<hbm>>
      tpu.wait_dma2 semaphore(%run_scoped3A : memref<!tpu.dma_semaphore, #tpu.memory_space<semaphore_mem>>) src(%arg5 : memref<10240xf32, #tpu.memory_space<vmem>>) dst(%dma_wait3A_53 : memref<10240xf32, #tpu.memory_space<hbm>>)
      tpu.yield
    }) : () -> ()
    return
  }
}

#map = affine_map<(d0, d1) -> (0, 0)>
#map1 = affine_map<(d0, d1) -> (0, 0, 0)>
module attributes {stable_mosaic.version = 14 : i64} {
  func.func @_agg_kernel(%arg0: i32, %arg1: i32, %arg2: memref<20000x64xf32, #tpu.memory_space<hbm>>, %arg3: memref<16x250x80xi32, #tpu.memory_space<hbm>>, %arg4: memref<16x250x80xi32, #tpu.memory_space<hbm>>, %arg5: memref<10240x128xf32, #tpu.memory_space<hbm>>, %arg6: memref<250x80xi32, #tpu.memory_space<vmem>>, %arg7: memref<250x80xi32, #tpu.memory_space<vmem>>, %arg8: memref<10240x64xf32, #tpu.memory_space<vmem_shared>>, %arg9: memref<80x64xf32, #tpu.memory_space<vmem>>, %arg10: memref<80x64xf32, #tpu.memory_space<vmem>>, %arg11: memref<80x64xf32, #tpu.memory_space<vmem>>, %arg12: memref<80x64xf32, #tpu.memory_space<vmem>>, %arg13: memref<80x64xf32, #tpu.memory_space<vmem>>, %arg14: memref<80x64xf32, #tpu.memory_space<vmem>>, %arg15: memref<80x64xf32, #tpu.memory_space<vmem>>, %arg16: memref<80x64xf32, #tpu.memory_space<vmem>>, %arg17: memref<!tpu.dma_semaphore, #tpu.memory_space<semaphore_mem>>, %arg18: memref<!tpu.dma_semaphore, #tpu.memory_space<semaphore_mem>>, %arg19: memref<!tpu.dma_semaphore, #tpu.memory_space<semaphore_mem>>, %arg20: memref<!tpu.dma_semaphore, #tpu.memory_space<semaphore_mem>>, %arg21: memref<!tpu.dma_semaphore, #tpu.memory_space<semaphore_mem>>, %arg22: memref<!tpu.dma_semaphore, #tpu.memory_space<semaphore_mem>>, %arg23: memref<!tpu.dma_semaphore, #tpu.memory_space<semaphore_mem>>, %arg24: memref<!tpu.dma_semaphore, #tpu.memory_space<semaphore_mem>>, %arg25: memref<!tpu.dma_semaphore, #tpu.memory_space<semaphore_mem>>, %arg26: memref<!tpu.dma_semaphore, #tpu.memory_space<semaphore_mem>>, %arg27: memref<!tpu.dma_semaphore, #tpu.memory_space<semaphore_mem>>, %arg28: memref<!tpu.dma_semaphore, #tpu.memory_space<semaphore_mem>>, %arg29: memref<!tpu.dma_semaphore, #tpu.memory_space<semaphore_mem>>, %arg30: memref<!tpu.dma_semaphore, #tpu.memory_space<semaphore_mem>>, %arg31: memref<!tpu.dma_semaphore, #tpu.memory_space<semaphore_mem>>, %arg32: memref<!tpu.dma_semaphore, #tpu.memory_space<semaphore_mem>>) attributes {dimension_semantics = [#tpu.dimension_semantics<core_parallel>, #tpu.dimension_semantics<subcore_parallel>], iteration_bounds = array<i64: 2, 16>, scalar_prefetch = 0 : i64, scratch_operands = 27 : i64, tpu.core_type = #tpu.core_type<sc_vector_subcore>, window_params = [{transform_indices = #map}, {transform_indices = #map1}, {transform_indices = #map1}, {transform_indices = #map}]} {
    "tpu.region"() ({
      %run_scoped3A = tpu.sem_alloc : memref<!tpu.dma_semaphore, #tpu.memory_space<semaphore_mem>>
      %dma_start3A_318 = arith.constant 0 : i32
      %dma_start3A_319 = arith.constant 0 : i32
      %dma_start3A_320 = tpu.memref_slice %arg3[%arg1, %dma_start3A_318, %dma_start3A_319] : memref<16x250x80xi32, #tpu.memory_space<hbm>> -> memref<1x250x80xi32, #tpu.memory_space<hbm>>
      %dma_start3A_321 = tpu.memref_squeeze %dma_start3A_320 : memref<1x250x80xi32, #tpu.memory_space<hbm>> -> memref<250x80xi32, #tpu.memory_space<hbm>>
      %dma_start3A_322 = arith.constant 0 : i32
      %dma_start3A_323 = arith.constant 0 : i32
      %dma_start3A_324 = tpu.memref_slice %arg3[%arg1, %dma_start3A_322, %dma_start3A_323] : memref<16x250x80xi32, #tpu.memory_space<hbm>> -> memref<1x250x80xi32, #tpu.memory_space<hbm>>
      %dma_start3A_325 = tpu.memref_squeeze %dma_start3A_324 : memref<1x250x80xi32, #tpu.memory_space<hbm>> -> memref<250x80xi32, #tpu.memory_space<hbm>>
      tpu.enqueue_dma source(%dma_start3A_325 : memref<250x80xi32, #tpu.memory_space<hbm>>) target(%arg6 : memref<250x80xi32, #tpu.memory_space<vmem>>) target_semaphore(%run_scoped3A : memref<!tpu.dma_semaphore, #tpu.memory_space<semaphore_mem>>)
      %dma_wait3A_326 = arith.constant 0 : i32
      %dma_wait3A_327 = arith.constant 0 : i32
      %dma_wait3A_328 = tpu.memref_slice %arg3[%arg1, %dma_wait3A_326, %dma_wait3A_327] : memref<16x250x80xi32, #tpu.memory_space<hbm>> -> memref<1x250x80xi32, #tpu.memory_space<hbm>>
      %dma_wait3A_329 = tpu.memref_squeeze %dma_wait3A_328 : memref<1x250x80xi32, #tpu.memory_space<hbm>> -> memref<250x80xi32, #tpu.memory_space<hbm>>
      %dma_wait3A_330 = arith.constant 0 : i32
      %dma_wait3A_331 = arith.constant 0 : i32
      %dma_wait3A_332 = tpu.memref_slice %arg3[%arg1, %dma_wait3A_330, %dma_wait3A_331] : memref<16x250x80xi32, #tpu.memory_space<hbm>> -> memref<1x250x80xi32, #tpu.memory_space<hbm>>
      %dma_wait3A_333 = tpu.memref_squeeze %dma_wait3A_332 : memref<1x250x80xi32, #tpu.memory_space<hbm>> -> memref<250x80xi32, #tpu.memory_space<hbm>>
      tpu.wait_dma2 semaphore(%run_scoped3A : memref<!tpu.dma_semaphore, #tpu.memory_space<semaphore_mem>>) src(%dma_wait3A_333 : memref<250x80xi32, #tpu.memory_space<hbm>>) dst(%arg6 : memref<250x80xi32, #tpu.memory_space<vmem>>)
      tpu.yield
    }) : () -> ()
    "tpu.region"() ({
      %run_scoped3A = tpu.sem_alloc : memref<!tpu.dma_semaphore, #tpu.memory_space<semaphore_mem>>
      %dma_start3A_318 = arith.constant 0 : i32
      %dma_start3A_319 = arith.constant 0 : i32
      %dma_start3A_320 = tpu.memref_slice %arg4[%arg1, %dma_start3A_318, %dma_start3A_319] : memref<16x250x80xi32, #tpu.memory_space<hbm>> -> memref<1x250x80xi32, #tpu.memory_space<hbm>>
      %dma_start3A_321 = tpu.memref_squeeze %dma_start3A_320 : memref<1x250x80xi32, #tpu.memory_space<hbm>> -> memref<250x80xi32, #tpu.memory_space<hbm>>
      %dma_start3A_322 = arith.constant 0 : i32
      %dma_start3A_323 = arith.constant 0 : i32
      %dma_start3A_324 = tpu.memref_slice %arg4[%arg1, %dma_start3A_322, %dma_start3A_323] : memref<16x250x80xi32, #tpu.memory_space<hbm>> -> memref<1x250x80xi32, #tpu.memory_space<hbm>>
      %dma_start3A_325 = tpu.memref_squeeze %dma_start3A_324 : memref<1x250x80xi32, #tpu.memory_space<hbm>> -> memref<250x80xi32, #tpu.memory_space<hbm>>
      tpu.enqueue_dma source(%dma_start3A_325 : memref<250x80xi32, #tpu.memory_space<hbm>>) target(%arg7 : memref<250x80xi32, #tpu.memory_space<vmem>>) target_semaphore(%run_scoped3A : memref<!tpu.dma_semaphore, #tpu.memory_space<semaphore_mem>>)
      %dma_wait3A_326 = arith.constant 0 : i32
      %dma_wait3A_327 = arith.constant 0 : i32
      %dma_wait3A_328 = tpu.memref_slice %arg4[%arg1, %dma_wait3A_326, %dma_wait3A_327] : memref<16x250x80xi32, #tpu.memory_space<hbm>> -> memref<1x250x80xi32, #tpu.memory_space<hbm>>
      %dma_wait3A_329 = tpu.memref_squeeze %dma_wait3A_328 : memref<1x250x80xi32, #tpu.memory_space<hbm>> -> memref<250x80xi32, #tpu.memory_space<hbm>>
      %dma_wait3A_330 = arith.constant 0 : i32
      %dma_wait3A_331 = arith.constant 0 : i32
      %dma_wait3A_332 = tpu.memref_slice %arg4[%arg1, %dma_wait3A_330, %dma_wait3A_331] : memref<16x250x80xi32, #tpu.memory_space<hbm>> -> memref<1x250x80xi32, #tpu.memory_space<hbm>>
      %dma_wait3A_333 = tpu.memref_squeeze %dma_wait3A_332 : memref<1x250x80xi32, #tpu.memory_space<hbm>> -> memref<250x80xi32, #tpu.memory_space<hbm>>
      tpu.wait_dma2 semaphore(%run_scoped3A : memref<!tpu.dma_semaphore, #tpu.memory_space<semaphore_mem>>) src(%dma_wait3A_333 : memref<250x80xi32, #tpu.memory_space<hbm>>) dst(%arg7 : memref<250x80xi32, #tpu.memory_space<vmem>>)
      tpu.yield
    }) : () -> ()
    %scan3A = arith.constant 0 : i32
    %scan3A_0 = arith.constant 0 : i32
    %scan3A_1 = arith.constant 250 : i32
    %scan3A_2 = arith.addi %scan3A_0, %scan3A_1 : i32
    %scan3A_3 = arith.constant 1 : i32
    scf.for %scan3A_318 = %scan3A_0 to %scan3A_2 step %scan3A_3  : i32 {
      %get3A = arith.index_cast %scan3A_318 : i32 to index
      %get3A_319 = arith.constant 0 : index
      %get3A_320 = tpu.vector_load %arg6[%get3A, %get3A_319] {strides = array<i32>} : memref<250x80xi32, #tpu.memory_space<vmem>>, vector<16xi32>,
      %mul3A_321 = arith.constant 2 : i32
      %mul3A_322 = vector.broadcast %mul3A_321 : i32 to vector<16xi32>
      %mul3A_323 = arith.muli %get3A_320, %mul3A_322 : vector<16xi32>
      %add3A_324 = vector.broadcast %arg0 : i32 to vector<16xi32>
      %add3A_325 = arith.addi %mul3A_323, %add3A_324 : vector<16xi32>
      %swap3A = arith.index_cast %scan3A_318 : i32 to index
      %swap3A_326 = arith.constant 0 : index
      %swap3A_327 = tpu.vector_load %arg6[%swap3A, %swap3A_326] {strides = array<i32>} : memref<250x80xi32, #tpu.memory_space<vmem>>, vector<16xi32>,
      tpu.vector_store %arg6[%swap3A, %swap3A_326], %add3A_325 {strides = array<i32>} : memref<250x80xi32, #tpu.memory_space<vmem>>, vector<16xi32>,
      %get3A_328 = arith.index_cast %scan3A_318 : i32 to index
      %get3A_329 = arith.constant 16 : index
      %get3A_330 = tpu.vector_load %arg6[%get3A_328, %get3A_329] {strides = array<i32>} : memref<250x80xi32, #tpu.memory_space<vmem>>, vector<16xi32>,
      %mul3A_331 = arith.constant 2 : i32
      %mul3A_332 = vector.broadcast %mul3A_331 : i32 to vector<16xi32>
      %mul3A_333 = arith.muli %get3A_330, %mul3A_332 : vector<16xi32>
      %add3A_334 = vector.broadcast %arg0 : i32 to vector<16xi32>
      %add3A_335 = arith.addi %mul3A_333, %add3A_334 : vector<16xi32>
      %swap3A_336 = arith.index_cast %scan3A_318 : i32 to index
      %swap3A_337 = arith.constant 16 : index
      %swap3A_338 = tpu.vector_load %arg6[%swap3A_336, %swap3A_337] {strides = array<i32>} : memref<250x80xi32, #tpu.memory_space<vmem>>, vector<16xi32>,
      tpu.vector_store %arg6[%swap3A_336, %swap3A_337], %add3A_335 {strides = array<i32>} : memref<250x80xi32, #tpu.memory_space<vmem>>, vector<16xi32>,
      %get3A_339 = arith.index_cast %scan3A_318 : i32 to index
      %get3A_340 = arith.constant 32 : index
      %get3A_341 = tpu.vector_load %arg6[%get3A_339, %get3A_340] {strides = array<i32>} : memref<250x80xi32, #tpu.memory_space<vmem>>, vector<16xi32>,
      %mul3A_342 = arith.constant 2 : i32
      %mul3A_343 = vector.broadcast %mul3A_342 : i32 to vector<16xi32>
      %mul3A_344 = arith.muli %get3A_341, %mul3A_343 : vector<16xi32>
      %add3A_345 = vector.broadcast %arg0 : i32 to vector<16xi32>
      %add3A_346 = arith.addi %mul3A_344, %add3A_345 : vector<16xi32>
      %swap3A_347 = arith.index_cast %scan3A_318 : i32 to index
      %swap3A_348 = arith.constant 32 : index
      %swap3A_349 = tpu.vector_load %arg6[%swap3A_347, %swap3A_348] {strides = array<i32>} : memref<250x80xi32, #tpu.memory_space<vmem>>, vector<16xi32>,
      tpu.vector_store %arg6[%swap3A_347, %swap3A_348], %add3A_346 {strides = array<i32>} : memref<250x80xi32, #tpu.memory_space<vmem>>, vector<16xi32>,
      %get3A_350 = arith.index_cast %scan3A_318 : i32 to index
      %get3A_351 = arith.constant 48 : index
      %get3A_352 = tpu.vector_load %arg6[%get3A_350, %get3A_351] {strides = array<i32>} : memref<250x80xi32, #tpu.memory_space<vmem>>, vector<16xi32>,
      %mul3A_353 = arith.constant 2 : i32
      %mul3A_354 = vector.broadcast %mul3A_353 : i32 to vector<16xi32>
      %mul3A_355 = arith.muli %get3A_352, %mul3A_354 : vector<16xi32>
      %add3A_356 = vector.broadcast %arg0 : i32 to vector<16xi32>
      %add3A_357 = arith.addi %mul3A_355, %add3A_356 : vector<16xi32>
      %swap3A_358 = arith.index_cast %scan3A_318 : i32 to index
      %swap3A_359 = arith.constant 48 : index
      %swap3A_360 = tpu.vector_load %arg6[%swap3A_358, %swap3A_359] {strides = array<i32>} : memref<250x80xi32, #tpu.memory_space<vmem>>, vector<16xi32>,
      tpu.vector_store %arg6[%swap3A_358, %swap3A_359], %add3A_357 {strides = array<i32>} : memref<250x80xi32, #tpu.memory_space<vmem>>, vector<16xi32>,
      %get3A_361 = arith.index_cast %scan3A_318 : i32 to index
      %get3A_362 = arith.constant 64 : index
      %get3A_363 = tpu.vector_load %arg6[%get3A_361, %get3A_362] {strides = array<i32>} : memref<250x80xi32, #tpu.memory_space<vmem>>, vector<16xi32>,
      %mul3A_364 = arith.constant 2 : i32
      %mul3A_365 = vector.broadcast %mul3A_364 : i32 to vector<16xi32>
      %mul3A_366 = arith.muli %get3A_363, %mul3A_365 : vector<16xi32>
      %add3A_367 = vector.broadcast %arg0 : i32 to vector<16xi32>
      %add3A_368 = arith.addi %mul3A_366, %add3A_367 : vector<16xi32>
      %swap3A_369 = arith.index_cast %scan3A_318 : i32 to index
      %swap3A_370 = arith.constant 64 : index
      %swap3A_371 = tpu.vector_load %arg6[%swap3A_369, %swap3A_370] {strides = array<i32>} : memref<250x80xi32, #tpu.memory_space<vmem>>, vector<16xi32>,
      tpu.vector_store %arg6[%swap3A_369, %swap3A_370], %add3A_368 {strides = array<i32>} : memref<250x80xi32, #tpu.memory_space<vmem>>, vector<16xi32>,
    }
    %scan3A_4 = arith.constant 250 : i32
    %scan3A_5 = arith.constant 0 : i32
    %scan3A_6 = arith.constant 0 : i32
    %scan3A_7 = arith.constant 80 : i32
    %scan3A_8 = arith.addi %scan3A_6, %scan3A_7 : i32
    %scan3A_9 = arith.constant 1 : i32
    scf.for %scan3A_318 = %scan3A_6 to %scan3A_8 step %scan3A_9  : i32 {
      %broadcast_in_dim3A = arith.constant 0.000000e+00 : f32
      %broadcast_in_dim3A_319 = vector.broadcast %broadcast_in_dim3A : f32 to vector<16xf32>
      %swap3A = arith.index_cast %scan3A_318 : i32 to index
      %swap3A_320 = arith.constant 0 : index
      %swap3A_321 = tpu.vector_load %arg9[%swap3A, %swap3A_320] {strides = array<i32>} : memref<80x64xf32, #tpu.memory_space<vmem>>, vector<16xf32>,
      tpu.vector_store %arg9[%swap3A, %swap3A_320], %broadcast_in_dim3A_319 {strides = array<i32>} : memref<80x64xf32, #tpu.memory_space<vmem>>, vector<16xf32>,
      %broadcast_in_dim3A_322 = arith.constant 0.000000e+00 : f32
      %broadcast_in_dim3A_323 = vector.broadcast %broadcast_in_dim3A_322 : f32 to vector<16xf32>
      %swap3A_324 = arith.index_cast %scan3A_318 : i32 to index
      %swap3A_325 = arith.constant 16 : index
      %swap3A_326 = tpu.vector_load %arg9[%swap3A_324, %swap3A_325] {strides = array<i32>} : memref<80x64xf32, #tpu.memory_space<vmem>>, vector<16xf32>,
      tpu.vector_store %arg9[%swap3A_324, %swap3A_325], %broadcast_in_dim3A_323 {strides = array<i32>} : memref<80x64xf32, #tpu.memory_space<vmem>>, vector<16xf32>,
      %broadcast_in_dim3A_327 = arith.constant 0.000000e+00 : f32
      %broadcast_in_dim3A_328 = vector.broadcast %broadcast_in_dim3A_327 : f32 to vector<16xf32>
      %swap3A_329 = arith.index_cast %scan3A_318 : i32 to index
      %swap3A_330 = arith.constant 32 : index
      %swap3A_331 = tpu.vector_load %arg9[%swap3A_329, %swap3A_330] {strides = array<i32>} : memref<80x64xf32, #tpu.memory_space<vmem>>, vector<16xf32>,
      tpu.vector_store %arg9[%swap3A_329, %swap3A_330], %broadcast_in_dim3A_328 {strides = array<i32>} : memref<80x64xf32, #tpu.memory_space<vmem>>, vector<16xf32>,
      %broadcast_in_dim3A_332 = arith.constant 0.000000e+00 : f32
      %broadcast_in_dim3A_333 = vector.broadcast %broadcast_in_dim3A_332 : f32 to vector<16xf32>
      %swap3A_334 = arith.index_cast %scan3A_318 : i32 to index
      %swap3A_335 = arith.constant 48 : index
      %swap3A_336 = tpu.vector_load %arg9[%swap3A_334, %swap3A_335] {strides = array<i32>} : memref<80x64xf32, #tpu.memory_space<vmem>>, vector<16xf32>,
      tpu.vector_store %arg9[%swap3A_334, %swap3A_335], %broadcast_in_dim3A_333 {strides = array<i32>} : memref<80x64xf32, #tpu.memory_space<vmem>>, vector<16xf32>,
    }
    %scan3A_10 = arith.constant 80 : i32
    %mul3A = arith.constant 640 : i32
    %mul3A_11 = arith.muli %arg1, %mul3A : i32
    %add3A = arith.constant 0 : i32
    %add3A_12 = arith.addi %mul3A_11, %add3A : i32
    "tpu.region"() ({
      %run_scoped3A = tpu.sem_alloc : memref<!tpu.dma_semaphore, #tpu.memory_space<semaphore_mem>>
      %dma_start3A_318 = arith.constant 0 : i32
      %dma_start3A_319 = tpu.memref_slice %arg8[%add3A_12, %dma_start3A_318] : memref<10240x64xf32, #tpu.memory_space<vmem_shared>> -> memref<80x64xf32, #tpu.memory_space<vmem_shared>>
      %dma_start3A_320 = arith.constant 0 : i32
      %dma_start3A_321 = tpu.memref_slice %arg8[%add3A_12, %dma_start3A_320] : memref<10240x64xf32, #tpu.memory_space<vmem_shared>> -> memref<80x64xf32, #tpu.memory_space<vmem_shared>>
      tpu.enqueue_dma source(%arg9 : memref<80x64xf32, #tpu.memory_space<vmem>>) target(%dma_start3A_321 : memref<80x64xf32, #tpu.memory_space<vmem_shared>>) target_semaphore(%run_scoped3A : memref<!tpu.dma_semaphore, #tpu.memory_space<semaphore_mem>>)
      %dma_wait3A_322 = arith.constant 0 : i32
      %dma_wait3A_323 = tpu.memref_slice %arg8[%add3A_12, %dma_wait3A_322] : memref<10240x64xf32, #tpu.memory_space<vmem_shared>> -> memref<80x64xf32, #tpu.memory_space<vmem_shared>>
      %dma_wait3A_324 = arith.constant 0 : i32
      %dma_wait3A_325 = tpu.memref_slice %arg8[%add3A_12, %dma_wait3A_324] : memref<10240x64xf32, #tpu.memory_space<vmem_shared>> -> memref<80x64xf32, #tpu.memory_space<vmem_shared>>
      tpu.wait_dma2 semaphore(%run_scoped3A : memref<!tpu.dma_semaphore, #tpu.memory_space<semaphore_mem>>) src(%arg9 : memref<80x64xf32, #tpu.memory_space<vmem>>) dst(%dma_wait3A_325 : memref<80x64xf32, #tpu.memory_space<vmem_shared>>)
      tpu.yield
    }) : () -> ()
    %add3A_13 = arith.constant 80 : i32
    %add3A_14 = arith.addi %mul3A_11, %add3A_13 : i32
    "tpu.region"() ({
      %run_scoped3A = tpu.sem_alloc : memref<!tpu.dma_semaphore, #tpu.memory_space<semaphore_mem>>
      %dma_start3A_318 = arith.constant 0 : i32
      %dma_start3A_319 = tpu.memref_slice %arg8[%add3A_14, %dma_start3A_318] : memref<10240x64xf32, #tpu.memory_space<vmem_shared>> -> memref<80x64xf32, #tpu.memory_space<vmem_shared>>
      %dma_start3A_320 = arith.constant 0 : i32
      %dma_start3A_321 = tpu.memref_slice %arg8[%add3A_14, %dma_start3A_320] : memref<10240x64xf32, #tpu.memory_space<vmem_shared>> -> memref<80x64xf32, #tpu.memory_space<vmem_shared>>
      tpu.enqueue_dma source(%arg9 : memref<80x64xf32, #tpu.memory_space<vmem>>) target(%dma_start3A_321 : memref<80x64xf32, #tpu.memory_space<vmem_shared>>) target_semaphore(%run_scoped3A : memref<!tpu.dma_semaphore, #tpu.memory_space<semaphore_mem>>)
      %dma_wait3A_322 = arith.constant 0 : i32
      %dma_wait3A_323 = tpu.memref_slice %arg8[%add3A_14, %dma_wait3A_322] : memref<10240x64xf32, #tpu.memory_space<vmem_shared>> -> memref<80x64xf32, #tpu.memory_space<vmem_shared>>
      %dma_wait3A_324 = arith.constant 0 : i32
      %dma_wait3A_325 = tpu.memref_slice %arg8[%add3A_14, %dma_wait3A_324] : memref<10240x64xf32, #tpu.memory_space<vmem_shared>> -> memref<80x64xf32, #tpu.memory_space<vmem_shared>>
      tpu.wait_dma2 semaphore(%run_scoped3A : memref<!tpu.dma_semaphore, #tpu.memory_space<semaphore_mem>>) src(%arg9 : memref<80x64xf32, #tpu.memory_space<vmem>>) dst(%dma_wait3A_325 : memref<80x64xf32, #tpu.memory_space<vmem_shared>>)
      tpu.yield
    }) : () -> ()
    %add3A_15 = arith.constant 160 : i32
    %add3A_16 = arith.addi %mul3A_11, %add3A_15 : i32
    "tpu.region"() ({
      %run_scoped3A = tpu.sem_alloc : memref<!tpu.dma_semaphore, #tpu.memory_space<semaphore_mem>>
      %dma_start3A_318 = arith.constant 0 : i32
      %dma_start3A_319 = tpu.memref_slice %arg8[%add3A_16, %dma_start3A_318] : memref<10240x64xf32, #tpu.memory_space<vmem_shared>> -> memref<80x64xf32, #tpu.memory_space<vmem_shared>>
      %dma_start3A_320 = arith.constant 0 : i32
      %dma_start3A_321 = tpu.memref_slice %arg8[%add3A_16, %dma_start3A_320] : memref<10240x64xf32, #tpu.memory_space<vmem_shared>> -> memref<80x64xf32, #tpu.memory_space<vmem_shared>>
      tpu.enqueue_dma source(%arg9 : memref<80x64xf32, #tpu.memory_space<vmem>>) target(%dma_start3A_321 : memref<80x64xf32, #tpu.memory_space<vmem_shared>>) target_semaphore(%run_scoped3A : memref<!tpu.dma_semaphore, #tpu.memory_space<semaphore_mem>>)
      %dma_wait3A_322 = arith.constant 0 : i32
      %dma_wait3A_323 = tpu.memref_slice %arg8[%add3A_16, %dma_wait3A_322] : memref<10240x64xf32, #tpu.memory_space<vmem_shared>> -> memref<80x64xf32, #tpu.memory_space<vmem_shared>>
      %dma_wait3A_324 = arith.constant 0 : i32
      %dma_wait3A_325 = tpu.memref_slice %arg8[%add3A_16, %dma_wait3A_324] : memref<10240x64xf32, #tpu.memory_space<vmem_shared>> -> memref<80x64xf32, #tpu.memory_space<vmem_shared>>
      tpu.wait_dma2 semaphore(%run_scoped3A : memref<!tpu.dma_semaphore, #tpu.memory_space<semaphore_mem>>) src(%arg9 : memref<80x64xf32, #tpu.memory_space<vmem>>) dst(%dma_wait3A_325 : memref<80x64xf32, #tpu.memory_space<vmem_shared>>)
      tpu.yield
    }) : () -> ()
    %add3A_17 = arith.constant 240 : i32
    %add3A_18 = arith.addi %mul3A_11, %add3A_17 : i32
    "tpu.region"() ({
      %run_scoped3A = tpu.sem_alloc : memref<!tpu.dma_semaphore, #tpu.memory_space<semaphore_mem>>
      %dma_start3A_318 = arith.constant 0 : i32
      %dma_start3A_319 = tpu.memref_slice %arg8[%add3A_18, %dma_start3A_318] : memref<10240x64xf32, #tpu.memory_space<vmem_shared>> -> memref<80x64xf32, #tpu.memory_space<vmem_shared>>
      %dma_start3A_320 = arith.constant 0 : i32
      %dma_start3A_321 = tpu.memref_slice %arg8[%add3A_18, %dma_start3A_320] : memref<10240x64xf32, #tpu.memory_space<vmem_shared>> -> memref<80x64xf32, #tpu.memory_space<vmem_shared>>
      tpu.enqueue_dma source(%arg9 : memref<80x64xf32, #tpu.memory_space<vmem>>) target(%dma_start3A_321 : memref<80x64xf32, #tpu.memory_space<vmem_shared>>) target_semaphore(%run_scoped3A : memref<!tpu.dma_semaphore, #tpu.memory_space<semaphore_mem>>)
      %dma_wait3A_322 = arith.constant 0 : i32
      %dma_wait3A_323 = tpu.memref_slice %arg8[%add3A_18, %dma_wait3A_322] : memref<10240x64xf32, #tpu.memory_space<vmem_shared>> -> memref<80x64xf32, #tpu.memory_space<vmem_shared>>
      %dma_wait3A_324 = arith.constant 0 : i32
      %dma_wait3A_325 = tpu.memref_slice %arg8[%add3A_18, %dma_wait3A_324] : memref<10240x64xf32, #tpu.memory_space<vmem_shared>> -> memref<80x64xf32, #tpu.memory_space<vmem_shared>>
      tpu.wait_dma2 semaphore(%run_scoped3A : memref<!tpu.dma_semaphore, #tpu.memory_space<semaphore_mem>>) src(%arg9 : memref<80x64xf32, #tpu.memory_space<vmem>>) dst(%dma_wait3A_325 : memref<80x64xf32, #tpu.memory_space<vmem_shared>>)
      tpu.yield
    }) : () -> ()
    %add3A_19 = arith.constant 320 : i32
    %add3A_20 = arith.addi %mul3A_11, %add3A_19 : i32
    "tpu.region"() ({
      %run_scoped3A = tpu.sem_alloc : memref<!tpu.dma_semaphore, #tpu.memory_space<semaphore_mem>>
      %dma_start3A_318 = arith.constant 0 : i32
      %dma_start3A_319 = tpu.memref_slice %arg8[%add3A_20, %dma_start3A_318] : memref<10240x64xf32, #tpu.memory_space<vmem_shared>> -> memref<80x64xf32, #tpu.memory_space<vmem_shared>>
      %dma_start3A_320 = arith.constant 0 : i32
      %dma_start3A_321 = tpu.memref_slice %arg8[%add3A_20, %dma_start3A_320] : memref<10240x64xf32, #tpu.memory_space<vmem_shared>> -> memref<80x64xf32, #tpu.memory_space<vmem_shared>>
      tpu.enqueue_dma source(%arg9 : memref<80x64xf32, #tpu.memory_space<vmem>>) target(%dma_start3A_321 : memref<80x64xf32, #tpu.memory_space<vmem_shared>>) target_semaphore(%run_scoped3A : memref<!tpu.dma_semaphore, #tpu.memory_space<semaphore_mem>>)
      %dma_wait3A_322 = arith.constant 0 : i32
      %dma_wait3A_323 = tpu.memref_slice %arg8[%add3A_20, %dma_wait3A_322] : memref<10240x64xf32, #tpu.memory_space<vmem_shared>> -> memref<80x64xf32, #tpu.memory_space<vmem_shared>>
      %dma_wait3A_324 = arith.constant 0 : i32
      %dma_wait3A_325 = tpu.memref_slice %arg8[%add3A_20, %dma_wait3A_324] : memref<10240x64xf32, #tpu.memory_space<vmem_shared>> -> memref<80x64xf32, #tpu.memory_space<vmem_shared>>
      tpu.wait_dma2 semaphore(%run_scoped3A : memref<!tpu.dma_semaphore, #tpu.memory_space<semaphore_mem>>) src(%arg9 : memref<80x64xf32, #tpu.memory_space<vmem>>) dst(%dma_wait3A_325 : memref<80x64xf32, #tpu.memory_space<vmem_shared>>)
      tpu.yield
    }) : () -> ()
    %add3A_21 = arith.constant 400 : i32
    %add3A_22 = arith.addi %mul3A_11, %add3A_21 : i32
    "tpu.region"() ({
      %run_scoped3A = tpu.sem_alloc : memref<!tpu.dma_semaphore, #tpu.memory_space<semaphore_mem>>
      %dma_start3A_318 = arith.constant 0 : i32
      %dma_start3A_319 = tpu.memref_slice %arg8[%add3A_22, %dma_start3A_318] : memref<10240x64xf32, #tpu.memory_space<vmem_shared>> -> memref<80x64xf32, #tpu.memory_space<vmem_shared>>
      %dma_start3A_320 = arith.constant 0 : i32
      %dma_start3A_321 = tpu.memref_slice %arg8[%add3A_22, %dma_start3A_320] : memref<10240x64xf32, #tpu.memory_space<vmem_shared>> -> memref<80x64xf32, #tpu.memory_space<vmem_shared>>
      tpu.enqueue_dma source(%arg9 : memref<80x64xf32, #tpu.memory_space<vmem>>) target(%dma_start3A_321 : memref<80x64xf32, #tpu.memory_space<vmem_shared>>) target_semaphore(%run_scoped3A : memref<!tpu.dma_semaphore, #tpu.memory_space<semaphore_mem>>)
      %dma_wait3A_322 = arith.constant 0 : i32
      %dma_wait3A_323 = tpu.memref_slice %arg8[%add3A_22, %dma_wait3A_322] : memref<10240x64xf32, #tpu.memory_space<vmem_shared>> -> memref<80x64xf32, #tpu.memory_space<vmem_shared>>
      %dma_wait3A_324 = arith.constant 0 : i32
      %dma_wait3A_325 = tpu.memref_slice %arg8[%add3A_22, %dma_wait3A_324] : memref<10240x64xf32, #tpu.memory_space<vmem_shared>> -> memref<80x64xf32, #tpu.memory_space<vmem_shared>>
      tpu.wait_dma2 semaphore(%run_scoped3A : memref<!tpu.dma_semaphore, #tpu.memory_space<semaphore_mem>>) src(%arg9 : memref<80x64xf32, #tpu.memory_space<vmem>>) dst(%dma_wait3A_325 : memref<80x64xf32, #tpu.memory_space<vmem_shared>>)
      tpu.yield
    }) : () -> ()
    %add3A_23 = arith.constant 480 : i32
    %add3A_24 = arith.addi %mul3A_11, %add3A_23 : i32
    "tpu.region"() ({
      %run_scoped3A = tpu.sem_alloc : memref<!tpu.dma_semaphore, #tpu.memory_space<semaphore_mem>>
      %dma_start3A_318 = arith.constant 0 : i32
      %dma_start3A_319 = tpu.memref_slice %arg8[%add3A_24, %dma_start3A_318] : memref<10240x64xf32, #tpu.memory_space<vmem_shared>> -> memref<80x64xf32, #tpu.memory_space<vmem_shared>>
      %dma_start3A_320 = arith.constant 0 : i32
      %dma_start3A_321 = tpu.memref_slice %arg8[%add3A_24, %dma_start3A_320] : memref<10240x64xf32, #tpu.memory_space<vmem_shared>> -> memref<80x64xf32, #tpu.memory_space<vmem_shared>>
      tpu.enqueue_dma source(%arg9 : memref<80x64xf32, #tpu.memory_space<vmem>>) target(%dma_start3A_321 : memref<80x64xf32, #tpu.memory_space<vmem_shared>>) target_semaphore(%run_scoped3A : memref<!tpu.dma_semaphore, #tpu.memory_space<semaphore_mem>>)
      %dma_wait3A_322 = arith.constant 0 : i32
      %dma_wait3A_323 = tpu.memref_slice %arg8[%add3A_24, %dma_wait3A_322] : memref<10240x64xf32, #tpu.memory_space<vmem_shared>> -> memref<80x64xf32, #tpu.memory_space<vmem_shared>>
      %dma_wait3A_324 = arith.constant 0 : i32
      %dma_wait3A_325 = tpu.memref_slice %arg8[%add3A_24, %dma_wait3A_324] : memref<10240x64xf32, #tpu.memory_space<vmem_shared>> -> memref<80x64xf32, #tpu.memory_space<vmem_shared>>
      tpu.wait_dma2 semaphore(%run_scoped3A : memref<!tpu.dma_semaphore, #tpu.memory_space<semaphore_mem>>) src(%arg9 : memref<80x64xf32, #tpu.memory_space<vmem>>) dst(%dma_wait3A_325 : memref<80x64xf32, #tpu.memory_space<vmem_shared>>)
      tpu.yield
    }) : () -> ()
    %add3A_25 = arith.constant 560 : i32
    %add3A_26 = arith.addi %mul3A_11, %add3A_25 : i32
    "tpu.region"() ({
      %run_scoped3A = tpu.sem_alloc : memref<!tpu.dma_semaphore, #tpu.memory_space<semaphore_mem>>
      %dma_start3A_318 = arith.constant 0 : i32
      %dma_start3A_319 = tpu.memref_slice %arg8[%add3A_26, %dma_start3A_318] : memref<10240x64xf32, #tpu.memory_space<vmem_shared>> -> memref<80x64xf32, #tpu.memory_space<vmem_shared>>
      %dma_start3A_320 = arith.constant 0 : i32
      %dma_start3A_321 = tpu.memref_slice %arg8[%add3A_26, %dma_start3A_320] : memref<10240x64xf32, #tpu.memory_space<vmem_shared>> -> memref<80x64xf32, #tpu.memory_space<vmem_shared>>
      tpu.enqueue_dma source(%arg9 : memref<80x64xf32, #tpu.memory_space<vmem>>) target(%dma_start3A_321 : memref<80x64xf32, #tpu.memory_space<vmem_shared>>) target_semaphore(%run_scoped3A : memref<!tpu.dma_semaphore, #tpu.memory_space<semaphore_mem>>)
      %dma_wait3A_322 = arith.constant 0 : i32
      %dma_wait3A_323 = tpu.memref_slice %arg8[%add3A_26, %dma_wait3A_322] : memref<10240x64xf32, #tpu.memory_space<vmem_shared>> -> memref<80x64xf32, #tpu.memory_space<vmem_shared>>
      %dma_wait3A_324 = arith.constant 0 : i32
      %dma_wait3A_325 = tpu.memref_slice %arg8[%add3A_26, %dma_wait3A_324] : memref<10240x64xf32, #tpu.memory_space<vmem_shared>> -> memref<80x64xf32, #tpu.memory_space<vmem_shared>>
      tpu.wait_dma2 semaphore(%run_scoped3A : memref<!tpu.dma_semaphore, #tpu.memory_space<semaphore_mem>>) src(%arg9 : memref<80x64xf32, #tpu.memory_space<vmem>>) dst(%dma_wait3A_325 : memref<80x64xf32, #tpu.memory_space<vmem_shared>>)
      tpu.yield
    }) : () -> ()
    %barrier3A = arith.constant 0 : index
    tpu.barrier barrier_id(%barrier3A)
    %dma_start3A = arith.constant 0 : i32
    %dma_start3A_27 = arith.constant 0 : i32
    %dma_start3A_28 = tpu.memref_slice %arg6[%dma_start3A, %dma_start3A_27] : memref<250x80xi32, #tpu.memory_space<vmem>> -> memref<1x80xi32, #tpu.memory_space<vmem>>
    %dma_start3A_29 = tpu.memref_squeeze %dma_start3A_28 : memref<1x80xi32, #tpu.memory_space<vmem>> -> memref<80xi32, #tpu.memory_space<vmem>>
    %dma_start3A_30 = arith.constant 0 : i32
    %dma_start3A_31 = arith.constant 0 : i32
    %dma_start3A_32 = tpu.memref_slice %arg2[%dma_start3A_30, %dma_start3A_31] : memref<20000x64xf32, #tpu.memory_space<hbm>> -> memref<20000x64xf32, #tpu.memory_space<hbm>>
    tpu.enqueue_indirect_dma source(%dma_start3A_32 : memref<20000x64xf32, #tpu.memory_space<hbm>>) target(%arg9 : memref<80x64xf32, #tpu.memory_space<vmem>>) offsets(%dma_start3A_29 : memref<80xi32, #tpu.memory_space<vmem>>) semaphore(%arg17 : memref<!tpu.dma_semaphore, #tpu.memory_space<semaphore_mem>>)
    %dma_start3A_33 = arith.constant 1 : i32
    %dma_start3A_34 = arith.constant 0 : i32
    %dma_start3A_35 = tpu.memref_slice %arg6[%dma_start3A_33, %dma_start3A_34] : memref<250x80xi32, #tpu.memory_space<vmem>> -> memref<1x80xi32, #tpu.memory_space<vmem>>
    %dma_start3A_36 = tpu.memref_squeeze %dma_start3A_35 : memref<1x80xi32, #tpu.memory_space<vmem>> -> memref<80xi32, #tpu.memory_space<vmem>>
    %dma_start3A_37 = arith.constant 0 : i32
    %dma_start3A_38 = arith.constant 0 : i32
    %dma_start3A_39 = tpu.memref_slice %arg2[%dma_start3A_37, %dma_start3A_38] : memref<20000x64xf32, #tpu.memory_space<hbm>> -> memref<20000x64xf32, #tpu.memory_space<hbm>>
    tpu.enqueue_indirect_dma source(%dma_start3A_39 : memref<20000x64xf32, #tpu.memory_space<hbm>>) target(%arg10 : memref<80x64xf32, #tpu.memory_space<vmem>>) offsets(%dma_start3A_36 : memref<80xi32, #tpu.memory_space<vmem>>) semaphore(%arg18 : memref<!tpu.dma_semaphore, #tpu.memory_space<semaphore_mem>>)
    %dma_start3A_40 = arith.constant 2 : i32
    %dma_start3A_41 = arith.constant 0 : i32
    %dma_start3A_42 = tpu.memref_slice %arg6[%dma_start3A_40, %dma_start3A_41] : memref<250x80xi32, #tpu.memory_space<vmem>> -> memref<1x80xi32, #tpu.memory_space<vmem>>
    %dma_start3A_43 = tpu.memref_squeeze %dma_start3A_42 : memref<1x80xi32, #tpu.memory_space<vmem>> -> memref<80xi32, #tpu.memory_space<vmem>>
    %dma_start3A_44 = arith.constant 0 : i32
    %dma_start3A_45 = arith.constant 0 : i32
    %dma_start3A_46 = tpu.memref_slice %arg2[%dma_start3A_44, %dma_start3A_45] : memref<20000x64xf32, #tpu.memory_space<hbm>> -> memref<20000x64xf32, #tpu.memory_space<hbm>>
    tpu.enqueue_indirect_dma source(%dma_start3A_46 : memref<20000x64xf32, #tpu.memory_space<hbm>>) target(%arg11 : memref<80x64xf32, #tpu.memory_space<vmem>>) offsets(%dma_start3A_43 : memref<80xi32, #tpu.memory_space<vmem>>) semaphore(%arg19 : memref<!tpu.dma_semaphore, #tpu.memory_space<semaphore_mem>>)
    %dma_start3A_47 = arith.constant 3 : i32
    %dma_start3A_48 = arith.constant 0 : i32
    %dma_start3A_49 = tpu.memref_slice %arg6[%dma_start3A_47, %dma_start3A_48] : memref<250x80xi32, #tpu.memory_space<vmem>> -> memref<1x80xi32, #tpu.memory_space<vmem>>
    %dma_start3A_50 = tpu.memref_squeeze %dma_start3A_49 : memref<1x80xi32, #tpu.memory_space<vmem>> -> memref<80xi32, #tpu.memory_space<vmem>>
    %dma_start3A_51 = arith.constant 0 : i32
    %dma_start3A_52 = arith.constant 0 : i32
    %dma_start3A_53 = tpu.memref_slice %arg2[%dma_start3A_51, %dma_start3A_52] : memref<20000x64xf32, #tpu.memory_space<hbm>> -> memref<20000x64xf32, #tpu.memory_space<hbm>>
    tpu.enqueue_indirect_dma source(%dma_start3A_53 : memref<20000x64xf32, #tpu.memory_space<hbm>>) target(%arg12 : memref<80x64xf32, #tpu.memory_space<vmem>>) offsets(%dma_start3A_50 : memref<80xi32, #tpu.memory_space<vmem>>) semaphore(%arg20 : memref<!tpu.dma_semaphore, #tpu.memory_space<semaphore_mem>>)
    %dma_wait3A = arith.constant 0 : i32
    %dma_wait3A_54 = arith.constant 0 : i32
    %dma_wait3A_55 = tpu.memref_slice %arg6[%dma_wait3A, %dma_wait3A_54] : memref<250x80xi32, #tpu.memory_space<vmem>> -> memref<1x80xi32, #tpu.memory_space<vmem>>
    %dma_wait3A_56 = tpu.memref_squeeze %dma_wait3A_55 : memref<1x80xi32, #tpu.memory_space<vmem>> -> memref<80xi32, #tpu.memory_space<vmem>>
    %dma_wait3A_57 = arith.constant 0 : i32
    %dma_wait3A_58 = arith.constant 0 : i32
    %dma_wait3A_59 = tpu.memref_slice %arg2[%dma_wait3A_57, %dma_wait3A_58] : memref<20000x64xf32, #tpu.memory_space<hbm>> -> memref<20000x64xf32, #tpu.memory_space<hbm>>
    tpu.wait_indirect_dma semaphore(%arg17 : memref<!tpu.dma_semaphore, #tpu.memory_space<semaphore_mem>>) src(%dma_wait3A_59 : memref<20000x64xf32, #tpu.memory_space<hbm>>) dst(%arg9 : memref<80x64xf32, #tpu.memory_space<vmem>>)
    %dma_start3A_60 = arith.constant 0 : i32
    %dma_start3A_61 = arith.constant 0 : i32
    %dma_start3A_62 = tpu.memref_slice %arg7[%dma_start3A_60, %dma_start3A_61] : memref<250x80xi32, #tpu.memory_space<vmem>> -> memref<1x80xi32, #tpu.memory_space<vmem>>
    %dma_start3A_63 = tpu.memref_squeeze %dma_start3A_62 : memref<1x80xi32, #tpu.memory_space<vmem>> -> memref<80xi32, #tpu.memory_space<vmem>>
    %dma_start3A_64 = arith.constant 0 : i32
    %dma_start3A_65 = arith.constant 0 : i32
    %dma_start3A_66 = tpu.memref_slice %arg8[%dma_start3A_64, %dma_start3A_65] : memref<10240x64xf32, #tpu.memory_space<vmem_shared>> -> memref<10240x64xf32, #tpu.memory_space<vmem_shared>>
    tpu.enqueue_indirect_dma source(%arg9 : memref<80x64xf32, #tpu.memory_space<vmem>>) target(%dma_start3A_66 : memref<10240x64xf32, #tpu.memory_space<vmem_shared>>) offsets(%dma_start3A_63 : memref<80xi32, #tpu.memory_space<vmem>>) semaphore(%arg25 : memref<!tpu.dma_semaphore, #tpu.memory_space<semaphore_mem>>) {add = true}
    %dma_start3A_67 = arith.constant 4 : i32
    %dma_start3A_68 = arith.constant 0 : i32
    %dma_start3A_69 = tpu.memref_slice %arg6[%dma_start3A_67, %dma_start3A_68] : memref<250x80xi32, #tpu.memory_space<vmem>> -> memref<1x80xi32, #tpu.memory_space<vmem>>
    %dma_start3A_70 = tpu.memref_squeeze %dma_start3A_69 : memref<1x80xi32, #tpu.memory_space<vmem>> -> memref<80xi32, #tpu.memory_space<vmem>>
    %dma_start3A_71 = arith.constant 0 : i32
    %dma_start3A_72 = arith.constant 0 : i32
    %dma_start3A_73 = tpu.memref_slice %arg2[%dma_start3A_71, %dma_start3A_72] : memref<20000x64xf32, #tpu.memory_space<hbm>> -> memref<20000x64xf32, #tpu.memory_space<hbm>>
    tpu.enqueue_indirect_dma source(%dma_start3A_73 : memref<20000x64xf32, #tpu.memory_space<hbm>>) target(%arg13 : memref<80x64xf32, #tpu.memory_space<vmem>>) offsets(%dma_start3A_70 : memref<80xi32, #tpu.memory_space<vmem>>) semaphore(%arg21 : memref<!tpu.dma_semaphore, #tpu.memory_space<semaphore_mem>>)
    %dma_wait3A_74 = arith.constant 0 : i32
    %dma_wait3A_75 = arith.constant 0 : i32
    %dma_wait3A_76 = tpu.memref_slice %arg6[%dma_wait3A_74, %dma_wait3A_75] : memref<250x80xi32, #tpu.memory_space<vmem>> -> memref<1x80xi32, #tpu.memory_space<vmem>>
    %dma_wait3A_77 = tpu.memref_squeeze %dma_wait3A_76 : memref<1x80xi32, #tpu.memory_space<vmem>> -> memref<80xi32, #tpu.memory_space<vmem>>
    %dma_wait3A_78 = arith.constant 0 : i32
    %dma_wait3A_79 = arith.constant 0 : i32
    %dma_wait3A_80 = tpu.memref_slice %arg2[%dma_wait3A_78, %dma_wait3A_79] : memref<20000x64xf32, #tpu.memory_space<hbm>> -> memref<20000x64xf32, #tpu.memory_space<hbm>>
    tpu.wait_indirect_dma semaphore(%arg18 : memref<!tpu.dma_semaphore, #tpu.memory_space<semaphore_mem>>) src(%dma_wait3A_80 : memref<20000x64xf32, #tpu.memory_space<hbm>>) dst(%arg10 : memref<80x64xf32, #tpu.memory_space<vmem>>)
    %dma_start3A_81 = arith.constant 1 : i32
    %dma_start3A_82 = arith.constant 0 : i32
    %dma_start3A_83 = tpu.memref_slice %arg7[%dma_start3A_81, %dma_start3A_82] : memref<250x80xi32, #tpu.memory_space<vmem>> -> memref<1x80xi32, #tpu.memory_space<vmem>>
    %dma_start3A_84 = tpu.memref_squeeze %dma_start3A_83 : memref<1x80xi32, #tpu.memory_space<vmem>> -> memref<80xi32, #tpu.memory_space<vmem>>
    %dma_start3A_85 = arith.constant 0 : i32
    %dma_start3A_86 = arith.constant 0 : i32
    %dma_start3A_87 = tpu.memref_slice %arg8[%dma_start3A_85, %dma_start3A_86] : memref<10240x64xf32, #tpu.memory_space<vmem_shared>> -> memref<10240x64xf32, #tpu.memory_space<vmem_shared>>
    tpu.enqueue_indirect_dma source(%arg10 : memref<80x64xf32, #tpu.memory_space<vmem>>) target(%dma_start3A_87 : memref<10240x64xf32, #tpu.memory_space<vmem_shared>>) offsets(%dma_start3A_84 : memref<80xi32, #tpu.memory_space<vmem>>) semaphore(%arg26 : memref<!tpu.dma_semaphore, #tpu.memory_space<semaphore_mem>>) {add = true}
    %dma_start3A_88 = arith.constant 5 : i32
    %dma_start3A_89 = arith.constant 0 : i32
    %dma_start3A_90 = tpu.memref_slice %arg6[%dma_start3A_88, %dma_start3A_89] : memref<250x80xi32, #tpu.memory_space<vmem>> -> memref<1x80xi32, #tpu.memory_space<vmem>>
    %dma_start3A_91 = tpu.memref_squeeze %dma_start3A_90 : memref<1x80xi32, #tpu.memory_space<vmem>> -> memref<80xi32, #tpu.memory_space<vmem>>
    %dma_start3A_92 = arith.constant 0 : i32
    %dma_start3A_93 = arith.constant 0 : i32
    %dma_start3A_94 = tpu.memref_slice %arg2[%dma_start3A_92, %dma_start3A_93] : memref<20000x64xf32, #tpu.memory_space<hbm>> -> memref<20000x64xf32, #tpu.memory_space<hbm>>
    tpu.enqueue_indirect_dma source(%dma_start3A_94 : memref<20000x64xf32, #tpu.memory_space<hbm>>) target(%arg14 : memref<80x64xf32, #tpu.memory_space<vmem>>) offsets(%dma_start3A_91 : memref<80xi32, #tpu.memory_space<vmem>>) semaphore(%arg22 : memref<!tpu.dma_semaphore, #tpu.memory_space<semaphore_mem>>)
    %dma_wait3A_95 = arith.constant 0 : i32
    %dma_wait3A_96 = arith.constant 0 : i32
    %dma_wait3A_97 = tpu.memref_slice %arg6[%dma_wait3A_95, %dma_wait3A_96] : memref<250x80xi32, #tpu.memory_space<vmem>> -> memref<1x80xi32, #tpu.memory_space<vmem>>
    %dma_wait3A_98 = tpu.memref_squeeze %dma_wait3A_97 : memref<1x80xi32, #tpu.memory_space<vmem>> -> memref<80xi32, #tpu.memory_space<vmem>>
    %dma_wait3A_99 = arith.constant 0 : i32
    %dma_wait3A_100 = arith.constant 0 : i32
    %dma_wait3A_101 = tpu.memref_slice %arg2[%dma_wait3A_99, %dma_wait3A_100] : memref<20000x64xf32, #tpu.memory_space<hbm>> -> memref<20000x64xf32, #tpu.memory_space<hbm>>
    tpu.wait_indirect_dma semaphore(%arg19 : memref<!tpu.dma_semaphore, #tpu.memory_space<semaphore_mem>>) src(%dma_wait3A_101 : memref<20000x64xf32, #tpu.memory_space<hbm>>) dst(%arg11 : memref<80x64xf32, #tpu.memory_space<vmem>>)
    %dma_start3A_102 = arith.constant 2 : i32
    %dma_start3A_103 = arith.constant 0 : i32
    %dma_start3A_104 = tpu.memref_slice %arg7[%dma_start3A_102, %dma_start3A_103] : memref<250x80xi32, #tpu.memory_space<vmem>> -> memref<1x80xi32, #tpu.memory_space<vmem>>
    %dma_start3A_105 = tpu.memref_squeeze %dma_start3A_104 : memref<1x80xi32, #tpu.memory_space<vmem>> -> memref<80xi32, #tpu.memory_space<vmem>>
    %dma_start3A_106 = arith.constant 0 : i32
    %dma_start3A_107 = arith.constant 0 : i32
    %dma_start3A_108 = tpu.memref_slice %arg8[%dma_start3A_106, %dma_start3A_107] : memref<10240x64xf32, #tpu.memory_space<vmem_shared>> -> memref<10240x64xf32, #tpu.memory_space<vmem_shared>>
    tpu.enqueue_indirect_dma source(%arg11 : memref<80x64xf32, #tpu.memory_space<vmem>>) target(%dma_start3A_108 : memref<10240x64xf32, #tpu.memory_space<vmem_shared>>) offsets(%dma_start3A_105 : memref<80xi32, #tpu.memory_space<vmem>>) semaphore(%arg27 : memref<!tpu.dma_semaphore, #tpu.memory_space<semaphore_mem>>) {add = true}
    %dma_start3A_109 = arith.constant 6 : i32
    %dma_start3A_110 = arith.constant 0 : i32
    %dma_start3A_111 = tpu.memref_slice %arg6[%dma_start3A_109, %dma_start3A_110] : memref<250x80xi32, #tpu.memory_space<vmem>> -> memref<1x80xi32, #tpu.memory_space<vmem>>
    %dma_start3A_112 = tpu.memref_squeeze %dma_start3A_111 : memref<1x80xi32, #tpu.memory_space<vmem>> -> memref<80xi32, #tpu.memory_space<vmem>>
    %dma_start3A_113 = arith.constant 0 : i32
    %dma_start3A_114 = arith.constant 0 : i32
    %dma_start3A_115 = tpu.memref_slice %arg2[%dma_start3A_113, %dma_start3A_114] : memref<20000x64xf32, #tpu.memory_space<hbm>> -> memref<20000x64xf32, #tpu.memory_space<hbm>>
    tpu.enqueue_indirect_dma source(%dma_start3A_115 : memref<20000x64xf32, #tpu.memory_space<hbm>>) target(%arg15 : memref<80x64xf32, #tpu.memory_space<vmem>>) offsets(%dma_start3A_112 : memref<80xi32, #tpu.memory_space<vmem>>) semaphore(%arg23 : memref<!tpu.dma_semaphore, #tpu.memory_space<semaphore_mem>>)
    %dma_wait3A_116 = arith.constant 0 : i32
    %dma_wait3A_117 = arith.constant 0 : i32
    %dma_wait3A_118 = tpu.memref_slice %arg6[%dma_wait3A_116, %dma_wait3A_117] : memref<250x80xi32, #tpu.memory_space<vmem>> -> memref<1x80xi32, #tpu.memory_space<vmem>>
    %dma_wait3A_119 = tpu.memref_squeeze %dma_wait3A_118 : memref<1x80xi32, #tpu.memory_space<vmem>> -> memref<80xi32, #tpu.memory_space<vmem>>
    %dma_wait3A_120 = arith.constant 0 : i32
    %dma_wait3A_121 = arith.constant 0 : i32
    %dma_wait3A_122 = tpu.memref_slice %arg2[%dma_wait3A_120, %dma_wait3A_121] : memref<20000x64xf32, #tpu.memory_space<hbm>> -> memref<20000x64xf32, #tpu.memory_space<hbm>>
    tpu.wait_indirect_dma semaphore(%arg20 : memref<!tpu.dma_semaphore, #tpu.memory_space<semaphore_mem>>) src(%dma_wait3A_122 : memref<20000x64xf32, #tpu.memory_space<hbm>>) dst(%arg12 : memref<80x64xf32, #tpu.memory_space<vmem>>)
    %dma_start3A_123 = arith.constant 3 : i32
    %dma_start3A_124 = arith.constant 0 : i32
    %dma_start3A_125 = tpu.memref_slice %arg7[%dma_start3A_123, %dma_start3A_124] : memref<250x80xi32, #tpu.memory_space<vmem>> -> memref<1x80xi32, #tpu.memory_space<vmem>>
    %dma_start3A_126 = tpu.memref_squeeze %dma_start3A_125 : memref<1x80xi32, #tpu.memory_space<vmem>> -> memref<80xi32, #tpu.memory_space<vmem>>
    %dma_start3A_127 = arith.constant 0 : i32
    %dma_start3A_128 = arith.constant 0 : i32
    %dma_start3A_129 = tpu.memref_slice %arg8[%dma_start3A_127, %dma_start3A_128] : memref<10240x64xf32, #tpu.memory_space<vmem_shared>> -> memref<10240x64xf32, #tpu.memory_space<vmem_shared>>
    tpu.enqueue_indirect_dma source(%arg12 : memref<80x64xf32, #tpu.memory_space<vmem>>) target(%dma_start3A_129 : memref<10240x64xf32, #tpu.memory_space<vmem_shared>>) offsets(%dma_start3A_126 : memref<80xi32, #tpu.memory_space<vmem>>) semaphore(%arg28 : memref<!tpu.dma_semaphore, #tpu.memory_space<semaphore_mem>>) {add = true}
    %dma_start3A_130 = arith.constant 7 : i32
    %dma_start3A_131 = arith.constant 0 : i32
    %dma_start3A_132 = tpu.memref_slice %arg6[%dma_start3A_130, %dma_start3A_131] : memref<250x80xi32, #tpu.memory_space<vmem>> -> memref<1x80xi32, #tpu.memory_space<vmem>>
    %dma_start3A_133 = tpu.memref_squeeze %dma_start3A_132 : memref<1x80xi32, #tpu.memory_space<vmem>> -> memref<80xi32, #tpu.memory_space<vmem>>
    %dma_start3A_134 = arith.constant 0 : i32
    %dma_start3A_135 = arith.constant 0 : i32
    %dma_start3A_136 = tpu.memref_slice %arg2[%dma_start3A_134, %dma_start3A_135] : memref<20000x64xf32, #tpu.memory_space<hbm>> -> memref<20000x64xf32, #tpu.memory_space<hbm>>
    tpu.enqueue_indirect_dma source(%dma_start3A_136 : memref<20000x64xf32, #tpu.memory_space<hbm>>) target(%arg16 : memref<80x64xf32, #tpu.memory_space<vmem>>) offsets(%dma_start3A_133 : memref<80xi32, #tpu.memory_space<vmem>>) semaphore(%arg24 : memref<!tpu.dma_semaphore, #tpu.memory_space<semaphore_mem>>)
    %scan3A_137 = arith.constant 0 : i32
    %scan3A_138 = arith.constant 0 : i32
    %scan3A_139 = arith.constant 30 : i32
    %scan3A_140 = arith.addi %scan3A_138, %scan3A_139 : i32
    %scan3A_141 = arith.constant 1 : i32
    scf.for %scan3A_318 = %scan3A_138 to %scan3A_140 step %scan3A_141  : i32 {
      %mul3A_319 = arith.constant 8 : i32
      %mul3A_320 = arith.muli %scan3A_318, %mul3A_319 : i32
      %add3A_321 = arith.constant 4 : i32
      %add3A_322 = arith.addi %add3A_321, %mul3A_320 : i32
      %dma_wait3A_323 = arith.constant 0 : i32
      %dma_wait3A_324 = arith.constant 0 : i32
      %dma_wait3A_325 = tpu.memref_slice %arg6[%dma_wait3A_323, %dma_wait3A_324] : memref<250x80xi32, #tpu.memory_space<vmem>> -> memref<1x80xi32, #tpu.memory_space<vmem>>
      %dma_wait3A_326 = tpu.memref_squeeze %dma_wait3A_325 : memref<1x80xi32, #tpu.memory_space<vmem>> -> memref<80xi32, #tpu.memory_space<vmem>>
      %dma_wait3A_327 = arith.constant 0 : i32
      %dma_wait3A_328 = arith.constant 0 : i32
      %dma_wait3A_329 = tpu.memref_slice %arg2[%dma_wait3A_327, %dma_wait3A_328] : memref<20000x64xf32, #tpu.memory_space<hbm>> -> memref<20000x64xf32, #tpu.memory_space<hbm>>
      tpu.wait_indirect_dma semaphore(%arg21 : memref<!tpu.dma_semaphore, #tpu.memory_space<semaphore_mem>>) src(%dma_wait3A_329 : memref<20000x64xf32, #tpu.memory_space<hbm>>) dst(%arg13 : memref<80x64xf32, #tpu.memory_space<vmem>>)
      %add3A_330 = arith.constant 0 : i32
      %add3A_331 = arith.addi %add3A_322, %add3A_330 : i32
      %dma_start3A_332 = arith.constant 0 : i32
      %dma_start3A_333 = tpu.memref_slice %arg7[%add3A_331, %dma_start3A_332] : memref<250x80xi32, #tpu.memory_space<vmem>> -> memref<1x80xi32, #tpu.memory_space<vmem>>
      %dma_start3A_334 = tpu.memref_squeeze %dma_start3A_333 : memref<1x80xi32, #tpu.memory_space<vmem>> -> memref<80xi32, #tpu.memory_space<vmem>>
      %dma_start3A_335 = arith.constant 0 : i32
      %dma_start3A_336 = arith.constant 0 : i32
      %dma_start3A_337 = tpu.memref_slice %arg8[%dma_start3A_335, %dma_start3A_336] : memref<10240x64xf32, #tpu.memory_space<vmem_shared>> -> memref<10240x64xf32, #tpu.memory_space<vmem_shared>>
      tpu.enqueue_indirect_dma source(%arg13 : memref<80x64xf32, #tpu.memory_space<vmem>>) target(%dma_start3A_337 : memref<10240x64xf32, #tpu.memory_space<vmem_shared>>) offsets(%dma_start3A_334 : memref<80xi32, #tpu.memory_space<vmem>>) semaphore(%arg29 : memref<!tpu.dma_semaphore, #tpu.memory_space<semaphore_mem>>) {add = true}
      %dma_wait3A_338 = arith.constant 0 : i32
      %dma_wait3A_339 = arith.constant 0 : i32
      %dma_wait3A_340 = tpu.memref_slice %arg7[%dma_wait3A_338, %dma_wait3A_339] : memref<250x80xi32, #tpu.memory_space<vmem>> -> memref<1x80xi32, #tpu.memory_space<vmem>>
      %dma_wait3A_341 = tpu.memref_squeeze %dma_wait3A_340 : memref<1x80xi32, #tpu.memory_space<vmem>> -> memref<80xi32, #tpu.memory_space<vmem>>
      %dma_wait3A_342 = arith.constant 0 : i32
      %dma_wait3A_343 = arith.constant 0 : i32
      %dma_wait3A_344 = tpu.memref_slice %arg8[%dma_wait3A_342, %dma_wait3A_343] : memref<10240x64xf32, #tpu.memory_space<vmem_shared>> -> memref<10240x64xf32, #tpu.memory_space<vmem_shared>>
      tpu.wait_indirect_dma semaphore(%arg25 : memref<!tpu.dma_semaphore, #tpu.memory_space<semaphore_mem>>) src(%arg9 : memref<80x64xf32, #tpu.memory_space<vmem>>) dst(%dma_wait3A_344 : memref<10240x64xf32, #tpu.memory_space<vmem_shared>>)
      %add3A_345 = arith.constant 0 : i32
      %add3A_346 = arith.addi %add3A_322, %add3A_345 : i32
      %add3A_347 = arith.constant 4 : i32
      %add3A_348 = arith.addi %add3A_346, %add3A_347 : i32
      %dma_start3A_349 = arith.constant 0 : i32
      %dma_start3A_350 = tpu.memref_slice %arg6[%add3A_348, %dma_start3A_349] : memref<250x80xi32, #tpu.memory_space<vmem>> -> memref<1x80xi32, #tpu.memory_space<vmem>>
      %dma_start3A_351 = tpu.memref_squeeze %dma_start3A_350 : memref<1x80xi32, #tpu.memory_space<vmem>> -> memref<80xi32, #tpu.memory_space<vmem>>
      %dma_start3A_352 = arith.constant 0 : i32
      %dma_start3A_353 = arith.constant 0 : i32
      %dma_start3A_354 = tpu.memref_slice %arg2[%dma_start3A_352, %dma_start3A_353] : memref<20000x64xf32, #tpu.memory_space<hbm>> -> memref<20000x64xf32, #tpu.memory_space<hbm>>
      tpu.enqueue_indirect_dma source(%dma_start3A_354 : memref<20000x64xf32, #tpu.memory_space<hbm>>) target(%arg9 : memref<80x64xf32, #tpu.memory_space<vmem>>) offsets(%dma_start3A_351 : memref<80xi32, #tpu.memory_space<vmem>>) semaphore(%arg17 : memref<!tpu.dma_semaphore, #tpu.memory_space<semaphore_mem>>)
      %dma_wait3A_355 = arith.constant 0 : i32
      %dma_wait3A_356 = arith.constant 0 : i32
      %dma_wait3A_357 = tpu.memref_slice %arg6[%dma_wait3A_355, %dma_wait3A_356] : memref<250x80xi32, #tpu.memory_space<vmem>> -> memref<1x80xi32, #tpu.memory_space<vmem>>
      %dma_wait3A_358 = tpu.memref_squeeze %dma_wait3A_357 : memref<1x80xi32, #tpu.memory_space<vmem>> -> memref<80xi32, #tpu.memory_space<vmem>>
      %dma_wait3A_359 = arith.constant 0 : i32
      %dma_wait3A_360 = arith.constant 0 : i32
      %dma_wait3A_361 = tpu.memref_slice %arg2[%dma_wait3A_359, %dma_wait3A_360] : memref<20000x64xf32, #tpu.memory_space<hbm>> -> memref<20000x64xf32, #tpu.memory_space<hbm>>
      tpu.wait_indirect_dma semaphore(%arg22 : memref<!tpu.dma_semaphore, #tpu.memory_space<semaphore_mem>>) src(%dma_wait3A_361 : memref<20000x64xf32, #tpu.memory_space<hbm>>) dst(%arg14 : memref<80x64xf32, #tpu.memory_space<vmem>>)
      %add3A_362 = arith.constant 1 : i32
      %add3A_363 = arith.addi %add3A_322, %add3A_362 : i32
      %dma_start3A_364 = arith.constant 0 : i32
      %dma_start3A_365 = tpu.memref_slice %arg7[%add3A_363, %dma_start3A_364] : memref<250x80xi32, #tpu.memory_space<vmem>> -> memref<1x80xi32, #tpu.memory_space<vmem>>
      %dma_start3A_366 = tpu.memref_squeeze %dma_start3A_365 : memref<1x80xi32, #tpu.memory_space<vmem>> -> memref<80xi32, #tpu.memory_space<vmem>>
      %dma_start3A_367 = arith.constant 0 : i32
      %dma_start3A_368 = arith.constant 0 : i32
      %dma_start3A_369 = tpu.memref_slice %arg8[%dma_start3A_367, %dma_start3A_368] : memref<10240x64xf32, #tpu.memory_space<vmem_shared>> -> memref<10240x64xf32, #tpu.memory_space<vmem_shared>>
      tpu.enqueue_indirect_dma source(%arg14 : memref<80x64xf32, #tpu.memory_space<vmem>>) target(%dma_start3A_369 : memref<10240x64xf32, #tpu.memory_space<vmem_shared>>) offsets(%dma_start3A_366 : memref<80xi32, #tpu.memory_space<vmem>>) semaphore(%arg30 : memref<!tpu.dma_semaphore, #tpu.memory_space<semaphore_mem>>) {add = true}
      %dma_wait3A_370 = arith.constant 0 : i32
      %dma_wait3A_371 = arith.constant 0 : i32
      %dma_wait3A_372 = tpu.memref_slice %arg7[%dma_wait3A_370, %dma_wait3A_371] : memref<250x80xi32, #tpu.memory_space<vmem>> -> memref<1x80xi32, #tpu.memory_space<vmem>>
      %dma_wait3A_373 = tpu.memref_squeeze %dma_wait3A_372 : memref<1x80xi32, #tpu.memory_space<vmem>> -> memref<80xi32, #tpu.memory_space<vmem>>
      %dma_wait3A_374 = arith.constant 0 : i32
      %dma_wait3A_375 = arith.constant 0 : i32
      %dma_wait3A_376 = tpu.memref_slice %arg8[%dma_wait3A_374, %dma_wait3A_375] : memref<10240x64xf32, #tpu.memory_space<vmem_shared>> -> memref<10240x64xf32, #tpu.memory_space<vmem_shared>>
      tpu.wait_indirect_dma semaphore(%arg26 : memref<!tpu.dma_semaphore, #tpu.memory_space<semaphore_mem>>) src(%arg10 : memref<80x64xf32, #tpu.memory_space<vmem>>) dst(%dma_wait3A_376 : memref<10240x64xf32, #tpu.memory_space<vmem_shared>>)
      %add3A_377 = arith.constant 1 : i32
      %add3A_378 = arith.addi %add3A_322, %add3A_377 : i32
      %add3A_379 = arith.constant 4 : i32
      %add3A_380 = arith.addi %add3A_378, %add3A_379 : i32
      %dma_start3A_381 = arith.constant 0 : i32
      %dma_start3A_382 = tpu.memref_slice %arg6[%add3A_380, %dma_start3A_381] : memref<250x80xi32, #tpu.memory_space<vmem>> -> memref<1x80xi32, #tpu.memory_space<vmem>>
      %dma_start3A_383 = tpu.memref_squeeze %dma_start3A_382 : memref<1x80xi32, #tpu.memory_space<vmem>> -> memref<80xi32, #tpu.memory_space<vmem>>
      %dma_start3A_384 = arith.constant 0 : i32
      %dma_start3A_385 = arith.constant 0 : i32
      %dma_start3A_386 = tpu.memref_slice %arg2[%dma_start3A_384, %dma_start3A_385] : memref<20000x64xf32, #tpu.memory_space<hbm>> -> memref<20000x64xf32, #tpu.memory_space<hbm>>
      tpu.enqueue_indirect_dma source(%dma_start3A_386 : memref<20000x64xf32, #tpu.memory_space<hbm>>) target(%arg10 : memref<80x64xf32, #tpu.memory_space<vmem>>) offsets(%dma_start3A_383 : memref<80xi32, #tpu.memory_space<vmem>>) semaphore(%arg18 : memref<!tpu.dma_semaphore, #tpu.memory_space<semaphore_mem>>)
      %dma_wait3A_387 = arith.constant 0 : i32
      %dma_wait3A_388 = arith.constant 0 : i32
      %dma_wait3A_389 = tpu.memref_slice %arg6[%dma_wait3A_387, %dma_wait3A_388] : memref<250x80xi32, #tpu.memory_space<vmem>> -> memref<1x80xi32, #tpu.memory_space<vmem>>
      %dma_wait3A_390 = tpu.memref_squeeze %dma_wait3A_389 : memref<1x80xi32, #tpu.memory_space<vmem>> -> memref<80xi32, #tpu.memory_space<vmem>>
      %dma_wait3A_391 = arith.constant 0 : i32
      %dma_wait3A_392 = arith.constant 0 : i32
      %dma_wait3A_393 = tpu.memref_slice %arg2[%dma_wait3A_391, %dma_wait3A_392] : memref<20000x64xf32, #tpu.memory_space<hbm>> -> memref<20000x64xf32, #tpu.memory_space<hbm>>
      tpu.wait_indirect_dma semaphore(%arg23 : memref<!tpu.dma_semaphore, #tpu.memory_space<semaphore_mem>>) src(%dma_wait3A_393 : memref<20000x64xf32, #tpu.memory_space<hbm>>) dst(%arg15 : memref<80x64xf32, #tpu.memory_space<vmem>>)
      %add3A_394 = arith.constant 2 : i32
      %add3A_395 = arith.addi %add3A_322, %add3A_394 : i32
      %dma_start3A_396 = arith.constant 0 : i32
      %dma_start3A_397 = tpu.memref_slice %arg7[%add3A_395, %dma_start3A_396] : memref<250x80xi32, #tpu.memory_space<vmem>> -> memref<1x80xi32, #tpu.memory_space<vmem>>
      %dma_start3A_398 = tpu.memref_squeeze %dma_start3A_397 : memref<1x80xi32, #tpu.memory_space<vmem>> -> memref<80xi32, #tpu.memory_space<vmem>>
      %dma_start3A_399 = arith.constant 0 : i32
      %dma_start3A_400 = arith.constant 0 : i32
      %dma_start3A_401 = tpu.memref_slice %arg8[%dma_start3A_399, %dma_start3A_400] : memref<10240x64xf32, #tpu.memory_space<vmem_shared>> -> memref<10240x64xf32, #tpu.memory_space<vmem_shared>>
      tpu.enqueue_indirect_dma source(%arg15 : memref<80x64xf32, #tpu.memory_space<vmem>>) target(%dma_start3A_401 : memref<10240x64xf32, #tpu.memory_space<vmem_shared>>) offsets(%dma_start3A_398 : memref<80xi32, #tpu.memory_space<vmem>>) semaphore(%arg31 : memref<!tpu.dma_semaphore, #tpu.memory_space<semaphore_mem>>) {add = true}
      %dma_wait3A_402 = arith.constant 0 : i32
      %dma_wait3A_403 = arith.constant 0 : i32
      %dma_wait3A_404 = tpu.memref_slice %arg7[%dma_wait3A_402, %dma_wait3A_403] : memref<250x80xi32, #tpu.memory_space<vmem>> -> memref<1x80xi32, #tpu.memory_space<vmem>>
      %dma_wait3A_405 = tpu.memref_squeeze %dma_wait3A_404 : memref<1x80xi32, #tpu.memory_space<vmem>> -> memref<80xi32, #tpu.memory_space<vmem>>
      %dma_wait3A_406 = arith.constant 0 : i32
      %dma_wait3A_407 = arith.constant 0 : i32
      %dma_wait3A_408 = tpu.memref_slice %arg8[%dma_wait3A_406, %dma_wait3A_407] : memref<10240x64xf32, #tpu.memory_space<vmem_shared>> -> memref<10240x64xf32, #tpu.memory_space<vmem_shared>>
      tpu.wait_indirect_dma semaphore(%arg27 : memref<!tpu.dma_semaphore, #tpu.memory_space<semaphore_mem>>) src(%arg11 : memref<80x64xf32, #tpu.memory_space<vmem>>) dst(%dma_wait3A_408 : memref<10240x64xf32, #tpu.memory_space<vmem_shared>>)
      %add3A_409 = arith.constant 2 : i32
      %add3A_410 = arith.addi %add3A_322, %add3A_409 : i32
      %add3A_411 = arith.constant 4 : i32
      %add3A_412 = arith.addi %add3A_410, %add3A_411 : i32
      %dma_start3A_413 = arith.constant 0 : i32
      %dma_start3A_414 = tpu.memref_slice %arg6[%add3A_412, %dma_start3A_413] : memref<250x80xi32, #tpu.memory_space<vmem>> -> memref<1x80xi32, #tpu.memory_space<vmem>>
      %dma_start3A_415 = tpu.memref_squeeze %dma_start3A_414 : memref<1x80xi32, #tpu.memory_space<vmem>> -> memref<80xi32, #tpu.memory_space<vmem>>
      %dma_start3A_416 = arith.constant 0 : i32
      %dma_start3A_417 = arith.constant 0 : i32
      %dma_start3A_418 = tpu.memref_slice %arg2[%dma_start3A_416, %dma_start3A_417] : memref<20000x64xf32, #tpu.memory_space<hbm>> -> memref<20000x64xf32, #tpu.memory_space<hbm>>
      tpu.enqueue_indirect_dma source(%dma_start3A_418 : memref<20000x64xf32, #tpu.memory_space<hbm>>) target(%arg11 : memref<80x64xf32, #tpu.memory_space<vmem>>) offsets(%dma_start3A_415 : memref<80xi32, #tpu.memory_space<vmem>>) semaphore(%arg19 : memref<!tpu.dma_semaphore, #tpu.memory_space<semaphore_mem>>)
      %dma_wait3A_419 = arith.constant 0 : i32
      %dma_wait3A_420 = arith.constant 0 : i32
      %dma_wait3A_421 = tpu.memref_slice %arg6[%dma_wait3A_419, %dma_wait3A_420] : memref<250x80xi32, #tpu.memory_space<vmem>> -> memref<1x80xi32, #tpu.memory_space<vmem>>
      %dma_wait3A_422 = tpu.memref_squeeze %dma_wait3A_421 : memref<1x80xi32, #tpu.memory_space<vmem>> -> memref<80xi32, #tpu.memory_space<vmem>>
      %dma_wait3A_423 = arith.constant 0 : i32
      %dma_wait3A_424 = arith.constant 0 : i32
      %dma_wait3A_425 = tpu.memref_slice %arg2[%dma_wait3A_423, %dma_wait3A_424] : memref<20000x64xf32, #tpu.memory_space<hbm>> -> memref<20000x64xf32, #tpu.memory_space<hbm>>
      tpu.wait_indirect_dma semaphore(%arg24 : memref<!tpu.dma_semaphore, #tpu.memory_space<semaphore_mem>>) src(%dma_wait3A_425 : memref<20000x64xf32, #tpu.memory_space<hbm>>) dst(%arg16 : memref<80x64xf32, #tpu.memory_space<vmem>>)
      %add3A_426 = arith.constant 3 : i32
      %add3A_427 = arith.addi %add3A_322, %add3A_426 : i32
      %dma_start3A_428 = arith.constant 0 : i32
      %dma_start3A_429 = tpu.memref_slice %arg7[%add3A_427, %dma_start3A_428] : memref<250x80xi32, #tpu.memory_space<vmem>> -> memref<1x80xi32, #tpu.memory_space<vmem>>
      %dma_start3A_430 = tpu.memref_squeeze %dma_start3A_429 : memref<1x80xi32, #tpu.memory_space<vmem>> -> memref<80xi32, #tpu.memory_space<vmem>>
      %dma_start3A_431 = arith.constant 0 : i32
      %dma_start3A_432 = arith.constant 0 : i32
      %dma_start3A_433 = tpu.memref_slice %arg8[%dma_start3A_431, %dma_start3A_432] : memref<10240x64xf32, #tpu.memory_space<vmem_shared>> -> memref<10240x64xf32, #tpu.memory_space<vmem_shared>>
      tpu.enqueue_indirect_dma source(%arg16 : memref<80x64xf32, #tpu.memory_space<vmem>>) target(%dma_start3A_433 : memref<10240x64xf32, #tpu.memory_space<vmem_shared>>) offsets(%dma_start3A_430 : memref<80xi32, #tpu.memory_space<vmem>>) semaphore(%arg32 : memref<!tpu.dma_semaphore, #tpu.memory_space<semaphore_mem>>) {add = true}
      %dma_wait3A_434 = arith.constant 0 : i32
      %dma_wait3A_435 = arith.constant 0 : i32
      %dma_wait3A_436 = tpu.memref_slice %arg7[%dma_wait3A_434, %dma_wait3A_435] : memref<250x80xi32, #tpu.memory_space<vmem>> -> memref<1x80xi32, #tpu.memory_space<vmem>>
      %dma_wait3A_437 = tpu.memref_squeeze %dma_wait3A_436 : memref<1x80xi32, #tpu.memory_space<vmem>> -> memref<80xi32, #tpu.memory_space<vmem>>
      %dma_wait3A_438 = arith.constant 0 : i32
      %dma_wait3A_439 = arith.constant 0 : i32
      %dma_wait3A_440 = tpu.memref_slice %arg8[%dma_wait3A_438, %dma_wait3A_439] : memref<10240x64xf32, #tpu.memory_space<vmem_shared>> -> memref<10240x64xf32, #tpu.memory_space<vmem_shared>>
      tpu.wait_indirect_dma semaphore(%arg28 : memref<!tpu.dma_semaphore, #tpu.memory_space<semaphore_mem>>) src(%arg12 : memref<80x64xf32, #tpu.memory_space<vmem>>) dst(%dma_wait3A_440 : memref<10240x64xf32, #tpu.memory_space<vmem_shared>>)
      %add3A_441 = arith.constant 3 : i32
      %add3A_442 = arith.addi %add3A_322, %add3A_441 : i32
      %add3A_443 = arith.constant 4 : i32
      %add3A_444 = arith.addi %add3A_442, %add3A_443 : i32
      %dma_start3A_445 = arith.constant 0 : i32
      %dma_start3A_446 = tpu.memref_slice %arg6[%add3A_444, %dma_start3A_445] : memref<250x80xi32, #tpu.memory_space<vmem>> -> memref<1x80xi32, #tpu.memory_space<vmem>>
      %dma_start3A_447 = tpu.memref_squeeze %dma_start3A_446 : memref<1x80xi32, #tpu.memory_space<vmem>> -> memref<80xi32, #tpu.memory_space<vmem>>
      %dma_start3A_448 = arith.constant 0 : i32
      %dma_start3A_449 = arith.constant 0 : i32
      %dma_start3A_450 = tpu.memref_slice %arg2[%dma_start3A_448, %dma_start3A_449] : memref<20000x64xf32, #tpu.memory_space<hbm>> -> memref<20000x64xf32, #tpu.memory_space<hbm>>
      tpu.enqueue_indirect_dma source(%dma_start3A_450 : memref<20000x64xf32, #tpu.memory_space<hbm>>) target(%arg12 : memref<80x64xf32, #tpu.memory_space<vmem>>) offsets(%dma_start3A_447 : memref<80xi32, #tpu.memory_space<vmem>>) semaphore(%arg20 : memref<!tpu.dma_semaphore, #tpu.memory_space<semaphore_mem>>)
      %dma_wait3A_451 = arith.constant 0 : i32
      %dma_wait3A_452 = arith.constant 0 : i32
      %dma_wait3A_453 = tpu.memref_slice %arg6[%dma_wait3A_451, %dma_wait3A_452] : memref<250x80xi32, #tpu.memory_space<vmem>> -> memref<1x80xi32, #tpu.memory_space<vmem>>
      %dma_wait3A_454 = tpu.memref_squeeze %dma_wait3A_453 : memref<1x80xi32, #tpu.memory_space<vmem>> -> memref<80xi32, #tpu.memory_space<vmem>>
      %dma_wait3A_455 = arith.constant 0 : i32
      %dma_wait3A_456 = arith.constant 0 : i32
      %dma_wait3A_457 = tpu.memref_slice %arg2[%dma_wait3A_455, %dma_wait3A_456] : memref<20000x64xf32, #tpu.memory_space<hbm>> -> memref<20000x64xf32, #tpu.memory_space<hbm>>
      tpu.wait_indirect_dma semaphore(%arg17 : memref<!tpu.dma_semaphore, #tpu.memory_space<semaphore_mem>>) src(%dma_wait3A_457 : memref<20000x64xf32, #tpu.memory_space<hbm>>) dst(%arg9 : memref<80x64xf32, #tpu.memory_space<vmem>>)
      %add3A_458 = arith.constant 4 : i32
      %add3A_459 = arith.addi %add3A_322, %add3A_458 : i32
      %dma_start3A_460 = arith.constant 0 : i32
      %dma_start3A_461 = tpu.memref_slice %arg7[%add3A_459, %dma_start3A_460] : memref<250x80xi32, #tpu.memory_space<vmem>> -> memref<1x80xi32, #tpu.memory_space<vmem>>
      %dma_start3A_462 = tpu.memref_squeeze %dma_start3A_461 : memref<1x80xi32, #tpu.memory_space<vmem>> -> memref<80xi32, #tpu.memory_space<vmem>>
      %dma_start3A_463 = arith.constant 0 : i32
      %dma_start3A_464 = arith.constant 0 : i32
      %dma_start3A_465 = tpu.memref_slice %arg8[%dma_start3A_463, %dma_start3A_464] : memref<10240x64xf32, #tpu.memory_space<vmem_shared>> -> memref<10240x64xf32, #tpu.memory_space<vmem_shared>>
      tpu.enqueue_indirect_dma source(%arg9 : memref<80x64xf32, #tpu.memory_space<vmem>>) target(%dma_start3A_465 : memref<10240x64xf32, #tpu.memory_space<vmem_shared>>) offsets(%dma_start3A_462 : memref<80xi32, #tpu.memory_space<vmem>>) semaphore(%arg25 : memref<!tpu.dma_semaphore, #tpu.memory_space<semaphore_mem>>) {add = true}
      %dma_wait3A_466 = arith.constant 0 : i32
      %dma_wait3A_467 = arith.constant 0 : i32
      %dma_wait3A_468 = tpu.memref_slice %arg7[%dma_wait3A_466, %dma_wait3A_467] : memref<250x80xi32, #tpu.memory_space<vmem>> -> memref<1x80xi32, #tpu.memory_space<vmem>>
      %dma_wait3A_469 = tpu.memref_squeeze %dma_wait3A_468 : memref<1x80xi32, #tpu.memory_space<vmem>> -> memref<80xi32, #tpu.memory_space<vmem>>
      %dma_wait3A_470 = arith.constant 0 : i32
      %dma_wait3A_471 = arith.constant 0 : i32
      %dma_wait3A_472 = tpu.memref_slice %arg8[%dma_wait3A_470, %dma_wait3A_471] : memref<10240x64xf32, #tpu.memory_space<vmem_shared>> -> memref<10240x64xf32, #tpu.memory_space<vmem_shared>>
      tpu.wait_indirect_dma semaphore(%arg29 : memref<!tpu.dma_semaphore, #tpu.memory_space<semaphore_mem>>) src(%arg13 : memref<80x64xf32, #tpu.memory_space<vmem>>) dst(%dma_wait3A_472 : memref<10240x64xf32, #tpu.memory_space<vmem_shared>>)
      %add3A_473 = arith.constant 4 : i32
      %add3A_474 = arith.addi %add3A_322, %add3A_473 : i32
      %add3A_475 = arith.constant 4 : i32
      %add3A_476 = arith.addi %add3A_474, %add3A_475 : i32
      %dma_start3A_477 = arith.constant 0 : i32
      %dma_start3A_478 = tpu.memref_slice %arg6[%add3A_476, %dma_start3A_477] : memref<250x80xi32, #tpu.memory_space<vmem>> -> memref<1x80xi32, #tpu.memory_space<vmem>>
      %dma_start3A_479 = tpu.memref_squeeze %dma_start3A_478 : memref<1x80xi32, #tpu.memory_space<vmem>> -> memref<80xi32, #tpu.memory_space<vmem>>
      %dma_start3A_480 = arith.constant 0 : i32
      %dma_start3A_481 = arith.constant 0 : i32
      %dma_start3A_482 = tpu.memref_slice %arg2[%dma_start3A_480, %dma_start3A_481] : memref<20000x64xf32, #tpu.memory_space<hbm>> -> memref<20000x64xf32, #tpu.memory_space<hbm>>
      tpu.enqueue_indirect_dma source(%dma_start3A_482 : memref<20000x64xf32, #tpu.memory_space<hbm>>) target(%arg13 : memref<80x64xf32, #tpu.memory_space<vmem>>) offsets(%dma_start3A_479 : memref<80xi32, #tpu.memory_space<vmem>>) semaphore(%arg21 : memref<!tpu.dma_semaphore, #tpu.memory_space<semaphore_mem>>)
      %dma_wait3A_483 = arith.constant 0 : i32
      %dma_wait3A_484 = arith.constant 0 : i32
      %dma_wait3A_485 = tpu.memref_slice %arg6[%dma_wait3A_483, %dma_wait3A_484] : memref<250x80xi32, #tpu.memory_space<vmem>> -> memref<1x80xi32, #tpu.memory_space<vmem>>
      %dma_wait3A_486 = tpu.memref_squeeze %dma_wait3A_485 : memref<1x80xi32, #tpu.memory_space<vmem>> -> memref<80xi32, #tpu.memory_space<vmem>>
      %dma_wait3A_487 = arith.constant 0 : i32
      %dma_wait3A_488 = arith.constant 0 : i32
      %dma_wait3A_489 = tpu.memref_slice %arg2[%dma_wait3A_487, %dma_wait3A_488] : memref<20000x64xf32, #tpu.memory_space<hbm>> -> memref<20000x64xf32, #tpu.memory_space<hbm>>
      tpu.wait_indirect_dma semaphore(%arg18 : memref<!tpu.dma_semaphore, #tpu.memory_space<semaphore_mem>>) src(%dma_wait3A_489 : memref<20000x64xf32, #tpu.memory_space<hbm>>) dst(%arg10 : memref<80x64xf32, #tpu.memory_space<vmem>>)
      %add3A_490 = arith.constant 5 : i32
      %add3A_491 = arith.addi %add3A_322, %add3A_490 : i32
      %dma_start3A_492 = arith.constant 0 : i32
      %dma_start3A_493 = tpu.memref_slice %arg7[%add3A_491, %dma_start3A_492] : memref<250x80xi32, #tpu.memory_space<vmem>> -> memref<1x80xi32, #tpu.memory_space<vmem>>
      %dma_start3A_494 = tpu.memref_squeeze %dma_start3A_493 : memref<1x80xi32, #tpu.memory_space<vmem>> -> memref<80xi32, #tpu.memory_space<vmem>>
      %dma_start3A_495 = arith.constant 0 : i32
      %dma_start3A_496 = arith.constant 0 : i32
      %dma_start3A_497 = tpu.memref_slice %arg8[%dma_start3A_495, %dma_start3A_496] : memref<10240x64xf32, #tpu.memory_space<vmem_shared>> -> memref<10240x64xf32, #tpu.memory_space<vmem_shared>>
      tpu.enqueue_indirect_dma source(%arg10 : memref<80x64xf32, #tpu.memory_space<vmem>>) target(%dma_start3A_497 : memref<10240x64xf32, #tpu.memory_space<vmem_shared>>) offsets(%dma_start3A_494 : memref<80xi32, #tpu.memory_space<vmem>>) semaphore(%arg26 : memref<!tpu.dma_semaphore, #tpu.memory_space<semaphore_mem>>) {add = true}
      %dma_wait3A_498 = arith.constant 0 : i32
      %dma_wait3A_499 = arith.constant 0 : i32
      %dma_wait3A_500 = tpu.memref_slice %arg7[%dma_wait3A_498, %dma_wait3A_499] : memref<250x80xi32, #tpu.memory_space<vmem>> -> memref<1x80xi32, #tpu.memory_space<vmem>>
      %dma_wait3A_501 = tpu.memref_squeeze %dma_wait3A_500 : memref<1x80xi32, #tpu.memory_space<vmem>> -> memref<80xi32, #tpu.memory_space<vmem>>
      %dma_wait3A_502 = arith.constant 0 : i32
      %dma_wait3A_503 = arith.constant 0 : i32
      %dma_wait3A_504 = tpu.memref_slice %arg8[%dma_wait3A_502, %dma_wait3A_503] : memref<10240x64xf32, #tpu.memory_space<vmem_shared>> -> memref<10240x64xf32, #tpu.memory_space<vmem_shared>>
      tpu.wait_indirect_dma semaphore(%arg30 : memref<!tpu.dma_semaphore, #tpu.memory_space<semaphore_mem>>) src(%arg14 : memref<80x64xf32, #tpu.memory_space<vmem>>) dst(%dma_wait3A_504 : memref<10240x64xf32, #tpu.memory_space<vmem_shared>>)
      %add3A_505 = arith.constant 5 : i32
      %add3A_506 = arith.addi %add3A_322, %add3A_505 : i32
      %add3A_507 = arith.constant 4 : i32
      %add3A_508 = arith.addi %add3A_506, %add3A_507 : i32
      %dma_start3A_509 = arith.constant 0 : i32
      %dma_start3A_510 = tpu.memref_slice %arg6[%add3A_508, %dma_start3A_509] : memref<250x80xi32, #tpu.memory_space<vmem>> -> memref<1x80xi32, #tpu.memory_space<vmem>>
      %dma_start3A_511 = tpu.memref_squeeze %dma_start3A_510 : memref<1x80xi32, #tpu.memory_space<vmem>> -> memref<80xi32, #tpu.memory_space<vmem>>
      %dma_start3A_512 = arith.constant 0 : i32
      %dma_start3A_513 = arith.constant 0 : i32
      %dma_start3A_514 = tpu.memref_slice %arg2[%dma_start3A_512, %dma_start3A_513] : memref<20000x64xf32, #tpu.memory_space<hbm>> -> memref<20000x64xf32, #tpu.memory_space<hbm>>
      tpu.enqueue_indirect_dma source(%dma_start3A_514 : memref<20000x64xf32, #tpu.memory_space<hbm>>) target(%arg14 : memref<80x64xf32, #tpu.memory_space<vmem>>) offsets(%dma_start3A_511 : memref<80xi32, #tpu.memory_space<vmem>>) semaphore(%arg22 : memref<!tpu.dma_semaphore, #tpu.memory_space<semaphore_mem>>)
      %dma_wait3A_515 = arith.constant 0 : i32
      %dma_wait3A_516 = arith.constant 0 : i32
      %dma_wait3A_517 = tpu.memref_slice %arg6[%dma_wait3A_515, %dma_wait3A_516] : memref<250x80xi32, #tpu.memory_space<vmem>> -> memref<1x80xi32, #tpu.memory_space<vmem>>
      %dma_wait3A_518 = tpu.memref_squeeze %dma_wait3A_517 : memref<1x80xi32, #tpu.memory_space<vmem>> -> memref<80xi32, #tpu.memory_space<vmem>>
      %dma_wait3A_519 = arith.constant 0 : i32
      %dma_wait3A_520 = arith.constant 0 : i32
      %dma_wait3A_521 = tpu.memref_slice %arg2[%dma_wait3A_519, %dma_wait3A_520] : memref<20000x64xf32, #tpu.memory_space<hbm>> -> memref<20000x64xf32, #tpu.memory_space<hbm>>
      tpu.wait_indirect_dma semaphore(%arg19 : memref<!tpu.dma_semaphore, #tpu.memory_space<semaphore_mem>>) src(%dma_wait3A_521 : memref<20000x64xf32, #tpu.memory_space<hbm>>) dst(%arg11 : memref<80x64xf32, #tpu.memory_space<vmem>>)
      %add3A_522 = arith.constant 6 : i32
      %add3A_523 = arith.addi %add3A_322, %add3A_522 : i32
      %dma_start3A_524 = arith.constant 0 : i32
      %dma_start3A_525 = tpu.memref_slice %arg7[%add3A_523, %dma_start3A_524] : memref<250x80xi32, #tpu.memory_space<vmem>> -> memref<1x80xi32, #tpu.memory_space<vmem>>
      %dma_start3A_526 = tpu.memref_squeeze %dma_start3A_525 : memref<1x80xi32, #tpu.memory_space<vmem>> -> memref<80xi32, #tpu.memory_space<vmem>>
      %dma_start3A_527 = arith.constant 0 : i32
      %dma_start3A_528 = arith.constant 0 : i32
      %dma_start3A_529 = tpu.memref_slice %arg8[%dma_start3A_527, %dma_start3A_528] : memref<10240x64xf32, #tpu.memory_space<vmem_shared>> -> memref<10240x64xf32, #tpu.memory_space<vmem_shared>>
      tpu.enqueue_indirect_dma source(%arg11 : memref<80x64xf32, #tpu.memory_space<vmem>>) target(%dma_start3A_529 : memref<10240x64xf32, #tpu.memory_space<vmem_shared>>) offsets(%dma_start3A_526 : memref<80xi32, #tpu.memory_space<vmem>>) semaphore(%arg27 : memref<!tpu.dma_semaphore, #tpu.memory_space<semaphore_mem>>) {add = true}
      %dma_wait3A_530 = arith.constant 0 : i32
      %dma_wait3A_531 = arith.constant 0 : i32
      %dma_wait3A_532 = tpu.memref_slice %arg7[%dma_wait3A_530, %dma_wait3A_531] : memref<250x80xi32, #tpu.memory_space<vmem>> -> memref<1x80xi32, #tpu.memory_space<vmem>>
      %dma_wait3A_533 = tpu.memref_squeeze %dma_wait3A_532 : memref<1x80xi32, #tpu.memory_space<vmem>> -> memref<80xi32, #tpu.memory_space<vmem>>
      %dma_wait3A_534 = arith.constant 0 : i32
      %dma_wait3A_535 = arith.constant 0 : i32
      %dma_wait3A_536 = tpu.memref_slice %arg8[%dma_wait3A_534, %dma_wait3A_535] : memref<10240x64xf32, #tpu.memory_space<vmem_shared>> -> memref<10240x64xf32, #tpu.memory_space<vmem_shared>>
      tpu.wait_indirect_dma semaphore(%arg31 : memref<!tpu.dma_semaphore, #tpu.memory_space<semaphore_mem>>) src(%arg15 : memref<80x64xf32, #tpu.memory_space<vmem>>) dst(%dma_wait3A_536 : memref<10240x64xf32, #tpu.memory_space<vmem_shared>>)
      %add3A_537 = arith.constant 6 : i32
      %add3A_538 = arith.addi %add3A_322, %add3A_537 : i32
      %add3A_539 = arith.constant 4 : i32
      %add3A_540 = arith.addi %add3A_538, %add3A_539 : i32
      %dma_start3A_541 = arith.constant 0 : i32
      %dma_start3A_542 = tpu.memref_slice %arg6[%add3A_540, %dma_start3A_541] : memref<250x80xi32, #tpu.memory_space<vmem>> -> memref<1x80xi32, #tpu.memory_space<vmem>>
      %dma_start3A_543 = tpu.memref_squeeze %dma_start3A_542 : memref<1x80xi32, #tpu.memory_space<vmem>> -> memref<80xi32, #tpu.memory_space<vmem>>
      %dma_start3A_544 = arith.constant 0 : i32
      %dma_start3A_545 = arith.constant 0 : i32
      %dma_start3A_546 = tpu.memref_slice %arg2[%dma_start3A_544, %dma_start3A_545] : memref<20000x64xf32, #tpu.memory_space<hbm>> -> memref<20000x64xf32, #tpu.memory_space<hbm>>
      tpu.enqueue_indirect_dma source(%dma_start3A_546 : memref<20000x64xf32, #tpu.memory_space<hbm>>) target(%arg15 : memref<80x64xf32, #tpu.memory_space<vmem>>) offsets(%dma_start3A_543 : memref<80xi32, #tpu.memory_space<vmem>>) semaphore(%arg23 : memref<!tpu.dma_semaphore, #tpu.memory_space<semaphore_mem>>)
      %dma_wait3A_547 = arith.constant 0 : i32
      %dma_wait3A_548 = arith.constant 0 : i32
      %dma_wait3A_549 = tpu.memref_slice %arg6[%dma_wait3A_547, %dma_wait3A_548] : memref<250x80xi32, #tpu.memory_space<vmem>> -> memref<1x80xi32, #tpu.memory_space<vmem>>
      %dma_wait3A_550 = tpu.memref_squeeze %dma_wait3A_549 : memref<1x80xi32, #tpu.memory_space<vmem>> -> memref<80xi32, #tpu.memory_space<vmem>>
      %dma_wait3A_551 = arith.constant 0 : i32
      %dma_wait3A_552 = arith.constant 0 : i32
      %dma_wait3A_553 = tpu.memref_slice %arg2[%dma_wait3A_551, %dma_wait3A_552] : memref<20000x64xf32, #tpu.memory_space<hbm>> -> memref<20000x64xf32, #tpu.memory_space<hbm>>
      tpu.wait_indirect_dma semaphore(%arg20 : memref<!tpu.dma_semaphore, #tpu.memory_space<semaphore_mem>>) src(%dma_wait3A_553 : memref<20000x64xf32, #tpu.memory_space<hbm>>) dst(%arg12 : memref<80x64xf32, #tpu.memory_space<vmem>>)
      %add3A_554 = arith.constant 7 : i32
      %add3A_555 = arith.addi %add3A_322, %add3A_554 : i32
      %dma_start3A_556 = arith.constant 0 : i32
      %dma_start3A_557 = tpu.memref_slice %arg7[%add3A_555, %dma_start3A_556] : memref<250x80xi32, #tpu.memory_space<vmem>> -> memref<1x80xi32, #tpu.memory_space<vmem>>
      %dma_start3A_558 = tpu.memref_squeeze %dma_start3A_557 : memref<1x80xi32, #tpu.memory_space<vmem>> -> memref<80xi32, #tpu.memory_space<vmem>>
      %dma_start3A_559 = arith.constant 0 : i32
      %dma_start3A_560 = arith.constant 0 : i32
      %dma_start3A_561 = tpu.memref_slice %arg8[%dma_start3A_559, %dma_start3A_560] : memref<10240x64xf32, #tpu.memory_space<vmem_shared>> -> memref<10240x64xf32, #tpu.memory_space<vmem_shared>>
      tpu.enqueue_indirect_dma source(%arg12 : memref<80x64xf32, #tpu.memory_space<vmem>>) target(%dma_start3A_561 : memref<10240x64xf32, #tpu.memory_space<vmem_shared>>) offsets(%dma_start3A_558 : memref<80xi32, #tpu.memory_space<vmem>>) semaphore(%arg28 : memref<!tpu.dma_semaphore, #tpu.memory_space<semaphore_mem>>) {add = true}
      %dma_wait3A_562 = arith.constant 0 : i32
      %dma_wait3A_563 = arith.constant 0 : i32
      %dma_wait3A_564 = tpu.memref_slice %arg7[%dma_wait3A_562, %dma_wait3A_563] : memref<250x80xi32, #tpu.memory_space<vmem>> -> memref<1x80xi32, #tpu.memory_space<vmem>>
      %dma_wait3A_565 = tpu.memref_squeeze %dma_wait3A_564 : memref<1x80xi32, #tpu.memory_space<vmem>> -> memref<80xi32, #tpu.memory_space<vmem>>
      %dma_wait3A_566 = arith.constant 0 : i32
      %dma_wait3A_567 = arith.constant 0 : i32
      %dma_wait3A_568 = tpu.memref_slice %arg8[%dma_wait3A_566, %dma_wait3A_567] : memref<10240x64xf32, #tpu.memory_space<vmem_shared>> -> memref<10240x64xf32, #tpu.memory_space<vmem_shared>>
      tpu.wait_indirect_dma semaphore(%arg32 : memref<!tpu.dma_semaphore, #tpu.memory_space<semaphore_mem>>) src(%arg16 : memref<80x64xf32, #tpu.memory_space<vmem>>) dst(%dma_wait3A_568 : memref<10240x64xf32, #tpu.memory_space<vmem_shared>>)
      %add3A_569 = arith.constant 7 : i32
      %add3A_570 = arith.addi %add3A_322, %add3A_569 : i32
      %add3A_571 = arith.constant 4 : i32
      %add3A_572 = arith.addi %add3A_570, %add3A_571 : i32
      %dma_start3A_573 = arith.constant 0 : i32
      %dma_start3A_574 = tpu.memref_slice %arg6[%add3A_572, %dma_start3A_573] : memref<250x80xi32, #tpu.memory_space<vmem>> -> memref<1x80xi32, #tpu.memory_space<vmem>>
      %dma_start3A_575 = tpu.memref_squeeze %dma_start3A_574 : memref<1x80xi32, #tpu.memory_space<vmem>> -> memref<80xi32, #tpu.memory_space<vmem>>
      %dma_start3A_576 = arith.constant 0 : i32
      %dma_start3A_577 = arith.constant 0 : i32
      %dma_start3A_578 = tpu.memref_slice %arg2[%dma_start3A_576, %dma_start3A_577] : memref<20000x64xf32, #tpu.memory_space<hbm>> -> memref<20000x64xf32, #tpu.memory_space<hbm>>
      tpu.enqueue_indirect_dma source(%dma_start3A_578 : memref<20000x64xf32, #tpu.memory_space<hbm>>) target(%arg16 : memref<80x64xf32, #tpu.memory_space<vmem>>) offsets(%dma_start3A_575 : memref<80xi32, #tpu.memory_space<vmem>>) semaphore(%arg24 : memref<!tpu.dma_semaphore, #tpu.memory_space<semaphore_mem>>)
    }
    %scan3A_142 = arith.constant 30 : i32
    %dma_wait3A_143 = arith.constant 0 : i32
    %dma_wait3A_144 = arith.constant 0 : i32
    %dma_wait3A_145 = tpu.memref_slice %arg6[%dma_wait3A_143, %dma_wait3A_144] : memref<250x80xi32, #tpu.memory_space<vmem>> -> memref<1x80xi32, #tpu.memory_space<vmem>>
    %dma_wait3A_146 = tpu.memref_squeeze %dma_wait3A_145 : memref<1x80xi32, #tpu.memory_space<vmem>> -> memref<80xi32, #tpu.memory_space<vmem>>
    %dma_wait3A_147 = arith.constant 0 : i32
    %dma_wait3A_148 = arith.constant 0 : i32
    %dma_wait3A_149 = tpu.memref_slice %arg2[%dma_wait3A_147, %dma_wait3A_148] : memref<20000x64xf32, #tpu.memory_space<hbm>> -> memref<20000x64xf32, #tpu.memory_space<hbm>>
    tpu.wait_indirect_dma semaphore(%arg21 : memref<!tpu.dma_semaphore, #tpu.memory_space<semaphore_mem>>) src(%dma_wait3A_149 : memref<20000x64xf32, #tpu.memory_space<hbm>>) dst(%arg13 : memref<80x64xf32, #tpu.memory_space<vmem>>)
    %dma_start3A_150 = arith.constant 244 : i32
    %dma_start3A_151 = arith.constant 0 : i32
    %dma_start3A_152 = tpu.memref_slice %arg7[%dma_start3A_150, %dma_start3A_151] : memref<250x80xi32, #tpu.memory_space<vmem>> -> memref<1x80xi32, #tpu.memory_space<vmem>>
    %dma_start3A_153 = tpu.memref_squeeze %dma_start3A_152 : memref<1x80xi32, #tpu.memory_space<vmem>> -> memref<80xi32, #tpu.memory_space<vmem>>
    %dma_start3A_154 = arith.constant 0 : i32
    %dma_start3A_155 = arith.constant 0 : i32
    %dma_start3A_156 = tpu.memref_slice %arg8[%dma_start3A_154, %dma_start3A_155] : memref<10240x64xf32, #tpu.memory_space<vmem_shared>> -> memref<10240x64xf32, #tpu.memory_space<vmem_shared>>
    tpu.enqueue_indirect_dma source(%arg13 : memref<80x64xf32, #tpu.memory_space<vmem>>) target(%dma_start3A_156 : memref<10240x64xf32, #tpu.memory_space<vmem_shared>>) offsets(%dma_start3A_153 : memref<80xi32, #tpu.memory_space<vmem>>) semaphore(%arg29 : memref<!tpu.dma_semaphore, #tpu.memory_space<semaphore_mem>>) {add = true}
    %dma_wait3A_157 = arith.constant 0 : i32
    %dma_wait3A_158 = arith.constant 0 : i32
    %dma_wait3A_159 = tpu.memref_slice %arg7[%dma_wait3A_157, %dma_wait3A_158] : memref<250x80xi32, #tpu.memory_space<vmem>> -> memref<1x80xi32, #tpu.memory_space<vmem>>
    %dma_wait3A_160 = tpu.memref_squeeze %dma_wait3A_159 : memref<1x80xi32, #tpu.memory_space<vmem>> -> memref<80xi32, #tpu.memory_space<vmem>>
    %dma_wait3A_161 = arith.constant 0 : i32
    %dma_wait3A_162 = arith.constant 0 : i32
    %dma_wait3A_163 = tpu.memref_slice %arg8[%dma_wait3A_161, %dma_wait3A_162] : memref<10240x64xf32, #tpu.memory_space<vmem_shared>> -> memref<10240x64xf32, #tpu.memory_space<vmem_shared>>
    tpu.wait_indirect_dma semaphore(%arg25 : memref<!tpu.dma_semaphore, #tpu.memory_space<semaphore_mem>>) src(%arg9 : memref<80x64xf32, #tpu.memory_space<vmem>>) dst(%dma_wait3A_163 : memref<10240x64xf32, #tpu.memory_space<vmem_shared>>)
    %dma_start3A_164 = arith.constant 248 : i32
    %dma_start3A_165 = arith.constant 0 : i32
    %dma_start3A_166 = tpu.memref_slice %arg6[%dma_start3A_164, %dma_start3A_165] : memref<250x80xi32, #tpu.memory_space<vmem>> -> memref<1x80xi32, #tpu.memory_space<vmem>>
    %dma_start3A_167 = tpu.memref_squeeze %dma_start3A_166 : memref<1x80xi32, #tpu.memory_space<vmem>> -> memref<80xi32, #tpu.memory_space<vmem>>
    %dma_start3A_168 = arith.constant 0 : i32
    %dma_start3A_169 = arith.constant 0 : i32
    %dma_start3A_170 = tpu.memref_slice %arg2[%dma_start3A_168, %dma_start3A_169] : memref<20000x64xf32, #tpu.memory_space<hbm>> -> memref<20000x64xf32, #tpu.memory_space<hbm>>
    tpu.enqueue_indirect_dma source(%dma_start3A_170 : memref<20000x64xf32, #tpu.memory_space<hbm>>) target(%arg9 : memref<80x64xf32, #tpu.memory_space<vmem>>) offsets(%dma_start3A_167 : memref<80xi32, #tpu.memory_space<vmem>>) semaphore(%arg17 : memref<!tpu.dma_semaphore, #tpu.memory_space<semaphore_mem>>)
    %dma_wait3A_171 = arith.constant 0 : i32
    %dma_wait3A_172 = arith.constant 0 : i32
    %dma_wait3A_173 = tpu.memref_slice %arg6[%dma_wait3A_171, %dma_wait3A_172] : memref<250x80xi32, #tpu.memory_space<vmem>> -> memref<1x80xi32, #tpu.memory_space<vmem>>
    %dma_wait3A_174 = tpu.memref_squeeze %dma_wait3A_173 : memref<1x80xi32, #tpu.memory_space<vmem>> -> memref<80xi32, #tpu.memory_space<vmem>>
    %dma_wait3A_175 = arith.constant 0 : i32
    %dma_wait3A_176 = arith.constant 0 : i32
    %dma_wait3A_177 = tpu.memref_slice %arg2[%dma_wait3A_175, %dma_wait3A_176] : memref<20000x64xf32, #tpu.memory_space<hbm>> -> memref<20000x64xf32, #tpu.memory_space<hbm>>
    tpu.wait_indirect_dma semaphore(%arg22 : memref<!tpu.dma_semaphore, #tpu.memory_space<semaphore_mem>>) src(%dma_wait3A_177 : memref<20000x64xf32, #tpu.memory_space<hbm>>) dst(%arg14 : memref<80x64xf32, #tpu.memory_space<vmem>>)
    %dma_start3A_178 = arith.constant 245 : i32
    %dma_start3A_179 = arith.constant 0 : i32
    %dma_start3A_180 = tpu.memref_slice %arg7[%dma_start3A_178, %dma_start3A_179] : memref<250x80xi32, #tpu.memory_space<vmem>> -> memref<1x80xi32, #tpu.memory_space<vmem>>
    %dma_start3A_181 = tpu.memref_squeeze %dma_start3A_180 : memref<1x80xi32, #tpu.memory_space<vmem>> -> memref<80xi32, #tpu.memory_space<vmem>>
    %dma_start3A_182 = arith.constant 0 : i32
    %dma_start3A_183 = arith.constant 0 : i32
    %dma_start3A_184 = tpu.memref_slice %arg8[%dma_start3A_182, %dma_start3A_183] : memref<10240x64xf32, #tpu.memory_space<vmem_shared>> -> memref<10240x64xf32, #tpu.memory_space<vmem_shared>>
    tpu.enqueue_indirect_dma source(%arg14 : memref<80x64xf32, #tpu.memory_space<vmem>>) target(%dma_start3A_184 : memref<10240x64xf32, #tpu.memory_space<vmem_shared>>) offsets(%dma_start3A_181 : memref<80xi32, #tpu.memory_space<vmem>>) semaphore(%arg30 : memref<!tpu.dma_semaphore, #tpu.memory_space<semaphore_mem>>) {add = true}
    %dma_wait3A_185 = arith.constant 0 : i32
    %dma_wait3A_186 = arith.constant 0 : i32
    %dma_wait3A_187 = tpu.memref_slice %arg7[%dma_wait3A_185, %dma_wait3A_186] : memref<250x80xi32, #tpu.memory_space<vmem>> -> memref<1x80xi32, #tpu.memory_space<vmem>>
    %dma_wait3A_188 = tpu.memref_squeeze %dma_wait3A_187 : memref<1x80xi32, #tpu.memory_space<vmem>> -> memref<80xi32, #tpu.memory_space<vmem>>
    %dma_wait3A_189 = arith.constant 0 : i32
    %dma_wait3A_190 = arith.constant 0 : i32
    %dma_wait3A_191 = tpu.memref_slice %arg8[%dma_wait3A_189, %dma_wait3A_190] : memref<10240x64xf32, #tpu.memory_space<vmem_shared>> -> memref<10240x64xf32, #tpu.memory_space<vmem_shared>>
    tpu.wait_indirect_dma semaphore(%arg26 : memref<!tpu.dma_semaphore, #tpu.memory_space<semaphore_mem>>) src(%arg10 : memref<80x64xf32, #tpu.memory_space<vmem>>) dst(%dma_wait3A_191 : memref<10240x64xf32, #tpu.memory_space<vmem_shared>>)
    %dma_start3A_192 = arith.constant 249 : i32
    %dma_start3A_193 = arith.constant 0 : i32
    %dma_start3A_194 = tpu.memref_slice %arg6[%dma_start3A_192, %dma_start3A_193] : memref<250x80xi32, #tpu.memory_space<vmem>> -> memref<1x80xi32, #tpu.memory_space<vmem>>
    %dma_start3A_195 = tpu.memref_squeeze %dma_start3A_194 : memref<1x80xi32, #tpu.memory_space<vmem>> -> memref<80xi32, #tpu.memory_space<vmem>>
    %dma_start3A_196 = arith.constant 0 : i32
    %dma_start3A_197 = arith.constant 0 : i32
    %dma_start3A_198 = tpu.memref_slice %arg2[%dma_start3A_196, %dma_start3A_197] : memref<20000x64xf32, #tpu.memory_space<hbm>> -> memref<20000x64xf32, #tpu.memory_space<hbm>>
    tpu.enqueue_indirect_dma source(%dma_start3A_198 : memref<20000x64xf32, #tpu.memory_space<hbm>>) target(%arg10 : memref<80x64xf32, #tpu.memory_space<vmem>>) offsets(%dma_start3A_195 : memref<80xi32, #tpu.memory_space<vmem>>) semaphore(%arg18 : memref<!tpu.dma_semaphore, #tpu.memory_space<semaphore_mem>>)
    %dma_wait3A_199 = arith.constant 0 : i32
    %dma_wait3A_200 = arith.constant 0 : i32
    %dma_wait3A_201 = tpu.memref_slice %arg6[%dma_wait3A_199, %dma_wait3A_200] : memref<250x80xi32, #tpu.memory_space<vmem>> -> memref<1x80xi32, #tpu.memory_space<vmem>>
    %dma_wait3A_202 = tpu.memref_squeeze %dma_wait3A_201 : memref<1x80xi32, #tpu.memory_space<vmem>> -> memref<80xi32, #tpu.memory_space<vmem>>
    %dma_wait3A_203 = arith.constant 0 : i32
    %dma_wait3A_204 = arith.constant 0 : i32
    %dma_wait3A_205 = tpu.memref_slice %arg2[%dma_wait3A_203, %dma_wait3A_204] : memref<20000x64xf32, #tpu.memory_space<hbm>> -> memref<20000x64xf32, #tpu.memory_space<hbm>>
    tpu.wait_indirect_dma semaphore(%arg23 : memref<!tpu.dma_semaphore, #tpu.memory_space<semaphore_mem>>) src(%dma_wait3A_205 : memref<20000x64xf32, #tpu.memory_space<hbm>>) dst(%arg15 : memref<80x64xf32, #tpu.memory_space<vmem>>)
    %dma_start3A_206 = arith.constant 246 : i32
    %dma_start3A_207 = arith.constant 0 : i32
    %dma_start3A_208 = tpu.memref_slice %arg7[%dma_start3A_206, %dma_start3A_207] : memref<250x80xi32, #tpu.memory_space<vmem>> -> memref<1x80xi32, #tpu.memory_space<vmem>>
    %dma_start3A_209 = tpu.memref_squeeze %dma_start3A_208 : memref<1x80xi32, #tpu.memory_space<vmem>> -> memref<80xi32, #tpu.memory_space<vmem>>
    %dma_start3A_210 = arith.constant 0 : i32
    %dma_start3A_211 = arith.constant 0 : i32
    %dma_start3A_212 = tpu.memref_slice %arg8[%dma_start3A_210, %dma_start3A_211] : memref<10240x64xf32, #tpu.memory_space<vmem_shared>> -> memref<10240x64xf32, #tpu.memory_space<vmem_shared>>
    tpu.enqueue_indirect_dma source(%arg15 : memref<80x64xf32, #tpu.memory_space<vmem>>) target(%dma_start3A_212 : memref<10240x64xf32, #tpu.memory_space<vmem_shared>>) offsets(%dma_start3A_209 : memref<80xi32, #tpu.memory_space<vmem>>) semaphore(%arg31 : memref<!tpu.dma_semaphore, #tpu.memory_space<semaphore_mem>>) {add = true}
    %dma_wait3A_213 = arith.constant 0 : i32
    %dma_wait3A_214 = arith.constant 0 : i32
    %dma_wait3A_215 = tpu.memref_slice %arg6[%dma_wait3A_213, %dma_wait3A_214] : memref<250x80xi32, #tpu.memory_space<vmem>> -> memref<1x80xi32, #tpu.memory_space<vmem>>
    %dma_wait3A_216 = tpu.memref_squeeze %dma_wait3A_215 : memref<1x80xi32, #tpu.memory_space<vmem>> -> memref<80xi32, #tpu.memory_space<vmem>>
    %dma_wait3A_217 = arith.constant 0 : i32
    %dma_wait3A_218 = arith.constant 0 : i32
    %dma_wait3A_219 = tpu.memref_slice %arg2[%dma_wait3A_217, %dma_wait3A_218] : memref<20000x64xf32, #tpu.memory_space<hbm>> -> memref<20000x64xf32, #tpu.memory_space<hbm>>
    tpu.wait_indirect_dma semaphore(%arg24 : memref<!tpu.dma_semaphore, #tpu.memory_space<semaphore_mem>>) src(%dma_wait3A_219 : memref<20000x64xf32, #tpu.memory_space<hbm>>) dst(%arg16 : memref<80x64xf32, #tpu.memory_space<vmem>>)
    %dma_start3A_220 = arith.constant 247 : i32
    %dma_start3A_221 = arith.constant 0 : i32
    %dma_start3A_222 = tpu.memref_slice %arg7[%dma_start3A_220, %dma_start3A_221] : memref<250x80xi32, #tpu.memory_space<vmem>> -> memref<1x80xi32, #tpu.memory_space<vmem>>
    %dma_start3A_223 = tpu.memref_squeeze %dma_start3A_222 : memref<1x80xi32, #tpu.memory_space<vmem>> -> memref<80xi32, #tpu.memory_space<vmem>>
    %dma_start3A_224 = arith.constant 0 : i32
    %dma_start3A_225 = arith.constant 0 : i32
    %dma_start3A_226 = tpu.memref_slice %arg8[%dma_start3A_224, %dma_start3A_225] : memref<10240x64xf32, #tpu.memory_space<vmem_shared>> -> memref<10240x64xf32, #tpu.memory_space<vmem_shared>>
    tpu.enqueue_indirect_dma source(%arg16 : memref<80x64xf32, #tpu.memory_space<vmem>>) target(%dma_start3A_226 : memref<10240x64xf32, #tpu.memory_space<vmem_shared>>) offsets(%dma_start3A_223 : memref<80xi32, #tpu.memory_space<vmem>>) semaphore(%arg32 : memref<!tpu.dma_semaphore, #tpu.memory_space<semaphore_mem>>) {add = true}
    %dma_wait3A_227 = arith.constant 0 : i32
    %dma_wait3A_228 = arith.constant 0 : i32
    %dma_wait3A_229 = tpu.memref_slice %arg6[%dma_wait3A_227, %dma_wait3A_228] : memref<250x80xi32, #tpu.memory_space<vmem>> -> memref<1x80xi32, #tpu.memory_space<vmem>>
    %dma_wait3A_230 = tpu.memref_squeeze %dma_wait3A_229 : memref<1x80xi32, #tpu.memory_space<vmem>> -> memref<80xi32, #tpu.memory_space<vmem>>
    %dma_wait3A_231 = arith.constant 0 : i32
    %dma_wait3A_232 = arith.constant 0 : i32
    %dma_wait3A_233 = tpu.memref_slice %arg2[%dma_wait3A_231, %dma_wait3A_232] : memref<20000x64xf32, #tpu.memory_space<hbm>> -> memref<20000x64xf32, #tpu.memory_space<hbm>>
    tpu.wait_indirect_dma semaphore(%arg17 : memref<!tpu.dma_semaphore, #tpu.memory_space<semaphore_mem>>) src(%dma_wait3A_233 : memref<20000x64xf32, #tpu.memory_space<hbm>>) dst(%arg9 : memref<80x64xf32, #tpu.memory_space<vmem>>)
    %dma_start3A_234 = arith.constant 248 : i32
    %dma_start3A_235 = arith.constant 0 : i32
    %dma_start3A_236 = tpu.memref_slice %arg7[%dma_start3A_234, %dma_start3A_235] : memref<250x80xi32, #tpu.memory_space<vmem>> -> memref<1x80xi32, #tpu.memory_space<vmem>>
    %dma_start3A_237 = tpu.memref_squeeze %dma_start3A_236 : memref<1x80xi32, #tpu.memory_space<vmem>> -> memref<80xi32, #tpu.memory_space<vmem>>
    %dma_start3A_238 = arith.constant 0 : i32
    %dma_start3A_239 = arith.constant 0 : i32
    %dma_start3A_240 = tpu.memref_slice %arg8[%dma_start3A_238, %dma_start3A_239] : memref<10240x64xf32, #tpu.memory_space<vmem_shared>> -> memref<10240x64xf32, #tpu.memory_space<vmem_shared>>
    tpu.enqueue_indirect_dma source(%arg9 : memref<80x64xf32, #tpu.memory_space<vmem>>) target(%dma_start3A_240 : memref<10240x64xf32, #tpu.memory_space<vmem_shared>>) offsets(%dma_start3A_237 : memref<80xi32, #tpu.memory_space<vmem>>) semaphore(%arg25 : memref<!tpu.dma_semaphore, #tpu.memory_space<semaphore_mem>>) {add = true}
    %dma_wait3A_241 = arith.constant 0 : i32
    %dma_wait3A_242 = arith.constant 0 : i32
    %dma_wait3A_243 = tpu.memref_slice %arg6[%dma_wait3A_241, %dma_wait3A_242] : memref<250x80xi32, #tpu.memory_space<vmem>> -> memref<1x80xi32, #tpu.memory_space<vmem>>
    %dma_wait3A_244 = tpu.memref_squeeze %dma_wait3A_243 : memref<1x80xi32, #tpu.memory_space<vmem>> -> memref<80xi32, #tpu.memory_space<vmem>>
    %dma_wait3A_245 = arith.constant 0 : i32
    %dma_wait3A_246 = arith.constant 0 : i32
    %dma_wait3A_247 = tpu.memref_slice %arg2[%dma_wait3A_245, %dma_wait3A_246] : memref<20000x64xf32, #tpu.memory_space<hbm>> -> memref<20000x64xf32, #tpu.memory_space<hbm>>
    tpu.wait_indirect_dma semaphore(%arg18 : memref<!tpu.dma_semaphore, #tpu.memory_space<semaphore_mem>>) src(%dma_wait3A_247 : memref<20000x64xf32, #tpu.memory_space<hbm>>) dst(%arg10 : memref<80x64xf32, #tpu.memory_space<vmem>>)
    %dma_start3A_248 = arith.constant 249 : i32
    %dma_start3A_249 = arith.constant 0 : i32
    %dma_start3A_250 = tpu.memref_slice %arg7[%dma_start3A_248, %dma_start3A_249] : memref<250x80xi32, #tpu.memory_space<vmem>> -> memref<1x80xi32, #tpu.memory_space<vmem>>
    %dma_start3A_251 = tpu.memref_squeeze %dma_start3A_250 : memref<1x80xi32, #tpu.memory_space<vmem>> -> memref<80xi32, #tpu.memory_space<vmem>>
    %dma_start3A_252 = arith.constant 0 : i32
    %dma_start3A_253 = arith.constant 0 : i32
    %dma_start3A_254 = tpu.memref_slice %arg8[%dma_start3A_252, %dma_start3A_253] : memref<10240x64xf32, #tpu.memory_space<vmem_shared>> -> memref<10240x64xf32, #tpu.memory_space<vmem_shared>>
    tpu.enqueue_indirect_dma source(%arg10 : memref<80x64xf32, #tpu.memory_space<vmem>>) target(%dma_start3A_254 : memref<10240x64xf32, #tpu.memory_space<vmem_shared>>) offsets(%dma_start3A_251 : memref<80xi32, #tpu.memory_space<vmem>>) semaphore(%arg26 : memref<!tpu.dma_semaphore, #tpu.memory_space<semaphore_mem>>) {add = true}
    %dma_wait3A_255 = arith.constant 0 : i32
    %dma_wait3A_256 = arith.constant 0 : i32
    %dma_wait3A_257 = tpu.memref_slice %arg7[%dma_wait3A_255, %dma_wait3A_256] : memref<250x80xi32, #tpu.memory_space<vmem>> -> memref<1x80xi32, #tpu.memory_space<vmem>>
    %dma_wait3A_258 = tpu.memref_squeeze %dma_wait3A_257 : memref<1x80xi32, #tpu.memory_space<vmem>> -> memref<80xi32, #tpu.memory_space<vmem>>
    %dma_wait3A_259 = arith.constant 0 : i32
    %dma_wait3A_260 = arith.constant 0 : i32
    %dma_wait3A_261 = tpu.memref_slice %arg8[%dma_wait3A_259, %dma_wait3A_260] : memref<10240x64xf32, #tpu.memory_space<vmem_shared>> -> memref<10240x64xf32, #tpu.memory_space<vmem_shared>>
    tpu.wait_indirect_dma semaphore(%arg27 : memref<!tpu.dma_semaphore, #tpu.memory_space<semaphore_mem>>) src(%arg11 : memref<80x64xf32, #tpu.memory_space<vmem>>) dst(%dma_wait3A_261 : memref<10240x64xf32, #tpu.memory_space<vmem_shared>>)
    %dma_wait3A_262 = arith.constant 0 : i32
    %dma_wait3A_263 = arith.constant 0 : i32
    %dma_wait3A_264 = tpu.memref_slice %arg7[%dma_wait3A_262, %dma_wait3A_263] : memref<250x80xi32, #tpu.memory_space<vmem>> -> memref<1x80xi32, #tpu.memory_space<vmem>>
    %dma_wait3A_265 = tpu.memref_squeeze %dma_wait3A_264 : memref<1x80xi32, #tpu.memory_space<vmem>> -> memref<80xi32, #tpu.memory_space<vmem>>
    %dma_wait3A_266 = arith.constant 0 : i32
    %dma_wait3A_267 = arith.constant 0 : i32
    %dma_wait3A_268 = tpu.memref_slice %arg8[%dma_wait3A_266, %dma_wait3A_267] : memref<10240x64xf32, #tpu.memory_space<vmem_shared>> -> memref<10240x64xf32, #tpu.memory_space<vmem_shared>>
    tpu.wait_indirect_dma semaphore(%arg28 : memref<!tpu.dma_semaphore, #tpu.memory_space<semaphore_mem>>) src(%arg12 : memref<80x64xf32, #tpu.memory_space<vmem>>) dst(%dma_wait3A_268 : memref<10240x64xf32, #tpu.memory_space<vmem_shared>>)
    %dma_wait3A_269 = arith.constant 0 : i32
    %dma_wait3A_270 = arith.constant 0 : i32
    %dma_wait3A_271 = tpu.memref_slice %arg7[%dma_wait3A_269, %dma_wait3A_270] : memref<250x80xi32, #tpu.memory_space<vmem>> -> memref<1x80xi32, #tpu.memory_space<vmem>>
    %dma_wait3A_272 = tpu.memref_squeeze %dma_wait3A_271 : memref<1x80xi32, #tpu.memory_space<vmem>> -> memref<80xi32, #tpu.memory_space<vmem>>
    %dma_wait3A_273 = arith.constant 0 : i32
    %dma_wait3A_274 = arith.constant 0 : i32
    %dma_wait3A_275 = tpu.memref_slice %arg8[%dma_wait3A_273, %dma_wait3A_274] : memref<10240x64xf32, #tpu.memory_space<vmem_shared>> -> memref<10240x64xf32, #tpu.memory_space<vmem_shared>>
    tpu.wait_indirect_dma semaphore(%arg29 : memref<!tpu.dma_semaphore, #tpu.memory_space<semaphore_mem>>) src(%arg13 : memref<80x64xf32, #tpu.memory_space<vmem>>) dst(%dma_wait3A_275 : memref<10240x64xf32, #tpu.memory_space<vmem_shared>>)
    %dma_wait3A_276 = arith.constant 0 : i32
    %dma_wait3A_277 = arith.constant 0 : i32
    %dma_wait3A_278 = tpu.memref_slice %arg7[%dma_wait3A_276, %dma_wait3A_277] : memref<250x80xi32, #tpu.memory_space<vmem>> -> memref<1x80xi32, #tpu.memory_space<vmem>>
    %dma_wait3A_279 = tpu.memref_squeeze %dma_wait3A_278 : memref<1x80xi32, #tpu.memory_space<vmem>> -> memref<80xi32, #tpu.memory_space<vmem>>
    %dma_wait3A_280 = arith.constant 0 : i32
    %dma_wait3A_281 = arith.constant 0 : i32
    %dma_wait3A_282 = tpu.memref_slice %arg8[%dma_wait3A_280, %dma_wait3A_281] : memref<10240x64xf32, #tpu.memory_space<vmem_shared>> -> memref<10240x64xf32, #tpu.memory_space<vmem_shared>>
    tpu.wait_indirect_dma semaphore(%arg30 : memref<!tpu.dma_semaphore, #tpu.memory_space<semaphore_mem>>) src(%arg14 : memref<80x64xf32, #tpu.memory_space<vmem>>) dst(%dma_wait3A_282 : memref<10240x64xf32, #tpu.memory_space<vmem_shared>>)
    %dma_wait3A_283 = arith.constant 0 : i32
    %dma_wait3A_284 = arith.constant 0 : i32
    %dma_wait3A_285 = tpu.memref_slice %arg7[%dma_wait3A_283, %dma_wait3A_284] : memref<250x80xi32, #tpu.memory_space<vmem>> -> memref<1x80xi32, #tpu.memory_space<vmem>>
    %dma_wait3A_286 = tpu.memref_squeeze %dma_wait3A_285 : memref<1x80xi32, #tpu.memory_space<vmem>> -> memref<80xi32, #tpu.memory_space<vmem>>
    %dma_wait3A_287 = arith.constant 0 : i32
    %dma_wait3A_288 = arith.constant 0 : i32
    %dma_wait3A_289 = tpu.memref_slice %arg8[%dma_wait3A_287, %dma_wait3A_288] : memref<10240x64xf32, #tpu.memory_space<vmem_shared>> -> memref<10240x64xf32, #tpu.memory_space<vmem_shared>>
    tpu.wait_indirect_dma semaphore(%arg31 : memref<!tpu.dma_semaphore, #tpu.memory_space<semaphore_mem>>) src(%arg15 : memref<80x64xf32, #tpu.memory_space<vmem>>) dst(%dma_wait3A_289 : memref<10240x64xf32, #tpu.memory_space<vmem_shared>>)
    %dma_wait3A_290 = arith.constant 0 : i32
    %dma_wait3A_291 = arith.constant 0 : i32
    %dma_wait3A_292 = tpu.memref_slice %arg7[%dma_wait3A_290, %dma_wait3A_291] : memref<250x80xi32, #tpu.memory_space<vmem>> -> memref<1x80xi32, #tpu.memory_space<vmem>>
    %dma_wait3A_293 = tpu.memref_squeeze %dma_wait3A_292 : memref<1x80xi32, #tpu.memory_space<vmem>> -> memref<80xi32, #tpu.memory_space<vmem>>
    %dma_wait3A_294 = arith.constant 0 : i32
    %dma_wait3A_295 = arith.constant 0 : i32
    %dma_wait3A_296 = tpu.memref_slice %arg8[%dma_wait3A_294, %dma_wait3A_295] : memref<10240x64xf32, #tpu.memory_space<vmem_shared>> -> memref<10240x64xf32, #tpu.memory_space<vmem_shared>>
    tpu.wait_indirect_dma semaphore(%arg32 : memref<!tpu.dma_semaphore, #tpu.memory_space<semaphore_mem>>) src(%arg16 : memref<80x64xf32, #tpu.memory_space<vmem>>) dst(%dma_wait3A_296 : memref<10240x64xf32, #tpu.memory_space<vmem_shared>>)
    %dma_wait3A_297 = arith.constant 0 : i32
    %dma_wait3A_298 = arith.constant 0 : i32
    %dma_wait3A_299 = tpu.memref_slice %arg7[%dma_wait3A_297, %dma_wait3A_298] : memref<250x80xi32, #tpu.memory_space<vmem>> -> memref<1x80xi32, #tpu.memory_space<vmem>>
    %dma_wait3A_300 = tpu.memref_squeeze %dma_wait3A_299 : memref<1x80xi32, #tpu.memory_space<vmem>> -> memref<80xi32, #tpu.memory_space<vmem>>
    %dma_wait3A_301 = arith.constant 0 : i32
    %dma_wait3A_302 = arith.constant 0 : i32
    %dma_wait3A_303 = tpu.memref_slice %arg8[%dma_wait3A_301, %dma_wait3A_302] : memref<10240x64xf32, #tpu.memory_space<vmem_shared>> -> memref<10240x64xf32, #tpu.memory_space<vmem_shared>>
    tpu.wait_indirect_dma semaphore(%arg25 : memref<!tpu.dma_semaphore, #tpu.memory_space<semaphore_mem>>) src(%arg9 : memref<80x64xf32, #tpu.memory_space<vmem>>) dst(%dma_wait3A_303 : memref<10240x64xf32, #tpu.memory_space<vmem_shared>>)
    %dma_wait3A_304 = arith.constant 0 : i32
    %dma_wait3A_305 = arith.constant 0 : i32
    %dma_wait3A_306 = tpu.memref_slice %arg7[%dma_wait3A_304, %dma_wait3A_305] : memref<250x80xi32, #tpu.memory_space<vmem>> -> memref<1x80xi32, #tpu.memory_space<vmem>>
    %dma_wait3A_307 = tpu.memref_squeeze %dma_wait3A_306 : memref<1x80xi32, #tpu.memory_space<vmem>> -> memref<80xi32, #tpu.memory_space<vmem>>
    %dma_wait3A_308 = arith.constant 0 : i32
    %dma_wait3A_309 = arith.constant 0 : i32
    %dma_wait3A_310 = tpu.memref_slice %arg8[%dma_wait3A_308, %dma_wait3A_309] : memref<10240x64xf32, #tpu.memory_space<vmem_shared>> -> memref<10240x64xf32, #tpu.memory_space<vmem_shared>>
    tpu.wait_indirect_dma semaphore(%arg26 : memref<!tpu.dma_semaphore, #tpu.memory_space<semaphore_mem>>) src(%arg10 : memref<80x64xf32, #tpu.memory_space<vmem>>) dst(%dma_wait3A_310 : memref<10240x64xf32, #tpu.memory_space<vmem_shared>>)
    %barrier3A_311 = arith.constant 0 : index
    tpu.barrier barrier_id(%barrier3A_311)
    %mul3A_312 = arith.constant 640 : i32
    %mul3A_313 = arith.muli %arg1, %mul3A_312 : i32
    %mul3A_314 = arith.constant 640 : i32
    %mul3A_315 = arith.muli %arg1, %mul3A_314 : i32
    %mul3A_316 = arith.constant 64 : i32
    %mul3A_317 = arith.muli %arg0, %mul3A_316 : i32
    "tpu.region"() ({
      %run_scoped3A = tpu.sem_alloc : memref<!tpu.dma_semaphore, #tpu.memory_space<semaphore_mem>>
      %dma_start3A_318 = tpu.memref_slice %arg5[%mul3A_315, %mul3A_317] : memref<10240x128xf32, #tpu.memory_space<hbm>> -> memref<640x64xf32, #tpu.memory_space<hbm>>
      %dma_start3A_319 = arith.constant 0 : i32
      %dma_start3A_320 = tpu.memref_slice %arg8[%mul3A_313, %dma_start3A_319] : memref<10240x64xf32, #tpu.memory_space<vmem_shared>> -> memref<640x64xf32, #tpu.memory_space<vmem_shared>>
      tpu.enqueue_dma source(%dma_start3A_320 : memref<640x64xf32, #tpu.memory_space<vmem_shared>>) target(%dma_start3A_318 : memref<640x64xf32, #tpu.memory_space<hbm>>) target_semaphore(%run_scoped3A : memref<!tpu.dma_semaphore, #tpu.memory_space<semaphore_mem>>)
      %dma_wait3A_321 = tpu.memref_slice %arg5[%mul3A_315, %mul3A_317] : memref<10240x128xf32, #tpu.memory_space<hbm>> -> memref<640x64xf32, #tpu.memory_space<hbm>>
      %dma_wait3A_322 = arith.constant 0 : i32
      %dma_wait3A_323 = tpu.memref_slice %arg8[%mul3A_313, %dma_wait3A_322] : memref<10240x64xf32, #tpu.memory_space<vmem_shared>> -> memref<640x64xf32, #tpu.memory_space<vmem_shared>>
      tpu.wait_dma2 semaphore(%run_scoped3A : memref<!tpu.dma_semaphore, #tpu.memory_space<semaphore_mem>>) src(%dma_wait3A_323 : memref<640x64xf32, #tpu.memory_space<vmem_shared>>) dst(%dma_wait3A_321 : memref<640x64xf32, #tpu.memory_space<hbm>>)
      tpu.yield
    }) : () -> ()
    return
  }
}

module attributes {stable_mosaic.version = 14 : i64} {
  func.func @_proj_body(%arg0: i32, %arg1: memref<2048x128xf32, #tpu.memory_space<vmem>>, %arg2: memref<128x128xf32, #tpu.memory_space<vmem>>, %arg3: memref<32x2048xf32, #tpu.memory_space<vmem>>, %arg4: memref<2048x128xf32, #tpu.memory_space<vmem>>) attributes {dimension_semantics = [#tpu.dimension_semantics<arbitrary>], iteration_bounds = array<i64: 5>, scalar_prefetch = 0 : i64, scratch_operands = 0 : i64, tpu.core_type = #tpu.core_type<tc>, window_params = [{transform_indices = @transform_0, window_bounds = array<i64: 2048, 128>}, {pipeline_mode = #tpu.pipeline_mode<synchronous>, transform_indices = @transform_1, window_bounds = array<i64: 128, 128>}, {transform_indices = @transform_2, window_bounds = array<i64: 32, 2048>}, {transform_indices = @transform_3, window_bounds = array<i64: 2048, 128>}]} {
    %get3A = arith.constant 0 : index
    %get3A_0 = arith.constant 0 : index
    %get3A_1 = vector.load %arg1[%get3A, %get3A_0] : memref<2048x128xf32, #tpu.memory_space<vmem>>, vector<2048x128xf32>
    %get3A_2 = arith.constant 0 : index
    %get3A_3 = arith.constant 0 : index
    %get3A_4 = vector.load %arg2[%get3A_2, %get3A_3] : memref<128x128xf32, #tpu.memory_space<vmem>>, vector<128x128xf32>
    %dot_general3A = arith.constant dense<0.000000e+00> : vector<2048x128xf32>
    %dot_general3A_5 = tpu.matmul %get3A_1, %get3A_4, %dot_general3A {dimension_numbers = #tpu.dot_dimension_numbers<[1], [1], [0], [0], [0, 0, 1, 0], [], []>, transpose_lhs_hint = false} : vector<2048x128xf32>, vector<128x128xf32>, vector<2048x128xf32> -> vector<2048x128xf32>
    %get3A_6 = arith.constant 0 : index
    %get3A_7 = arith.constant 0 : index
    %get3A_8 = vector.load %arg3[%get3A_6, %get3A_7] : memref<32x2048xf32, #tpu.memory_space<vmem>>, vector<32x2048xf32>
    %reduce_sum3A = arith.constant dense<0.000000e+00> : vector<2048xf32>
    %reduce_sum3A_9 = vector.multi_reduction <add>, %get3A_8, %reduce_sum3A [0] : vector<32x2048xf32> to vector<2048xf32>
    %max3A = arith.constant 1.000000e+00 : f32
    %max3A_10 = vector.broadcast %max3A : f32 to vector<2048xf32>
    %max3A_11 = arith.maximumf %reduce_sum3A_9, %max3A_10 : vector<2048xf32>
    %rsqrt3A = math.rsqrt %max3A_11 : vector<2048xf32>
    %broadcast_in_dim3A = vector.shape_cast %rsqrt3A : vector<2048xf32> to vector<2048x1xf32>
    %mul3A = vector.broadcast %broadcast_in_dim3A : vector<2048x1xf32> to vector<2048x128xf32>
    %mul3A_12 = arith.mulf %dot_general3A_5, %mul3A : vector<2048x128xf32>
    %swap3A = arith.constant 0 : index
    %swap3A_13 = arith.constant 0 : index
    %swap3A_14 = vector.load %arg4[%swap3A, %swap3A_13] : memref<2048x128xf32, #tpu.memory_space<vmem>>, vector<2048x128xf32>
    tpu.vector_store %arg4[%swap3A, %swap3A_13], %mul3A_12 {strides = array<i32>} : memref<2048x128xf32, #tpu.memory_space<vmem>>, vector<2048x128xf32>,
    return
  }
  func.func @transform_0(%arg0: i32) -> (i32, i32) {
    %c0_i32 = arith.constant 0 : i32
    %c0_i32_0 = arith.constant 0 : i32
    return %arg0, %c0_i32 : i32, i32
  }
  func.func @transform_1(%arg0: i32) -> (i32, i32) {
    %c0_i32 = arith.constant 0 : i32
    %c0_i32_0 = arith.constant 0 : i32
    %c0_i32_1 = arith.constant 0 : i32
    return %c0_i32, %c0_i32_0 : i32, i32
  }
  func.func @transform_2(%arg0: i32) -> (i32, i32) {
    %c0_i32 = arith.constant 0 : i32
    %c0_i32_0 = arith.constant 0 : i32
    return %c0_i32, %arg0 : i32, i32
  }
  func.func @transform_3(%arg0: i32) -> (i32, i32) {
    %c0_i32 = arith.constant 0 : i32
    %c0_i32_0 = arith.constant 0 : i32
    return %arg0, %c0_i32 : i32, i32
  }
}

module attributes {stable_mosaic.version = 14 : i64} {
  func.func @_final_body(%arg0: i32, %arg1: memref<2048x128xf32, #tpu.memory_space<vmem>>, %arg2: memref<32x2048xf32, #tpu.memory_space<vmem>>, %arg3: memref<1x128xf32, #tpu.memory_space<vmem>>, %arg4: memref<2048x128xf32, #tpu.memory_space<vmem>>) attributes {dimension_semantics = [#tpu.dimension_semantics<arbitrary>], iteration_bounds = array<i64: 5>, scalar_prefetch = 0 : i64, scratch_operands = 0 : i64, tpu.core_type = #tpu.core_type<tc>, window_params = [{transform_indices = @transform_0, window_bounds = array<i64: 2048, 128>}, {transform_indices = @transform_1, window_bounds = array<i64: 32, 2048>}, {pipeline_mode = #tpu.pipeline_mode<synchronous>, transform_indices = @transform_2, window_bounds = array<i64: 1, 128>}, {transform_indices = @transform_3, window_bounds = array<i64: 2048, 128>}]} {
    %get3A = arith.constant 0 : index
    %get3A_0 = arith.constant 0 : index
    %get3A_1 = vector.load %arg2[%get3A, %get3A_0] : memref<32x2048xf32, #tpu.memory_space<vmem>>, vector<32x2048xf32>
    %reduce_sum3A = arith.constant dense<0.000000e+00> : vector<2048xf32>
    %reduce_sum3A_2 = vector.multi_reduction <add>, %get3A_1, %reduce_sum3A [0] : vector<32x2048xf32> to vector<2048xf32>
    %max3A = arith.constant 1.000000e+00 : f32
    %max3A_3 = vector.broadcast %max3A : f32 to vector<2048xf32>
    %max3A_4 = arith.maximumf %reduce_sum3A_2, %max3A_3 : vector<2048xf32>
    %rsqrt3A = math.rsqrt %max3A_4 : vector<2048xf32>
    %broadcast_in_dim3A = vector.shape_cast %rsqrt3A : vector<2048xf32> to vector<2048x1xf32>
    %get3A_5 = arith.constant 0 : index
    %get3A_6 = arith.constant 0 : index
    %get3A_7 = vector.load %arg1[%get3A_5, %get3A_6] : memref<2048x128xf32, #tpu.memory_space<vmem>>, vector<2048x128xf32>
    %mul3A = vector.broadcast %broadcast_in_dim3A : vector<2048x1xf32> to vector<2048x128xf32>
    %mul3A_8 = arith.mulf %get3A_7, %mul3A : vector<2048x128xf32>
    %get3A_9 = arith.constant 0 : index
    %get3A_10 = arith.constant 0 : index
    %get3A_11 = vector.load %arg3[%get3A_9, %get3A_10] : memref<1x128xf32, #tpu.memory_space<vmem>>, vector<1x128xf32>
    %add3A = vector.broadcast %get3A_11 : vector<1x128xf32> to vector<2048x128xf32>
    %add3A_12 = arith.addf %mul3A_8, %add3A : vector<2048x128xf32>
    %swap3A = arith.constant 0 : index
    %swap3A_13 = arith.constant 0 : index
    %swap3A_14 = vector.load %arg4[%swap3A, %swap3A_13] : memref<2048x128xf32, #tpu.memory_space<vmem>>, vector<2048x128xf32>
    tpu.vector_store %arg4[%swap3A, %swap3A_13], %add3A_12 {strides = array<i32>} : memref<2048x128xf32, #tpu.memory_space<vmem>>, vector<2048x128xf32>,
    return
  }
  func.func @transform_0(%arg0: i32) -> (i32, i32) {
    %c0_i32 = arith.constant 0 : i32
    %c0_i32_0 = arith.constant 0 : i32
    return %arg0, %c0_i32 : i32, i32
  }
  func.func @transform_1(%arg0: i32) -> (i32, i32) {
    %c0_i32 = arith.constant 0 : i32
    %c0_i32_0 = arith.constant 0 : i32
    return %c0_i32, %arg0 : i32, i32
  }
  func.func @transform_2(%arg0: i32) -> (i32, i32) {
    %c0_i32 = arith.constant 0 : i32
    %c0_i32_0 = arith.constant 0 : i32
    %c0_i32_1 = arith.constant 0 : i32
    return %c0_i32, %c0_i32_0 : i32, i32
  }
  func.func @transform_3(%arg0: i32) -> (i32, i32) {
    %c0_i32 = arith.constant 0 : i32
    %c0_i32_0 = arith.constant 0 : i32
    return %arg0, %c0_i32 : i32, i32
  }
}

</mosaic_0001>

<sc_bundles>
// kernel: kernel.6.cloned.1.call-start
scs
__scs_entry_jumppad:
0x0: {  	(pc) =	sbr.rel $0x88, $3  }
0x1: {  	(tag) =	ssettag $0x0;
	lr =	simm.s32 $0x1  }
0x2: {  	[smem:$0x3F9D] =	sst lr;
	_ =	strace $0xD0000000  }
0x3: {  	_ = 	snop  }
0x4: {  	_ = 	snop  }
0x5: {  	_ = 	snop  }
0x6: {  	_ = 	snop  }
0x7: {  	_ = 	snop  }
__scs_overlays_trampoline_lowered:
0x8: {  	[smem:$0x3FAC] =	sst s0  }
0x9: {  	[smem:$0x3FAD] =	sst s1  }
0xa: {  	[smem:$0x3FAE] =	sst s2  }
0xb: {  	[smem:$0x3FAF] =	sst s3  }
0xc: {  	[smem:$0x3FB0] =	sst s4  }
0xd: {  	[smem:$0x3FB1] =	sst s5  }
0xe: {  	[smem:$0x3FB2] =	sst s6  }
0xf: {  	[smem:$0x3FB3] =	sst s7  }
0x10: {  	[smem:$0x3FB4] =	sst s8  }
0x11: {  	[smem:$0x3FB5] =	sst s9;
	s0 =	simm.s32 @!p0 $0x0  }
0x12: {  	s1 =	sld [smem:$0x3F9B];
	s0 =	simm.s32 @p0 $0x1  }
0x13: {  	[smem:$0x3FB6] =	sst s0;
	s0 =	simm.s32 @!p1 $0x0  }
0x14: {  	s2 =	sld [smem:$0x3F9A];
	s0 =	simm.s32 @p1 $0x1  }
0x15: {  	[smem:$0x3FB7] =	sst s0;
	s0 =	simm.s32 @!p2 $0x0  }
0x16: {  	s3 =	sld [smem:$0x3FDB];
	s0 =	simm.s32 @p2 $0x1  }
0x17: {  	s4 =	simm.s32 $0x1BF5;
	[smem:$0x3FB9] =	sst s0  }
0x18: {  	s0 =	sld [smem:$0x3F9C];
	_ =	swait.ge [sflag:s4], $0x0  }
0x19: {  	s7 =	sld [smem:$0x3F9D]  }
0x1a: {  	s8 =	sadd.s32 $0xFFFFE003, lr  }
0x1b: {  	s9 =	sadd.s32 $0xFFFFFEF7, lr;
	s5 =	simm.s32 $0xFFFFFFFF;
	p2 =	slt.u32 s8, $0xFFFFF086  }
0x1c: {  	p1 =	slt.u32 s9, $0xF7A;
	s5 =	simm.s32 @!p2 $0x0  }
0x1d: {  	s5 =	simm.s32 @p1 $0x1;
	p0 =	seq.s32 s7, s2  }
0x1e: {  	s7 =	smul.u32 @!p0 $0xF7A, s2;
	p2 =	seq.s32 @!p0 s5, $0x0  }
0x1f: {  	s9 =	smul.u32 $0xF7A, s1;
	s8 =	simm.s32 @!p0 $0x1BF5;
	p2 =	por !p2, p0  }
0x20: {  	[sflag:s8] =	ssyncset.s32 @!p0 $0xFFFFF086;
	s6 =	sadd.s32 @!p0 s3, s7;
	s7 =	simm.s32 @!p0 $0x108  }
0x21: {  	s3 =	sadd.s32 s3, s9;
	s6 =	sadd.s32 @!p0 $0x88, s6;
	s7 =	simm.s32 @p2 $0x1082  }
0x22: {  	[simem:s7], [sflag:s8] =	dma.local @!p0 [hbm:s6], $0xF7A  }
0x23: {  	s9 =	sor.u32 $0xD0000000, s2;
	s6 =	simm.s32 $0x108;
	_ =	swait.ge @!p0 [sflag:s8], $0x0  }
0x24: {  	s3 =	sadd.s32 $0x88, s3;
	s6 =	simm.s32 @!p1 $0x1082;
	[sflag:s4] =	ssyncset.s32 $0xFFFFF086  }
0x25: {  	[simem:s6], [sflag:s4] =	dma.local [hbm:s3], $0xF7A  }
0x26: {  	[smem:$0x3F9D] =	sst s1;
	(tag) =	ssettag s2;
	_ =	strace s9  }
0x27: {  	s1 =	sld [smem:$0x3FAD]  }
0x28: {  	s2 =	sld [smem:$0x3FAE]  }
0x29: {  	s4 =	sld [smem:$0x3FB0]  }
0x2a: {  	p0 =	seq.s32 s5, $0x0;
	s5 =	sld [smem:$0x3FB1]  }
0x2b: {  	s6 =	sld [smem:$0x3FB2]  }
0x2c: {  	s7 =	sld [smem:$0x3FB3]  }
0x2d: {  	s3 =	simm.s32 $0x108;
	s8 =	sld [smem:$0x3FB4]  }
0x2e: {  	s3 =	simm.s32 @!p0 $0x1082;
	s9 =	sld [smem:$0x3FB5]  }
0x2f: {  	lr =	sadd.s32 s0, s3;
	s0 =	sld [smem:$0x3FAC]  }
0x30: {  	s3 =	sld [smem:$0x3FAF]  }
0x31: {  	[smem:$0x3FB8] =	sst s10  }
0x32: {  	s10 =	sld [smem:$0x3FB6];
	_ =	sdelay $0x3  }
0x33: {  	p0 =	seq.s32 s10, $0x1;
	s10 =	sld [smem:$0x3FB8];
	_ =	sdelay $0x3  }
0x34: {  	[smem:$0x3FB8] =	sst s10  }
0x35: {  	s10 =	sld [smem:$0x3FB7];
	_ =	sdelay $0x3  }
0x36: {  	p1 =	seq.s32 s10, $0x1;
	s10 =	sld [smem:$0x3FB8];
	_ =	sdelay $0x3  }
0x37: {  	[smem:$0x3FB8] =	sst s10  }
0x38: {  	s10 =	sld [smem:$0x3FB9]  }
0x39: {  	_ = 	snop;
	(pc) =	sbr.ind lr, $3  }
0x3a: {  	_ = 	snop  }
0x3b: {  	_ = 	snop  }
0x3c: {  	p2 =	seq.s32 s10, $0x1;
	s10 =	sld [smem:$0x3FB8]  }
0x3d: {  	_ =	shalt  }
0x3e: {  	_ =	shalt  }
0x3f: {  	_ =	shalt  }
0x40: {  	_ =	shalt  }
0x41: {  	_ =	shalt  }
0x42: {  	_ =	shalt  }
0x43: {  	_ =	shalt  }
0x44: {  	_ =	shalt  }
0x45: {  	_ =	shalt  }
0x46: {  	_ =	shalt  }
0x47: {  	_ =	shalt  }
0x48: {  	_ =	shalt  }
0x49: {  	_ =	shalt  }
0x4a: {  	_ =	shalt  }
0x4b: {  	_ =	shalt  }
0x4c: {  	_ =	shalt  }
0x4d: {  	_ =	shalt  }
0x4e: {  	_ =	shalt  }
0x4f: {  	_ =	shalt  }
0x50: {  	_ =	shalt  }
0x51: {  	_ =	shalt  }
0x52: {  	_ =	shalt  }
0x53: {  	_ =	shalt  }
0x54: {  	_ =	shalt  }
0x55: {  	_ =	shalt  }
0x56: {  	_ =	shalt  }
0x57: {  	_ =	shalt  }
0x58: {  	_ =	shalt  }
0x59: {  	_ =	shalt  }
0x5a: {  	_ =	shalt  }
0x5b: {  	_ =	shalt  }
0x5c: {  	_ =	shalt  }
0x5d: {  	_ =	shalt  }
0x5e: {  	_ =	shalt  }
0x5f: {  	_ =	shalt  }
0x60: {  	_ =	shalt  }
0x61: {  	_ =	shalt  }
0x62: {  	_ =	shalt  }
0x63: {  	_ =	shalt  }
0x64: {  	_ =	shalt  }
0x65: {  	_ =	shalt  }
0x66: {  	_ =	shalt  }
0x67: {  	_ =	shalt  }
0x68: {  	_ =	shalt  }
0x69: {  	_ =	shalt  }
0x6a: {  	_ =	shalt  }
0x6b: {  	_ =	shalt  }
0x6c: {  	_ =	shalt  }
0x6d: {  	_ =	shalt  }
0x6e: {  	_ =	shalt  }
0x6f: {  	_ =	shalt  }
0x70: {  	_ =	shalt  }
0x71: {  	_ =	shalt  }
0x72: {  	_ =	shalt  }
0x73: {  	_ =	shalt  }
0x74: {  	_ =	shalt  }
0x75: {  	_ =	shalt  }
0x76: {  	_ =	shalt  }
0x77: {  	_ =	shalt  }
0x78: {  	_ =	shalt  }
0x79: {  	_ =	shalt  }
0x7a: {  	_ =	shalt  }
0x7b: {  	_ =	shalt  }
0x7c: {  	_ =	shalt  }
0x7d: {  	_ =	shalt  }
0x7e: {  	_ =	shalt  }
0x7f: {  	_ =	shalt  }
0x80: {  	_ =	shalt  }
0x81: {  	_ =	shalt  }
0x82: {  	_ =	shalt  }
0x83: {  	_ =	shalt  }
0x84: {  	_ =	shalt  }
0x85: {  	_ =	shalt  }
0x86: {  	_ =	shalt  }
0x87: {  	_ =	shalt  }
.Lfunc_end0:
.L_simem_size_0:
called_computation_lowered:
.L_overlay_start_0:
0x88: {  	s2 =	sld [smem:$0x3FD9]  }
0x89: {  	s3 =	sld [smem:$0x3FFE];
	_ =	sdelay $0x1  }
0x8a: {  	s1 =	srdreg.scid  }
0x8b: {  	s0 =	sand.u32 $0x1, s1  }
0x8c: {  	s17 =	sshll.u32 s0, $0xA;
	s2 =	sadd.s32 s3, s2  }
0x8d: {  	s2 =	sadd.s32 s2, s17  }
0x8e: {  	[smem:$0x3FC4] =	sst s2  }
0x8f: {  	_ = 	snop  }
0x90: {  	s2 =	sld [smem:$0x3FD0];
	(tm) =	ssettm $0x1  }
0x91: {  	s18 =	sld [smem:$0x3FFB];
	_ =	sdelay $0x3  }
0x92: {  	_ =	strace s18  }
0x93: {  	s3 =	sld [smem:$0x3FFC];
	_ =	sdelay $0x3  }
0x94: {  	_ =	strace s3  }
0x95: {  	s3 =	sld [smem:$0x3FFD];
	_ =	sdelay $0x3  }
0x96: {  	_ =	strace s3  }
0x97: {  	_ =	strace $0x8FFFFFFF  }
0x98: {  	s19 =	sld [smem:$0x3FDB];
	_ =	sdelay $0x1  }
0x99: {  	s4 =	simm.s32 $_scs_section_size  }
0x9a: {  	s5 =	simm.s32 $_size__tile_overlayer_lowered;
	s6 =	simm.s32 $_tile_overlayer_lowered  }
0x9b: {  	s22 =	simm.s32 $0x1BFF;
	s21 =	sshll.u32 s6, $0x1;
	s3 =	sadd.s32 s4, s19  }
0x9c: {  	s7 =	simm.s32 $0x0;
	s20 =	sshll.u32 s5, $0x1;
	s5 =	sadd.s32 s21, s3  }
0x9d: {  	[timem:s7], [sflag:s22] =	dma.local [hbm:s5], s20  }
0x9e: {  	_ =	swait.ge [sflag:s22], s20  }
0x9f: {  	s4 =	ssub.s32 $0x0, s20;
	[sflag:s22] =	ssyncset.done $0x0  }
0xa0: {  	[sflag:s22] =	ssyncadd.s32 s4;
	_ =	sdelay $0x1  }
0xa1: {  	s23 =	simm.s32 $0x1B8B  }
0xa2: {  	_ =	swait.ge [sflag:s23], $0x1  }
0xa3: {  	[sflag:s23] =	ssyncset.done $0x0  }
0xa4: {  	s25 =	simm.s32 $0x1B8E;
	s24 =	sld [smem:$0x3FFE];
	[sflag:s23] =	ssyncadd.s32 $0xFFFFFFFF  }
0xa5: {  	s26 =	simm.s32 $execute0_lowered;
	[smem:$0x3FD2] =	sst s25  }
0xa6: {  	s5 =	sshll.u32 s26, $0x1;
	_ =	strace $0x80000046;
	[dreg:$0x1] =	wrdreg $0xFFFFFFFF  }
0xa7: {  	s28 =	simm.s32 $_size_execute0_lowered;
	s3 =	sadd.s32 s3, s5;
	[dreg:$0x0] =	wrdreg $0x0  }
0xa8: {  	s5 =	sshll.u32 s28, $0x1;
	[dreg:$0x2] =	wrdreg s3  }
0xa9: {  	[dreg:$0x3] =	wrdreg s5  }
0xaa: {  	[dreg:$0x4] =	wrdreg $0xC0  }
0xab: {  	_ =	task [dreg:s7], $0x5FFFF  }
0xac: {  	[dreg:$0x1] =	wrdreg $0xFFFFFFFF  }
0xad: {  	[dreg:$0x0] =	wrdreg $0x60  }
0xae: {  	[dreg:$0x2] =	wrdreg s24  }
0xaf: {  	[dreg:$0x3] =	wrdreg s2  }
0xb0: {  	[dreg:$0x4] =	wrdreg $0x9  }
0xb1: {  	_ =	task.clear_ibuf [dreg:s7], $0x5FFFF;
	_ =	strace $0x90000046  }
0xb2: {  	s29 =	simm.s32 $0x9;
	_ =	strace $0x80000048  }
0xb3: {  	_ =	swait.ge [sflag:s29], $0x1  }
0xb4: {  	[sflag:s29] =	ssyncadd.s32 $0xFFFFFFFF  }
0xb5: {  	_ =	strace $0x90000048  }
0xb6: {  	_ =	sfence  }
0xb7: {  	s30 =	sld [smem:$0x0];
	_ =	sdelay $0x2  }
0xb8: {  	s31 =	sshll.u32 s1, $0xD;
	s1 =	sshrl.u32 s1, $0x2  }
0xb9: {  	s3 =	sand.u32 $0x4000, s31;
	s1 =	sadd.s32 s1, s30  }
0xba: {  	s0 =	sor.u32 s3, s0;
	s1 =	sshll.u32 s1, $0x11  }
0xbb: {  	s0 =	sor.u32 s1, s0  }
0xbc: {  	s0 =	sadd.s32 $0x8F2B, s0  }
0xbd: {  	[sflag:s0] =	ssyncadd.remote.s32 $0x1  }
0xbe: {  	_ =	sfence.sel $0xFFFF  }
0xbf: {  	[dreg:$0x0] =	wrdreg $0xFFFFFFFF;
	(pc) =	sbr.abs _section_cstart, $3  }
0xc0: {  	[dreg:$0x1] =	wrdreg $0xFFFFFFFF  }
0xc1: {  	_ =	task.clear_ibuf [dreg:s7], $0x2FFFF;
	_ =	strace $0x9FFFFFFF  }
0xc2: {  	(tm) =	ssettm $0x7FFFFFFF  }
0xc3: {  	_ =	shalt  }
tec
execute0_lowered:
.L_overlay_start_1:
0x0: {  	(tag) =	ssettag $0x1  }
0x1: {  	s1 =	srdreg.scid;
	s0 =	stileid.u32  }
0x2: {  	s4 =	sand.u32 $0x1, s1;
	s30 =	sshll.u32 s0, $0x1  }
0x3: {  	s5 =	sor.u32 s4, s30  }
0x4: {  	p1 =	seq.s32 s4, $0x1;
	p0 =	seq.s32 s5, $0x0  }
0x5: {  	p0 =	por !p0, !p1  }
0x6: {  	s2 =	simm.s32 $0x1;
	p0 =	por !p0, !p0  }
0x7: {  	s2 =	simm.s32 @!p0 $0x0  }
0x8: {  	s6 =	rddreg [dreg:$0x0];
	s3 =	ssub.s32 s0, s2  }
0x9: {  	s7 =	rddreg [dreg:$0x1];
	s8 =	simm.s32 $0x2710;
	s3 =	smul.u32 $0x4E20, s3  }
0xa: {  	s1 =	rddreg [dreg:$0x2];
	s9 =	ssub.s32 $0x2, s4;
	s8 =	simm.s32 @!p1 $0x0  }
0xb: {  	s4 =	simm.s32 $0x2710;
	s2 =	simm.s32 $0x0;
	s8 =	sadd.s32 s8, s3  }
0xc: {  	s31 =	sshrl.u32 s9, $0x1;
	[smem:$0x7FF] =	sst s2;
	s8 =	sshrl.u32 s8, $0x3  }
0xd: {  	s10 =	smul.u32 $0x500, s5;
	_ =	strace $0x80000047;
	s6 =	sadd.s32 s8, s6  }
0xe: {  	s3 =	simm.s32 $0x1;
	s8 =	ssub.s32 s9, s31;
	s5 =	sadd.s32 $0xAE00, s6  }
0xf: {  	v0 =	vimm.f32 $0.0e+00;
	s6 =	sadd.s32 s7, s10;
	s7 =	smax.u32 s8, $0x1;
	s8 =	simm.s32 $0x0  }
.LBB2_1:
0x10: {  	[tilespmem:s2], [sflag:$0x1] =	stream.linear.gather [hbm4b:s5+s2], $0x2710, $0x38;
	[tilespmem:$0x4F10] =	vst v63  }
0x11: {  	_ =	swait.ge [sflag:s3], $0x2710  }
0x12: {  	[sflag:s3] =	ssyncset.done $0x0  }
0x13: {  	s9 =	simm.s32 $0x0;
	[sflag:s3] =	ssyncadd.s32 $0xFFFFD8F0  }
.LBB2_2:
0x14: {  	p0 =	sne.s32 s9, $0x9FC0  }
.Ltmp0:
0x15: {  	_ = 	snop;
	(pc) =	sbr.rel @p0 .LBB2_2-.Ltmp0, $3  }
0x16: {  	_ =	sdelay $0x1  }
0x17: {  	s10 =	sshra.s32 s9, $0x2  }
0x18: {  	s9 =	sadd.s32 $0x40, s9;
	[tilespmem:s10+$0x2710] =	vst v0  }
0x19: {  	s9 =	simm.s32 $0x0  }
.LBB2_4:
0x1a: {  	s10 =	sshra.s32 s9, $0x2  }
0x1b: {  	v1 =	vld [tilespmem:s10+$0x0];
	_ =	sdelay $0x4  }
0x1c: {  	(xrf1) =	vunique.msk.u32 $0xffff, v1;
	_ =	sdelay $0xd  }
0x1d: {  	_, v2, vm0 =	vpop (xrf1);
	_ =	sdelay $0x3  }
0x1e: {  	v2 =	vcvt.s32.f32 v2;
	_ =	sdelay $0x1  }
0x1f: {  	[tilespmem:v1+s4+$0x0] =	vst.idx.add.f32.msk vm0, v2  }
0x20: {  	v1 =	vld [tilespmem:s10+$0x10];
	_ =	sdelay $0x4  }
0x21: {  	(xrf1) =	vunique.msk.u32 $0xffff, v1;
	_ =	sdelay $0xd  }
0x22: {  	_, v2, vm0 =	vpop (xrf1);
	_ =	sdelay $0x3  }
0x23: {  	v2 =	vcvt.s32.f32 v2;
	_ =	sdelay $0x1  }
0x24: {  	[tilespmem:v1+s4+$0x0] =	vst.idx.add.f32.msk vm0, v2  }
0x25: {  	v1 =	vld [tilespmem:s10+$0x20];
	_ =	sdelay $0x4  }
0x26: {  	(xrf1) =	vunique.msk.u32 $0xffff, v1;
	_ =	sdelay $0xd  }
0x27: {  	_, v2, vm0 =	vpop (xrf1);
	_ =	sdelay $0x3  }
0x28: {  	v2 =	vcvt.s32.f32 v2;
	_ =	sdelay $0x1  }
0x29: {  	[tilespmem:v1+s4+$0x0] =	vst.idx.add.f32.msk vm0, v2  }
0x2a: {  	v1 =	vld [tilespmem:s10+$0x30];
	_ =	sdelay $0x4  }
0x2b: {  	(xrf1) =	vunique.msk.u32 $0xffff, v1;
	_ =	sdelay $0xd  }
0x2c: {  	_, v2, vm0 =	vpop (xrf1);
	_ =	sdelay $0x3  }
0x2d: {  	v2 =	vcvt.s32.f32 v2;
	_ =	sdelay $0x1  }
0x2e: {  	[tilespmem:v1+s4+$0x0] =	vst.idx.add.f32.msk vm0, v2  }
0x2f: {  	v1 =	vld [tilespmem:s10+$0x40];
	_ =	sdelay $0x4  }
0x30: {  	(xrf1) =	vunique.msk.u32 $0xffff, v1;
	_ =	sdelay $0xd  }
0x31: {  	_, v2, vm0 =	vpop (xrf1);
	_ =	sdelay $0x3  }
0x32: {  	v2 =	vcvt.s32.f32 v2;
	_ =	sdelay $0x1  }
0x33: {  	[tilespmem:v1+s4+$0x0] =	vst.idx.add.f32.msk vm0, v2  }
0x34: {  	v1 =	vld [tilespmem:s10+$0x50];
	_ =	sdelay $0x4  }
0x35: {  	(xrf1) =	vunique.msk.u32 $0xffff, v1;
	_ =	sdelay $0xd  }
0x36: {  	_, v2, vm0 =	vpop (xrf1);
	_ =	sdelay $0x3  }
0x37: {  	v2 =	vcvt.s32.f32 v2;
	_ =	sdelay $0x1  }
0x38: {  	[tilespmem:v1+s4+$0x0] =	vst.idx.add.f32.msk vm0, v2  }
0x39: {  	v1 =	vld [tilespmem:s10+$0x60];
	_ =	sdelay $0x4  }
0x3a: {  	(xrf1) =	vunique.msk.u32 $0xffff, v1;
	_ =	sdelay $0xd  }
0x3b: {  	_, v2, vm0 =	vpop (xrf1);
	_ =	sdelay $0x3  }
0x3c: {  	v2 =	vcvt.s32.f32 v2;
	_ =	sdelay $0x1  }
0x3d: {  	[tilespmem:v1+s4+$0x0] =	vst.idx.add.f32.msk vm0, v2  }
0x3e: {  	v1 =	vld [tilespmem:s10+$0x70];
	_ =	sdelay $0x4  }
0x3f: {  	(xrf1) =	vunique.msk.u32 $0xffff, v1;
	_ =	sdelay $0xd  }
0x40: {  	_, v2, vm0 =	vpop (xrf1);
	_ =	sdelay $0x3  }
0x41: {  	v2 =	vcvt.s32.f32 v2;
	_ =	sdelay $0x1  }
0x42: {  	[tilespmem:v1+s4+$0x0] =	vst.idx.add.f32.msk vm0, v2  }
0x43: {  	v1 =	vld [tilespmem:s10+$0x80];
	_ =	sdelay $0x4  }
0x44: {  	(xrf1) =	vunique.msk.u32 $0xffff, v1;
	_ =	sdelay $0xd  }
0x45: {  	_, v2, vm0 =	vpop (xrf1);
	_ =	sdelay $0x3  }
0x46: {  	v2 =	vcvt.s32.f32 v2;
	_ =	sdelay $0x1  }
0x47: {  	[tilespmem:v1+s4+$0x0] =	vst.idx.add.f32.msk vm0, v2  }
0x48: {  	v1 =	vld [tilespmem:s10+$0x90];
	_ =	sdelay $0x4  }
0x49: {  	(xrf1) =	vunique.msk.u32 $0xffff, v1;
	_ =	sdelay $0xd  }
0x4a: {  	_, v2, vm0 =	vpop (xrf1);
	_ =	sdelay $0x3  }
0x4b: {  	v2 =	vcvt.s32.f32 v2;
	_ =	sdelay $0x1  }
0x4c: {  	[tilespmem:v1+s4+$0x0] =	vst.idx.add.f32.msk vm0, v2  }
0x4d: {  	v1 =	vld [tilespmem:s10+$0xA0];
	_ =	sdelay $0x4  }
0x4e: {  	(xrf1) =	vunique.msk.u32 $0xffff, v1;
	_ =	sdelay $0xd  }
0x4f: {  	_, v2, vm0 =	vpop (xrf1);
	_ =	sdelay $0x3  }
0x50: {  	v2 =	vcvt.s32.f32 v2;
	_ =	sdelay $0x1  }
0x51: {  	[tilespmem:v1+s4+$0x0] =	vst.idx.add.f32.msk vm0, v2  }
0x52: {  	v1 =	vld [tilespmem:s10+$0xB0];
	_ =	sdelay $0x4  }
0x53: {  	(xrf1) =	vunique.msk.u32 $0xffff, v1;
	_ =	sdelay $0xd  }
0x54: {  	_, v2, vm0 =	vpop (xrf1);
	_ =	sdelay $0x3  }
0x55: {  	v2 =	vcvt.s32.f32 v2;
	_ =	sdelay $0x1  }
0x56: {  	[tilespmem:v1+s4+$0x0] =	vst.idx.add.f32.msk vm0, v2  }
0x57: {  	v1 =	vld [tilespmem:s10+$0xC0];
	_ =	sdelay $0x4  }
0x58: {  	(xrf1) =	vunique.msk.u32 $0xffff, v1;
	_ =	sdelay $0xd  }
0x59: {  	_, v2, vm0 =	vpop (xrf1);
	_ =	sdelay $0x3  }
0x5a: {  	v2 =	vcvt.s32.f32 v2;
	_ =	sdelay $0x1  }
0x5b: {  	[tilespmem:v1+s4+$0x0] =	vst.idx.add.f32.msk vm0, v2  }
0x5c: {  	v1 =	vld [tilespmem:s10+$0xD0];
	_ =	sdelay $0x4  }
0x5d: {  	(xrf1) =	vunique.msk.u32 $0xffff, v1;
	_ =	sdelay $0xd  }
0x5e: {  	_, v2, vm0 =	vpop (xrf1);
	_ =	sdelay $0x3  }
0x5f: {  	v2 =	vcvt.s32.f32 v2;
	_ =	sdelay $0x1  }
0x60: {  	[tilespmem:v1+s4+$0x0] =	vst.idx.add.f32.msk vm0, v2  }
0x61: {  	v1 =	vld [tilespmem:s10+$0xE0];
	_ =	sdelay $0x4  }
0x62: {  	(xrf1) =	vunique.msk.u32 $0xffff, v1;
	_ =	sdelay $0xd  }
0x63: {  	_, v2, vm0 =	vpop (xrf1);
	_ =	sdelay $0x3  }
0x64: {  	v2 =	vcvt.s32.f32 v2;
	_ =	sdelay $0x1  }
0x65: {  	[tilespmem:v1+s4+$0x0] =	vst.idx.add.f32.msk vm0, v2  }
0x66: {  	v1 =	vld [tilespmem:s10+$0xF0];
	_ =	sdelay $0x4  }
0x67: {  	(xrf1) =	vunique.msk.u32 $0xffff, v1;
	_ =	sdelay $0xd  }
0x68: {  	_, v2, vm0 =	vpop (xrf1);
	_ =	sdelay $0x3  }
0x69: {  	v2 =	vcvt.s32.f32 v2;
	_ =	sdelay $0x1  }
0x6a: {  	[tilespmem:v1+s4+$0x0] =	vst.idx.add.f32.msk vm0, v2  }
0x6b: {  	v1 =	vld [tilespmem:s10+$0x100];
	_ =	sdelay $0x4  }
0x6c: {  	(xrf1) =	vunique.msk.u32 $0xffff, v1;
	_ =	sdelay $0xd  }
0x6d: {  	_, v2, vm0 =	vpop (xrf1);
	_ =	sdelay $0x3  }
0x6e: {  	v2 =	vcvt.s32.f32 v2;
	_ =	sdelay $0x1  }
0x6f: {  	[tilespmem:v1+s4+$0x0] =	vst.idx.add.f32.msk vm0, v2  }
0x70: {  	v1 =	vld [tilespmem:s10+$0x110];
	_ =	sdelay $0x4  }
0x71: {  	(xrf1) =	vunique.msk.u32 $0xffff, v1;
	_ =	sdelay $0xd  }
0x72: {  	_, v2, vm0 =	vpop (xrf1);
	_ =	sdelay $0x3  }
0x73: {  	v2 =	vcvt.s32.f32 v2;
	_ =	sdelay $0x1  }
0x74: {  	[tilespmem:v1+s4+$0x0] =	vst.idx.add.f32.msk vm0, v2  }
0x75: {  	v1 =	vld [tilespmem:s10+$0x120];
	_ =	sdelay $0x4  }
0x76: {  	(xrf1) =	vunique.msk.u32 $0xffff, v1;
	_ =	sdelay $0xd  }
0x77: {  	_, v2, vm0 =	vpop (xrf1);
	_ =	sdelay $0x3  }
0x78: {  	v2 =	vcvt.s32.f32 v2;
	_ =	sdelay $0x1  }
0x79: {  	[tilespmem:v1+s4+$0x0] =	vst.idx.add.f32.msk vm0, v2  }
0x7a: {  	v1 =	vld [tilespmem:s10+$0x130];
	_ =	sdelay $0x4  }
0x7b: {  	(xrf1) =	vunique.msk.u32 $0xffff, v1;
	_ =	sdelay $0xd  }
0x7c: {  	_, v2, vm0 =	vpop (xrf1);
	_ =	sdelay $0x3  }
0x7d: {  	v2 =	vcvt.s32.f32 v2;
	_ =	sdelay $0x1  }
0x7e: {  	[tilespmem:v1+s4+$0x0] =	vst.idx.add.f32.msk vm0, v2  }
0x7f: {  	v1 =	vld [tilespmem:s10+$0x140];
	_ =	sdelay $0x4  }
0x80: {  	(xrf1) =	vunique.msk.u32 $0xffff, v1;
	_ =	sdelay $0xd  }
0x81: {  	_, v2, vm0 =	vpop (xrf1);
	_ =	sdelay $0x3  }
0x82: {  	v2 =	vcvt.s32.f32 v2;
	_ =	sdelay $0x1  }
0x83: {  	[tilespmem:v1+s4+$0x0] =	vst.idx.add.f32.msk vm0, v2  }
0x84: {  	v1 =	vld [tilespmem:s10+$0x150];
	_ =	sdelay $0x4  }
0x85: {  	(xrf1) =	vunique.msk.u32 $0xffff, v1;
	_ =	sdelay $0xd  }
0x86: {  	_, v2, vm0 =	vpop (xrf1);
	_ =	sdelay $0x3  }
0x87: {  	v2 =	vcvt.s32.f32 v2;
	_ =	sdelay $0x1  }
0x88: {  	[tilespmem:v1+s4+$0x0] =	vst.idx.add.f32.msk vm0, v2  }
0x89: {  	v1 =	vld [tilespmem:s10+$0x160];
	_ =	sdelay $0x4  }
0x8a: {  	(xrf1) =	vunique.msk.u32 $0xffff, v1;
	_ =	sdelay $0xd  }
0x8b: {  	_, v2, vm0 =	vpop (xrf1);
	_ =	sdelay $0x3  }
0x8c: {  	v2 =	vcvt.s32.f32 v2;
	_ =	sdelay $0x1  }
0x8d: {  	[tilespmem:v1+s4+$0x0] =	vst.idx.add.f32.msk vm0, v2  }
0x8e: {  	v1 =	vld [tilespmem:s10+$0x170];
	_ =	sdelay $0x4  }
0x8f: {  	(xrf1) =	vunique.msk.u32 $0xffff, v1;
	_ =	sdelay $0xd  }
0x90: {  	_, v2, vm0 =	vpop (xrf1);
	_ =	sdelay $0x3  }
0x91: {  	v2 =	vcvt.s32.f32 v2;
	_ =	sdelay $0x1  }
0x92: {  	[tilespmem:v1+s4+$0x0] =	vst.idx.add.f32.msk vm0, v2  }
0x93: {  	v1 =	vld [tilespmem:s10+$0x180];
	_ =	sdelay $0x4  }
0x94: {  	(xrf1) =	vunique.msk.u32 $0xffff, v1;
	_ =	sdelay $0xd  }
0x95: {  	_, v2, vm0 =	vpop (xrf1)  }
0x96: {  	p0 =	sne.s32 s9, $0x9600  }
.Ltmp1:
0x97: {  	_ = 	snop;
	(pc) =	sbr.rel @p0 .LBB2_4-.Ltmp1, $3  }
0x98: {  	_ = 	snop  }
0x99: {  	v2 =	vcvt.s32.f32 v2;
	_ =	sdelay $0x1  }
0x9a: {  	s9 =	sadd.s32 $0x640, s9;
	[tilespmem:v1+s4+$0x0] =	vst.idx.add.f32.msk vm0, v2  }
0x9b: {  	s8 =	sadd.s32 $0x1, s8  }
0x9c: {  	p0 =	sne.s32 s8, s7  }
.Ltmp2:
0x9d: {  	_ = 	snop;
	(pc) =	sbr.rel @p0 .LBB2_1-.Ltmp2, $4  }
0x9e: {  	[hbm4b:s6+s2] =	stream.linear.scatter [tilespmem:s4], [sflag:$0x1], $0x2800, $0x38;
	[tilespmem:$0x4F10] =	vst v63  }
0x9f: {  	_ =	swait.ge [sflag:s3], $0x2800  }
0xa0: {  	[sflag:s3] =	ssyncset.done $0x0  }
0xa1: {  	[sflag:s3] =	ssyncadd.s32 $0xFFFFD800  }
0xa2: {  	_ =	sfence.sel $0x180000  }
0xa3: {  	[bflag:$0x0] =	sbarrier.arrive $0xFFFF  }
0xa4: {  	p0 =	sne.s32 s0, $0x0;
	_ =	strace $0x90000047  }
0xa5: {  	s0 =	sadd.s32 @!p0 $0x100000, s1;
	[bflag:$0x2] =	sbarrier.arrive $0xFFFF  }
0xa6: {  	[sflag:s0] =	ssyncadd.tile.s32 @!p0 $0x1;
	_ =	shalt  }
.Lfunc_end2:
_tile_overlayer_lowered:
.L_overlay_start_2:
0xa7: {  	(tag) =	ssettag $0x2  }
0xa8: {  	s0 =	rddreg [dreg:$0x0];
	s2 =	stileid.u32  }
0xa9: {  	s1 =	rddreg [dreg:$0x1];
	p0 =	sne.s32 s2, $0x0  }
0xaa: {  	s3 =	rddreg [dreg:$0x2];
	[bflag:$0x3] =	sbarrier.arrive $0xFFFF;
	s2 =	simm.s32 @!p0 $0x1C01  }
0xab: {  	[timem:s3], [sflag:s2] =	dma.local @!p0 [hbm:s0], s1  }
0xac: {  	s0 =	simm.s32 @!p0 $0x1  }
0xad: {  	_ =	swait.ge @!p0 [sflag:s0], s1  }
0xae: {  	s1 =	ssub.s32 @!p0 $0x0, s1;
	[sflag:s0] =	ssyncset.done @!p0 $0x0  }
0xaf: {  	[sflag:s0] =	ssyncadd.s32 @!p0 s1  }
0xb0: {  	[bflag:$0x3] =	sbarrier.arrive $0xFFFF  }
0xb1: {  	_ =	shalt  }

// kernel: kernel.9.cloned.1.call-start
scs
__scs_entry_jumppad:
0x0: {  	(pc) =	sbr.rel $0x88, $3  }
0x1: {  	(tag) =	ssettag $0x0;
	lr =	simm.s32 $0x1  }
0x2: {  	[smem:$0x3F9D] =	sst lr;
	_ =	strace $0xD0000000  }
0x3: {  	_ = 	snop  }
0x4: {  	_ = 	snop  }
0x5: {  	_ = 	snop  }
0x6: {  	_ = 	snop  }
0x7: {  	_ = 	snop  }
__scs_overlays_trampoline_lowered:
0x8: {  	[smem:$0x3FAC] =	sst s0  }
0x9: {  	[smem:$0x3FAD] =	sst s1  }
0xa: {  	[smem:$0x3FAE] =	sst s2  }
0xb: {  	[smem:$0x3FAF] =	sst s3  }
0xc: {  	[smem:$0x3FB0] =	sst s4  }
0xd: {  	[smem:$0x3FB1] =	sst s5  }
0xe: {  	[smem:$0x3FB2] =	sst s6  }
0xf: {  	[smem:$0x3FB3] =	sst s7  }
0x10: {  	[smem:$0x3FB4] =	sst s8  }
0x11: {  	[smem:$0x3FB5] =	sst s9;
	s0 =	simm.s32 @!p0 $0x0  }
0x12: {  	s1 =	sld [smem:$0x3F9B];
	s0 =	simm.s32 @p0 $0x1  }
0x13: {  	[smem:$0x3FB6] =	sst s0;
	s0 =	simm.s32 @!p1 $0x0  }
0x14: {  	s2 =	sld [smem:$0x3F9A];
	s0 =	simm.s32 @p1 $0x1  }
0x15: {  	[smem:$0x3FB7] =	sst s0;
	s0 =	simm.s32 @!p2 $0x0  }
0x16: {  	s3 =	sld [smem:$0x3FDB];
	s0 =	simm.s32 @p2 $0x1  }
0x17: {  	s4 =	simm.s32 $0x1BF5;
	[smem:$0x3FB9] =	sst s0  }
0x18: {  	s0 =	sld [smem:$0x3F9C];
	_ =	swait.ge [sflag:s4], $0x0  }
0x19: {  	s7 =	sld [smem:$0x3F9D]  }
0x1a: {  	s8 =	sadd.s32 $0xFFFFE003, lr  }
0x1b: {  	s9 =	sadd.s32 $0xFFFFFEF7, lr;
	s5 =	simm.s32 $0xFFFFFFFF;
	p2 =	slt.u32 s8, $0xFFFFF086  }
0x1c: {  	p1 =	slt.u32 s9, $0xF7A;
	s5 =	simm.s32 @!p2 $0x0  }
0x1d: {  	s5 =	simm.s32 @p1 $0x1;
	p0 =	seq.s32 s7, s2  }
0x1e: {  	s7 =	smul.u32 @!p0 $0xF7A, s2;
	p2 =	seq.s32 @!p0 s5, $0x0  }
0x1f: {  	s9 =	smul.u32 $0xF7A, s1;
	s8 =	simm.s32 @!p0 $0x1BF5;
	p2 =	por !p2, p0  }
0x20: {  	[sflag:s8] =	ssyncset.s32 @!p0 $0xFFFFF086;
	s6 =	sadd.s32 @!p0 s3, s7;
	s7 =	simm.s32 @!p0 $0x108  }
0x21: {  	s3 =	sadd.s32 s3, s9;
	s6 =	sadd.s32 @!p0 $0x88, s6;
	s7 =	simm.s32 @p2 $0x1082  }
0x22: {  	[simem:s7], [sflag:s8] =	dma.local @!p0 [hbm:s6], $0xF7A  }
0x23: {  	s9 =	sor.u32 $0xD0000000, s2;
	s6 =	simm.s32 $0x108;
	_ =	swait.ge @!p0 [sflag:s8], $0x0  }
0x24: {  	s3 =	sadd.s32 $0x88, s3;
	s6 =	simm.s32 @!p1 $0x1082;
	[sflag:s4] =	ssyncset.s32 $0xFFFFF086  }
0x25: {  	[simem:s6], [sflag:s4] =	dma.local [hbm:s3], $0xF7A  }
0x26: {  	[smem:$0x3F9D] =	sst s1;
	(tag) =	ssettag s2;
	_ =	strace s9  }
0x27: {  	s1 =	sld [smem:$0x3FAD]  }
0x28: {  	s2 =	sld [smem:$0x3FAE]  }
0x29: {  	s4 =	sld [smem:$0x3FB0]  }
0x2a: {  	p0 =	seq.s32 s5, $0x0;
	s5 =	sld [smem:$0x3FB1]  }
0x2b: {  	s6 =	sld [smem:$0x3FB2]  }
0x2c: {  	s7 =	sld [smem:$0x3FB3]  }
0x2d: {  	s3 =	simm.s32 $0x108;
	s8 =	sld [smem:$0x3FB4]  }
0x2e: {  	s3 =	simm.s32 @!p0 $0x1082;
	s9 =	sld [smem:$0x3FB5]  }
0x2f: {  	lr =	sadd.s32 s0, s3;
	s0 =	sld [smem:$0x3FAC]  }
0x30: {  	s3 =	sld [smem:$0x3FAF]  }
0x31: {  	[smem:$0x3FB8] =	sst s10  }
0x32: {  	s10 =	sld [smem:$0x3FB6];
	_ =	sdelay $0x3  }
0x33: {  	p0 =	seq.s32 s10, $0x1;
	s10 =	sld [smem:$0x3FB8];
	_ =	sdelay $0x3  }
0x34: {  	[smem:$0x3FB8] =	sst s10  }
0x35: {  	s10 =	sld [smem:$0x3FB7];
	_ =	sdelay $0x3  }
0x36: {  	p1 =	seq.s32 s10, $0x1;
	s10 =	sld [smem:$0x3FB8];
	_ =	sdelay $0x3  }
0x37: {  	[smem:$0x3FB8] =	sst s10  }
0x38: {  	s10 =	sld [smem:$0x3FB9]  }
0x39: {  	_ = 	snop;
	(pc) =	sbr.ind lr, $3  }
0x3a: {  	_ = 	snop  }
0x3b: {  	_ = 	snop  }
0x3c: {  	p2 =	seq.s32 s10, $0x1;
	s10 =	sld [smem:$0x3FB8]  }
0x3d: {  	_ =	shalt  }
0x3e: {  	_ =	shalt  }
0x3f: {  	_ =	shalt  }
0x40: {  	_ =	shalt  }
0x41: {  	_ =	shalt  }
0x42: {  	_ =	shalt  }
0x43: {  	_ =	shalt  }
0x44: {  	_ =	shalt  }
0x45: {  	_ =	shalt  }
0x46: {  	_ =	shalt  }
0x47: {  	_ =	shalt  }
0x48: {  	_ =	shalt  }
0x49: {  	_ =	shalt  }
0x4a: {  	_ =	shalt  }
0x4b: {  	_ =	shalt  }
0x4c: {  	_ =	shalt  }
0x4d: {  	_ =	shalt  }
0x4e: {  	_ =	shalt  }
0x4f: {  	_ =	shalt  }
0x50: {  	_ =	shalt  }
0x51: {  	_ =	shalt  }
0x52: {  	_ =	shalt  }
0x53: {  	_ =	shalt  }
0x54: {  	_ =	shalt  }
0x55: {  	_ =	shalt  }
0x56: {  	_ =	shalt  }
0x57: {  	_ =	shalt  }
0x58: {  	_ =	shalt  }
0x59: {  	_ =	shalt  }
0x5a: {  	_ =	shalt  }
0x5b: {  	_ =	shalt  }
0x5c: {  	_ =	shalt  }
0x5d: {  	_ =	shalt  }
0x5e: {  	_ =	shalt  }
0x5f: {  	_ =	shalt  }
0x60: {  	_ =	shalt  }
0x61: {  	_ =	shalt  }
0x62: {  	_ =	shalt  }
0x63: {  	_ =	shalt  }
0x64: {  	_ =	shalt  }
0x65: {  	_ =	shalt  }
0x66: {  	_ =	shalt  }
0x67: {  	_ =	shalt  }
0x68: {  	_ =	shalt  }
0x69: {  	_ =	shalt  }
0x6a: {  	_ =	shalt  }
0x6b: {  	_ =	shalt  }
0x6c: {  	_ =	shalt  }
0x6d: {  	_ =	shalt  }
0x6e: {  	_ =	shalt  }
0x6f: {  	_ =	shalt  }
0x70: {  	_ =	shalt  }
0x71: {  	_ =	shalt  }
0x72: {  	_ =	shalt  }
0x73: {  	_ =	shalt  }
0x74: {  	_ =	shalt  }
0x75: {  	_ =	shalt  }
0x76: {  	_ =	shalt  }
0x77: {  	_ =	shalt  }
0x78: {  	_ =	shalt  }
0x79: {  	_ =	shalt  }
0x7a: {  	_ =	shalt  }
0x7b: {  	_ =	shalt  }
0x7c: {  	_ =	shalt  }
0x7d: {  	_ =	shalt  }
0x7e: {  	_ =	shalt  }
0x7f: {  	_ =	shalt  }
0x80: {  	_ =	shalt  }
0x81: {  	_ =	shalt  }
0x82: {  	_ =	shalt  }
0x83: {  	_ =	shalt  }
0x84: {  	_ =	shalt  }
0x85: {  	_ =	shalt  }
0x86: {  	_ =	shalt  }
0x87: {  	_ =	shalt  }
.Lfunc_end0:
.L_simem_size_0:
called_computation.1_lowered:
.L_overlay_start_0:
0x88: {  	s2 =	sld [smem:$0x3FD9]  }
0x89: {  	s3 =	sld [smem:$0x3FFE];
	_ =	sdelay $0x1  }
0x8a: {  	s1 =	srdreg.scid  }
0x8b: {  	s0 =	sand.u32 $0x1, s1  }
0x8c: {  	s17 =	sshll.u32 s0, $0xA;
	s2 =	sadd.s32 s3, s2  }
0x8d: {  	s2 =	sadd.s32 s2, s17  }
0x8e: {  	[smem:$0x3FC4] =	sst s2  }
0x8f: {  	_ = 	snop  }
0x90: {  	s2 =	sld [smem:$0x3FD0];
	(tm) =	ssettm $0x1  }
0x91: {  	s18 =	sld [smem:$0x3FFB];
	_ =	sdelay $0x3  }
0x92: {  	_ =	strace s18  }
0x93: {  	s3 =	sld [smem:$0x3FFC];
	_ =	sdelay $0x3  }
0x94: {  	_ =	strace s3  }
0x95: {  	s3 =	sld [smem:$0x3FFD];
	_ =	sdelay $0x3  }
0x96: {  	_ =	strace s3  }
0x97: {  	_ =	strace $0x8FFFFFFF  }
0x98: {  	s19 =	sld [smem:$0x3FDB];
	_ =	sdelay $0x1  }
0x99: {  	s4 =	simm.s32 $_scs_section_size  }
0x9a: {  	s5 =	simm.s32 $_size__tile_overlayer_lowered;
	s6 =	simm.s32 $_tile_overlayer_lowered  }
0x9b: {  	s22 =	simm.s32 $0x1BFF;
	s21 =	sshll.u32 s6, $0x1;
	s3 =	sadd.s32 s4, s19  }
0x9c: {  	s7 =	simm.s32 $0x0;
	s20 =	sshll.u32 s5, $0x1;
	s5 =	sadd.s32 s21, s3  }
0x9d: {  	[timem:s7], [sflag:s22] =	dma.local [hbm:s5], s20  }
0x9e: {  	_ =	swait.ge [sflag:s22], s20  }
0x9f: {  	s4 =	ssub.s32 $0x0, s20;
	[sflag:s22] =	ssyncset.done $0x0  }
0xa0: {  	[sflag:s22] =	ssyncadd.s32 s4;
	_ =	sdelay $0x1  }
0xa1: {  	s23 =	simm.s32 $0x1B8B  }
0xa2: {  	_ =	swait.ge [sflag:s23], $0x1  }
0xa3: {  	[sflag:s23] =	ssyncset.done $0x0  }
0xa4: {  	s25 =	simm.s32 $0x1B8E;
	s24 =	sld [smem:$0x3FFE];
	[sflag:s23] =	ssyncadd.s32 $0xFFFFFFFF  }
0xa5: {  	s26 =	simm.s32 $execute0_lowered;
	[smem:$0x3FD2] =	sst s25  }
0xa6: {  	s5 =	sshll.u32 s26, $0x1;
	_ =	strace $0x80000049;
	[dreg:$0x1] =	wrdreg $0xFFFFFFFF  }
0xa7: {  	s28 =	simm.s32 $_size_execute0_lowered;
	s3 =	sadd.s32 s3, s5;
	[dreg:$0x0] =	wrdreg $0x0  }
0xa8: {  	s5 =	sshll.u32 s28, $0x1;
	[dreg:$0x2] =	wrdreg s3  }
0xa9: {  	[dreg:$0x3] =	wrdreg s5  }
0xaa: {  	[dreg:$0x4] =	wrdreg $0xC0  }
0xab: {  	_ =	task [dreg:s7], $0x5FFFF  }
0xac: {  	[dreg:$0x1] =	wrdreg $0xFFFFFFFF  }
0xad: {  	[dreg:$0x0] =	wrdreg $0x60  }
0xae: {  	[dreg:$0x2] =	wrdreg s2  }
0xaf: {  	[dreg:$0x3] =	wrdreg s24  }
0xb0: {  	[dreg:$0x4] =	wrdreg $0x9C400  }
0xb1: {  	[dreg:$0x5] =	wrdreg $0x9  }
0xb2: {  	_ =	task.clear_ibuf [dreg:s7], $0x6FFFF;
	_ =	strace $0x90000049  }
0xb3: {  	s29 =	simm.s32 $0x9;
	_ =	strace $0x8000004B  }
0xb4: {  	_ =	swait.ge [sflag:s29], $0x1  }
0xb5: {  	[sflag:s29] =	ssyncadd.s32 $0xFFFFFFFF  }
0xb6: {  	_ =	strace $0x9000004B  }
0xb7: {  	_ =	sfence  }
0xb8: {  	s30 =	sld [smem:$0x0];
	_ =	sdelay $0x2  }
0xb9: {  	s31 =	sshll.u32 s1, $0xD;
	s1 =	sshrl.u32 s1, $0x2  }
0xba: {  	s3 =	sand.u32 $0x4000, s31;
	s1 =	sadd.s32 s1, s30  }
0xbb: {  	s0 =	sor.u32 s3, s0;
	s1 =	sshll.u32 s1, $0x11  }
0xbc: {  	s0 =	sor.u32 s1, s0  }
0xbd: {  	s0 =	sadd.s32 $0x8F2B, s0  }
0xbe: {  	[sflag:s0] =	ssyncadd.remote.s32 $0x1  }
0xbf: {  	_ =	sfence.sel $0xFFFF  }
0xc0: {  	[dreg:$0x0] =	wrdreg $0xFFFFFFFF;
	(pc) =	sbr.abs _section_cstart, $3  }
0xc1: {  	[dreg:$0x1] =	wrdreg $0xFFFFFFFF  }
0xc2: {  	_ =	task.clear_ibuf [dreg:s7], $0x2FFFF;
	_ =	strace $0x9FFFFFFF  }
0xc3: {  	(tm) =	ssettm $0x7FFFFFFF  }
tec
execute0_lowered:
.L_overlay_start_1:
0x0: {  	(tag) =	ssettag $0x1  }
0x1: {  	s1 =	rddreg [dreg:$0x0]  }
0x2: {  	s0 =	rddreg [dreg:$0x1]  }
0x3: {  	s3 =	rddreg [dreg:$0x2]  }
0x4: {  	s4 =	simm.s32 $0x0;
	s6 =	stileid.u32;
	s2 =	srdreg.scid  }
0x5: {  	s29 =	simm.s32 $0x18C40;
	s30 =	simm.s32 $0x2;
	s28 =	simm.s32 $0x4  }
0x6: {  	s31 =	simm.s32 $0x1C840;
	s9 =	simm.s32 $0xB;
	s10 =	simm.s32 $0x8  }
0x7: {  	s11 =	simm.s32 $0xD;
	s12 =	simm.s32 $0xE;
	s14 =	smul.u32 $0x14000, s6  }
0x8: {  	s13 =	simm.s32 $0xF;
	s7 =	sand.u32 $0x1, s2;
	s15 =	smul.u32 $0x9C4, s6  }
0x9: {  	[smem:$0x7FF] =	sst s4;
	s6 =	smul.u32 $0x28000, s6;
	s5 =	sshll.u32 s7, $0x6  }
0xa: {  	_ =	strace $0x8000004A;
	s16 =	ssub.s32 $0x2, s7;
	s2 =	sor.u32 s5, s14  }
0xb: {  	s4 =	sadd.s32 s15, s0;
	s8 =	sshrl.u32 s16, $0x1;
	s18 =	sshrl.u32 s6, $0x2  }
0xc: {  	s6 =	simm.s32 $0xA;
	s14 =	simm.s32 $0x10;
	s19 =	sadd.s32 $0x1000, s4  }
0xd: {  	s15 =	simm.s32 $0x0;
	s4 =	sadd.s32 $0xAE00, s4;
	[dreg:$0x4] =	wrdreg s19  }
0xe: {  	s2 =	sshrl.u32 s2, $0x3;
	s20 =	sadd.s32 s18, s3;
	[dreg:$0x5] =	wrdreg s4  }
0xf: {  	s17 =	ssub.s32 s16, s8;
	s5 =	sadd.s32 $0x1400, s20;
	[dreg:$0x6] =	wrdreg s20  }
0x10: {  	s8 =	simm.s32 $0x7;
	s21 =	sadd.s32 $0x2800, s20;
	[dreg:$0x7] =	wrdreg s5  }
0x11: {  	s18 =	simm.s32 $0xC;
	s22 =	sadd.s32 $0x3C00, s20;
	[dreg:$0x8] =	wrdreg s21  }
0x12: {  	s0 =	sadd.s32 s2, s0;
	s23 =	sadd.s32 $0x5000, s20;
	[dreg:$0x9] =	wrdreg s22  }
0x13: {  	s24 =	sadd.s32 $0x6400, s20;
	s25 =	sadd.s32 $0x7800, s20;
	[dreg:$0xa] =	wrdreg s23  }
0x14: {  	s4 =	sadd.s32 $0x8C00, s20;
	s26 =	smax.u32 s17, $0x1;
	[dreg:$0xb] =	wrdreg s24  }
0x15: {  	s17 =	simm.s32 $0x11;
	s19 =	simm.s32 $0x13C40;
	[dreg:$0xc] =	wrdreg s25  }
0x16: {  	s20 =	simm.s32 $0x50;
	s2 =	simm.s32 $0x5;
	[dreg:$0xd] =	wrdreg s4  }
0x17: {  	s0 =	sadd.s32 $0x14C00, s0;
	[dreg:$0xf] =	wrdreg s26;
	s21 =	simm.s32 $0x15040  }
0x18: {  	s23 =	simm.s32 $0x16440;
	s25 =	simm.s32 $0x17840;
	s26 =	simm.s32 $0x1  }
0x19: {  	s22 =	simm.s32 $0x1A040;
	s24 =	simm.s32 $0x3;
	s4 =	simm.s32 $0x9  }
0x1a: {  	v1 =	vimm.f32 $0.0e+00;
	v0 =	vmov s7;
	s5 =	simm.s32 $0x6;
	[dreg:$0xe] =	wrdreg s0;
	s0 =	simm.s32 $0x1B440  }
.LBB2_1:
0x1b: {  	[dreg:$0x10] =	wrdreg s15  }
0x1c: {  	s7 =	simm.s32 $0x0;
	s16 =	rddreg [dreg:$0x4]  }
0x1d: {  	[tilespmem:s7], [sflag:$0x11] =	stream.linear.gather [hbm4b:s16+s7], $0x4E20, $0x38;
	[tilespmem:$0x1DC40] =	vst v63  }
0x1e: {  	_ =	swait.ge [sflag:s17], $0x4E20  }
0x1f: {  	[sflag:s17] =	ssyncset.done $0x0  }
0x20: {  	s16 =	simm.s32 $0x4E20;
	s15 =	rddreg [dreg:$0x5];
	[sflag:s17] =	ssyncadd.s32 $0xFFFFB1E0  }
0x21: {  	[tilespmem:s16], [sflag:$0x11] =	stream.linear.gather [hbm4b:s15+s7], $0x4E20, $0x38;
	[tilespmem:$0x1DC40] =	vst v63  }
0x22: {  	_ =	swait.ge [sflag:s17], $0x4E20  }
0x23: {  	[sflag:s17] =	ssyncset.done $0x0  }
0x24: {  	s7 =	simm.s32 $0x0;
	[sflag:s17] =	ssyncadd.s32 $0xFFFFB1E0  }
0x25: {  	v4 =	vld [tilespmem:s7+$0x0]  }
0x26: {  	v5 =	vld [tilespmem:s7+$0x10]  }
0x27: {  	v3 =	vld [tilespmem:s7+$0x20]  }
0x28: {  	s16 =	simm.s32 $0x140;
	v2 =	vld [tilespmem:s7+$0x30]  }
.LBB2_2:
0x29: {  	p0 =	sne.s32 s16, $0x13740;
	v6 =	vld [tilespmem:s7+$0x40]  }
0x2a: {  	v4 =	vshll.u32 v4, $0x1  }
0x2b: {  	v4 =	vor.u32 v0, v4;
	v5 =	vshll.u32 v5, $0x1  }
.Ltmp0:
0x2c: {  	s15 =	sshra.s32 s16, $0x2;
	[tilespmem:s7+$0x0] =	vst v4;
	v5 =	vor.u32 v0, v5;
	v3 =	vshll.u32 v3, $0x1;
	(pc) =	sbr.rel @p0 .LBB2_2-.Ltmp0, $4  }
0x2d: {  	v4 =	vld [tilespmem:s15+$0x0];
	[tilespmem:s7+$0x10] =	vst v5;
	v3 =	vor.u32 v0, v3;
	v2 =	vshll.u32 v2, $0x1  }
0x2e: {  	v5 =	vld [tilespmem:s15+$0x10];
	[tilespmem:s7+$0x20] =	vst v3;
	v2 =	vor.u32 v0, v2;
	v6 =	vshll.u32 v6, $0x1  }
0x2f: {  	v3 =	vld [tilespmem:s15+$0x20];
	[tilespmem:s7+$0x30] =	vst v2;
	v6 =	vor.u32 v0, v6  }
0x30: {  	s16 =	sadd.s32 $0x140, s16;
	v2 =	vld [tilespmem:s15+$0x30];
	[tilespmem:s7+$0x40] =	vst v6;
	s7 =	smov.u32 s15  }
0x31: {  	v6 =	vld [tilespmem:s7+$0x40]  }
0x32: {  	v4 =	vshll.u32 v4, $0x1  }
0x33: {  	v4 =	vor.u32 v0, v4;
	v5 =	vshll.u32 v5, $0x1  }
0x34: {  	[tilespmem:s7+$0x0] =	vst v4;
	v63 =	vor.u32 v0, v5;
	v3 =	vshll.u32 v3, $0x1  }
0x35: {  	[tilespmem:s7+$0x10] =	vst v63;
	v3 =	vor.u32 v0, v3;
	v2 =	vshll.u32 v2, $0x1  }
0x36: {  	[tilespmem:s7+$0x20] =	vst v3;
	v2 =	vor.u32 v0, v2;
	v3 =	vshll.u32 v6, $0x1  }
0x37: {  	[tilespmem:s7+$0x30] =	vst v2;
	v2 =	vor.u32 v0, v3  }
0x38: {  	s16 =	simm.s32 $0x100;
	[tilespmem:s7+$0x40] =	vst v2;
	s7 =	simm.s32 $0x0  }
.LBB2_4:
0x39: {  	p0 =	sne.s32 s16, $0x4F00;
	[tilespmem:s7+$0x13C70] =	vst v1;
	s15 =	smov.u32 s16;
	s16 =	sadd.s32 $0x100, s16  }
.Ltmp1:
0x3a: {  	[tilespmem:s7+$0x13C60] =	vst v1;
	(pc) =	sbr.rel @p0 .LBB2_4-.Ltmp1, $3  }
0x3b: {  	[tilespmem:s7+$0x13C40] =	vst v1  }
0x3c: {  	[tilespmem:s7+$0x13C50] =	vst v1;
	_ =	sdelay $0x1  }
0x3d: {  	s7 =	sshra.s32 s15, $0x2  }
0x3e: {  	[tilespmem:s7+$0x13C70] =	vst v1  }
0x3f: {  	[tilespmem:s7+$0x13C60] =	vst v1  }
0x40: {  	[tilespmem:s7+$0x13C40] =	vst v1  }
0x41: {  	[tilespmem:s7+$0x13C50] =	vst v1;
	s15 =	rddreg [dreg:$0x6]  }
0x42: {  	[spmem:s15] =	stream.linear.scatter [tilespmem:s19], [sflag:$0x11], $0x1400, $0x38;
	[tilespmem:$0x1DC40] =	vst v63  }
0x43: {  	_ =	swait.ge [sflag:s17], $0x1400  }
0x44: {  	[sflag:s17] =	ssyncset.done $0x0  }
0x45: {  	s16 =	rddreg [dreg:$0x7];
	[sflag:s17] =	ssyncadd.s32 $0xFFFFEC00  }
0x46: {  	[spmem:s16] =	stream.linear.scatter [tilespmem:s19], [sflag:$0x11], $0x1400, $0x38;
	[tilespmem:$0x1DC40] =	vst v63  }
0x47: {  	_ =	swait.ge [sflag:s17], $0x1400  }
0x48: {  	[sflag:s17] =	ssyncset.done $0x0  }
0x49: {  	s15 =	rddreg [dreg:$0x8];
	[sflag:s17] =	ssyncadd.s32 $0xFFFFEC00  }
0x4a: {  	[spmem:s15] =	stream.linear.scatter [tilespmem:s19], [sflag:$0x11], $0x1400, $0x38;
	[tilespmem:$0x1DC40] =	vst v63  }
0x4b: {  	_ =	swait.ge [sflag:s17], $0x1400  }
0x4c: {  	[sflag:s17] =	ssyncset.done $0x0  }
0x4d: {  	s16 =	rddreg [dreg:$0x9];
	[sflag:s17] =	ssyncadd.s32 $0xFFFFEC00  }
0x4e: {  	[spmem:s16] =	stream.linear.scatter [tilespmem:s19], [sflag:$0x11], $0x1400, $0x38;
	[tilespmem:$0x1DC40] =	vst v63  }
0x4f: {  	_ =	swait.ge [sflag:s17], $0x1400  }
0x50: {  	[sflag:s17] =	ssyncset.done $0x0  }
0x51: {  	s15 =	rddreg [dreg:$0xa];
	[sflag:s17] =	ssyncadd.s32 $0xFFFFEC00  }
0x52: {  	[spmem:s15] =	stream.linear.scatter [tilespmem:s19], [sflag:$0x11], $0x1400, $0x38;
	[tilespmem:$0x1DC40] =	vst v63  }
0x53: {  	_ =	swait.ge [sflag:s17], $0x1400  }
0x54: {  	[sflag:s17] =	ssyncset.done $0x0  }
0x55: {  	s16 =	rddreg [dreg:$0xb];
	[sflag:s17] =	ssyncadd.s32 $0xFFFFEC00  }
0x56: {  	[spmem:s16] =	stream.linear.scatter [tilespmem:s19], [sflag:$0x11], $0x1400, $0x38;
	[tilespmem:$0x1DC40] =	vst v63  }
0x57: {  	_ =	swait.ge [sflag:s17], $0x1400  }
0x58: {  	[sflag:s17] =	ssyncset.done $0x0  }
0x59: {  	s15 =	rddreg [dreg:$0xc];
	[sflag:s17] =	ssyncadd.s32 $0xFFFFEC00  }
0x5a: {  	[spmem:s15] =	stream.linear.scatter [tilespmem:s19], [sflag:$0x11], $0x1400, $0x38;
	[tilespmem:$0x1DC40] =	vst v63  }
0x5b: {  	_ =	swait.ge [sflag:s17], $0x1400  }
0x5c: {  	[sflag:s17] =	ssyncset.done $0x0  }
0x5d: {  	s16 =	rddreg [dreg:$0xd];
	[sflag:s17] =	ssyncadd.s32 $0xFFFFEC00  }
0x5e: {  	[spmem:s16] =	stream.linear.scatter [tilespmem:s19], [sflag:$0x11], $0x1400, $0x38;
	[tilespmem:$0x1DC40] =	vst v63  }
0x5f: {  	_ =	swait.ge [sflag:s17], $0x1400  }
0x60: {  	[sflag:s17] =	ssyncset.done $0x0  }
0x61: {  	[sflag:s17] =	ssyncadd.s32 $0xFFFFEC00  }
0x62: {  	s15 =	simm.s32 $0x0;
	[bflag:$0x0] =	sbarrier.arrive $0xFFFF  }
0x63: {  	[tilespmem:s19], [sflag:$0x1] =	stream.indirect.gather [hbm4b:s1+s20], $0x40, s15, s20, $0xb8;
	[tilespmem:$0x1DC40] =	vst v63  }
0x64: {  	_ = 	snop  }
0x65: {  	[tilespmem:s21], [sflag:$0x2] =	stream.indirect.gather [hbm4b:s1+s20], $0x40, s20, s20, $0xb8;
	[tilespmem:$0x1DC40] =	vst v63  }
0x66: {  	s16 =	simm.s32 $0xA0  }
0x67: {  	[tilespmem:s23], [sflag:$0x3] =	stream.indirect.gather [hbm4b:s1+s20], $0x40, s16, s20, $0xb8;
	[tilespmem:$0x1DC40] =	vst v63  }
0x68: {  	s15 =	simm.s32 $0xF0  }
0x69: {  	[tilespmem:s25], [sflag:$0x4] =	stream.indirect.gather [hbm4b:s1+s20], $0x40, s15, s20, $0xb8;
	[tilespmem:$0x1DC40] =	vst v63  }
0x6a: {  	_ =	swait.ge [sflag:s26], $0x1400  }
0x6b: {  	[sflag:s26] =	ssyncset.done $0x0  }
0x6c: {  	s16 =	simm.s32 $0x4E20;
	[sflag:s26] =	ssyncadd.s32 $0xFFFFEC00  }
0x6d: {  	[spmem:s3] =	stream.indirect.scatter.add.f32 [tilespmem:s19], [sflag:$0x9], $0x40, s16, s20, $0xb8;
	[tilespmem:$0x1DC40] =	vst v63  }
0x6e: {  	s15 =	simm.s32 $0x140  }
0x6f: {  	[tilespmem:s29], [sflag:$0x5] =	stream.indirect.gather [hbm4b:s1+s20], $0x40, s15, s20, $0xb8;
	[tilespmem:$0x1DC40] =	vst v63  }
0x70: {  	_ =	swait.ge [sflag:s30], $0x1400  }
0x71: {  	[sflag:s30] =	ssyncset.done $0x0  }
0x72: {  	s16 =	simm.s32 $0x4E70;
	[sflag:s30] =	ssyncadd.s32 $0xFFFFEC00  }
0x73: {  	[spmem:s3] =	stream.indirect.scatter.add.f32 [tilespmem:s21], [sflag:$0xA], $0x40, s16, s20, $0xb8;
	[tilespmem:$0x1DC40] =	vst v63  }
0x74: {  	s15 =	simm.s32 $0x190  }
0x75: {  	[tilespmem:s22], [sflag:$0x6] =	stream.indirect.gather [hbm4b:s1+s20], $0x40, s15, s20, $0xb8;
	[tilespmem:$0x1DC40] =	vst v63  }
0x76: {  	_ =	swait.ge [sflag:s24], $0x1400  }
0x77: {  	[sflag:s24] =	ssyncset.done $0x0  }
0x78: {  	s16 =	simm.s32 $0x4EC0;
	[sflag:s24] =	ssyncadd.s32 $0xFFFFEC00  }
0x79: {  	[spmem:s3] =	stream.indirect.scatter.add.f32 [tilespmem:s23], [sflag:$0xB], $0x40, s16, s20, $0xb8;
	[tilespmem:$0x1DC40] =	vst v63  }
0x7a: {  	s15 =	simm.s32 $0x1E0  }
0x7b: {  	[tilespmem:s0], [sflag:$0x7] =	stream.indirect.gather [hbm4b:s1+s20], $0x40, s15, s20, $0xb8;
	[tilespmem:$0x1DC40] =	vst v63  }
0x7c: {  	_ =	swait.ge [sflag:s28], $0x1400  }
0x7d: {  	[sflag:s28] =	ssyncset.done $0x0  }
0x7e: {  	s16 =	simm.s32 $0x4F10;
	[sflag:s28] =	ssyncadd.s32 $0xFFFFEC00  }
0x7f: {  	[spmem:s3] =	stream.indirect.scatter.add.f32 [tilespmem:s25], [sflag:$0xC], $0x40, s16, s20, $0xb8;
	[tilespmem:$0x1DC40] =	vst v63  }
0x80: {  	s15 =	simm.s32 $0x230  }
0x81: {  	[tilespmem:s31], [sflag:$0x8] =	stream.indirect.gather [hbm4b:s1+s20], $0x40, s15, s20, $0xb8;
	[tilespmem:$0x1DC40] =	vst v63  }
0x82: {  	_ =	swait.ge [sflag:s2], $0x1400  }
0x83: {  	[sflag:s2] =	ssyncset.done $0x0  }
0x84: {  	s16 =	simm.s32 $0x4F60;
	[sflag:s2] =	ssyncadd.s32 $0xFFFFEC00  }
0x85: {  	[spmem:s3] =	stream.indirect.scatter.add.f32 [tilespmem:s29], [sflag:$0xD], $0x40, s16, s20, $0xb8;
	[tilespmem:$0x1DC40] =	vst v63  }
0x86: {  	_ =	swait.ge [sflag:s4], $0x1400  }
0x87: {  	[sflag:s4] =	ssyncset.done $0x0  }
0x88: {  	s15 =	simm.s32 $0x280;
	[sflag:s4] =	ssyncadd.s32 $0xFFFFEC00  }
0x89: {  	[tilespmem:s19], [sflag:$0x1] =	stream.indirect.gather [hbm4b:s1+s20], $0x40, s15, s20, $0xb8;
	[tilespmem:$0x1DC40] =	vst v63  }
0x8a: {  	_ =	swait.ge [sflag:s5], $0x1400  }
0x8b: {  	[sflag:s5] =	ssyncset.done $0x0  }
0x8c: {  	s16 =	simm.s32 $0x4FB0;
	[sflag:s5] =	ssyncadd.s32 $0xFFFFEC00  }
0x8d: {  	[spmem:s3] =	stream.indirect.scatter.add.f32 [tilespmem:s22], [sflag:$0xE], $0x40, s16, s20, $0xb8;
	[tilespmem:$0x1DC40] =	vst v63  }
0x8e: {  	_ =	swait.ge [sflag:s6], $0x1400  }
0x8f: {  	[sflag:s6] =	ssyncset.done $0x0  }
0x90: {  	s15 =	simm.s32 $0x2D0;
	[sflag:s6] =	ssyncadd.s32 $0xFFFFEC00  }
0x91: {  	[tilespmem:s21], [sflag:$0x2] =	stream.indirect.gather [hbm4b:s1+s20], $0x40, s15, s20, $0xb8;
	[tilespmem:$0x1DC40] =	vst v63  }
0x92: {  	_ =	swait.ge [sflag:s8], $0x1400  }
0x93: {  	[sflag:s8] =	ssyncset.done $0x0  }
0x94: {  	s16 =	simm.s32 $0x5000;
	[sflag:s8] =	ssyncadd.s32 $0xFFFFEC00  }
0x95: {  	[spmem:s3] =	stream.indirect.scatter.add.f32 [tilespmem:s0], [sflag:$0xF], $0x40, s16, s20, $0xb8;
	[tilespmem:$0x1DC40] =	vst v63  }
0x96: {  	_ =	swait.ge [sflag:s9], $0x1400  }
0x97: {  	[sflag:s9] =	ssyncset.done $0x0  }
0x98: {  	s15 =	simm.s32 $0x320;
	[sflag:s9] =	ssyncadd.s32 $0xFFFFEC00  }
0x99: {  	[tilespmem:s23], [sflag:$0x3] =	stream.indirect.gather [hbm4b:s1+s20], $0x40, s15, s20, $0xb8;
	[tilespmem:$0x1DC40] =	vst v63  }
0x9a: {  	_ =	swait.ge [sflag:s10], $0x1400  }
0x9b: {  	[sflag:s10] =	ssyncset.done $0x0  }
0x9c: {  	s16 =	simm.s32 $0x5050;
	[sflag:s10] =	ssyncadd.s32 $0xFFFFEC00  }
0x9d: {  	[spmem:s3] =	stream.indirect.scatter.add.f32 [tilespmem:s31], [sflag:$0x10], $0x40, s16, s20, $0xb8;
	[tilespmem:$0x1DC40] =	vst v63  }
0x9e: {  	_ =	swait.ge [sflag:s18], $0x1400  }
0x9f: {  	[sflag:s18] =	ssyncset.done $0x0  }
0xa0: {  	s15 =	simm.s32 $0x370;
	[sflag:s18] =	ssyncadd.s32 $0xFFFFEC00  }
0xa1: {  	[tilespmem:s25], [sflag:$0x4] =	stream.indirect.gather [hbm4b:s1+s20], $0x40, s15, s20, $0xb8;
	[tilespmem:$0x1DC40] =	vst v63  }
0xa2: {  	_ =	swait.ge [sflag:s26], $0x1400  }
0xa3: {  	[sflag:s26] =	ssyncset.done $0x0  }
0xa4: {  	s16 =	simm.s32 $0x50A0;
	[sflag:s26] =	ssyncadd.s32 $0xFFFFEC00  }
0xa5: {  	[spmem:s3] =	stream.indirect.scatter.add.f32 [tilespmem:s19], [sflag:$0x9], $0x40, s16, s20, $0xb8;
	[tilespmem:$0x1DC40] =	vst v63  }
0xa6: {  	_ =	swait.ge [sflag:s11], $0x1400  }
0xa7: {  	[sflag:s11] =	ssyncset.done $0x0  }
0xa8: {  	s15 =	simm.s32 $0x3C0;
	[sflag:s11] =	ssyncadd.s32 $0xFFFFEC00  }
0xa9: {  	[tilespmem:s29], [sflag:$0x5] =	stream.indirect.gather [hbm4b:s1+s20], $0x40, s15, s20, $0xb8;
	[tilespmem:$0x1DC40] =	vst v63  }
0xaa: {  	_ =	swait.ge [sflag:s30], $0x1400  }
0xab: {  	[sflag:s30] =	ssyncset.done $0x0  }
0xac: {  	s16 =	simm.s32 $0x50F0;
	[sflag:s30] =	ssyncadd.s32 $0xFFFFEC00  }
0xad: {  	[spmem:s3] =	stream.indirect.scatter.add.f32 [tilespmem:s21], [sflag:$0xA], $0x40, s16, s20, $0xb8;
	[tilespmem:$0x1DC40] =	vst v63  }
0xae: {  	_ =	swait.ge [sflag:s12], $0x1400  }
0xaf: {  	[sflag:s12] =	ssyncset.done $0x0  }
0xb0: {  	s15 =	simm.s32 $0x410;
	[sflag:s12] =	ssyncadd.s32 $0xFFFFEC00  }
0xb1: {  	[tilespmem:s22], [sflag:$0x6] =	stream.indirect.gather [hbm4b:s1+s20], $0x40, s15, s20, $0xb8;
	[tilespmem:$0x1DC40] =	vst v63  }
0xb2: {  	_ =	swait.ge [sflag:s24], $0x1400  }
0xb3: {  	[sflag:s24] =	ssyncset.done $0x0  }
0xb4: {  	s16 =	simm.s32 $0x5140;
	[sflag:s24] =	ssyncadd.s32 $0xFFFFEC00  }
0xb5: {  	[spmem:s3] =	stream.indirect.scatter.add.f32 [tilespmem:s23], [sflag:$0xB], $0x40, s16, s20, $0xb8;
	[tilespmem:$0x1DC40] =	vst v63  }
0xb6: {  	_ =	swait.ge [sflag:s13], $0x1400  }
0xb7: {  	[sflag:s13] =	ssyncset.done $0x0  }
0xb8: {  	s15 =	simm.s32 $0x460;
	[sflag:s13] =	ssyncadd.s32 $0xFFFFEC00  }
0xb9: {  	[tilespmem:s0], [sflag:$0x7] =	stream.indirect.gather [hbm4b:s1+s20], $0x40, s15, s20, $0xb8;
	[tilespmem:$0x1DC40] =	vst v63  }
0xba: {  	_ =	swait.ge [sflag:s28], $0x1400  }
0xbb: {  	[sflag:s28] =	ssyncset.done $0x0  }
0xbc: {  	s16 =	simm.s32 $0x5190;
	[sflag:s28] =	ssyncadd.s32 $0xFFFFEC00  }
0xbd: {  	[spmem:s3] =	stream.indirect.scatter.add.f32 [tilespmem:s25], [sflag:$0xC], $0x40, s16, s20, $0xb8;
	[tilespmem:$0x1DC40] =	vst v63  }
0xbe: {  	_ =	swait.ge [sflag:s14], $0x1400  }
0xbf: {  	[sflag:s14] =	ssyncset.done $0x0  }
0xc0: {  	s7 =	simm.s32 $0x4B0;
	s16 =	simm.s32 $0xA00;
	[sflag:s14] =	ssyncadd.s32 $0xFFFFEC00  }
.LBB2_6:
0xc1: {  	[tilespmem:s31], [sflag:$0x8] =	stream.indirect.gather [hbm4b:s1+s20], $0x40, s7, s20, $0xb8;
	[tilespmem:$0x1DC40] =	vst v63  }
0xc2: {  	s7 =	smov.u32 s16  }
0xc3: {  	p0 =	sne.s32 s16, $0x12200;
	s16 =	sadd.s32 $0xA00, s16;
	_ =	swait.ge [sflag:s2], $0x1400  }
0xc4: {  	s7 =	sshra.s32 s7, $0x2;
	[sflag:s2] =	ssyncset.done $0x0  }
0xc5: {  	s15 =	sadd.s32 $0x4F60, s7;
	[sflag:s2] =	ssyncadd.s32 $0xFFFFEC00  }
0xc6: {  	[spmem:s3] =	stream.indirect.scatter.add.f32 [tilespmem:s29], [sflag:$0xD], $0x40, s15, s20, $0xb8;
	[tilespmem:$0x1DC40] =	vst v63  }
0xc7: {  	_ =	swait.ge [sflag:s4], $0x1400  }
0xc8: {  	[sflag:s4] =	ssyncset.done $0x0  }
0xc9: {  	s15 =	sadd.s32 $0x280, s7;
	[sflag:s4] =	ssyncadd.s32 $0xFFFFEC00  }
0xca: {  	[tilespmem:s19], [sflag:$0x1] =	stream.indirect.gather [hbm4b:s1+s20], $0x40, s15, s20, $0xb8;
	[tilespmem:$0x1DC40] =	vst v63  }
0xcb: {  	_ =	swait.ge [sflag:s5], $0x1400  }
0xcc: {  	[sflag:s5] =	ssyncset.done $0x0  }
0xcd: {  	s15 =	sadd.s32 $0x4FB0, s7;
	[sflag:s5] =	ssyncadd.s32 $0xFFFFEC00  }
0xce: {  	[spmem:s3] =	stream.indirect.scatter.add.f32 [tilespmem:s22], [sflag:$0xE], $0x40, s15, s20, $0xb8;
	[tilespmem:$0x1DC40] =	vst v63  }
0xcf: {  	_ =	swait.ge [sflag:s6], $0x1400  }
0xd0: {  	[sflag:s6] =	ssyncset.done $0x0  }
0xd1: {  	s15 =	sadd.s32 $0x2D0, s7;
	[sflag:s6] =	ssyncadd.s32 $0xFFFFEC00  }
0xd2: {  	[tilespmem:s21], [sflag:$0x2] =	stream.indirect.gather [hbm4b:s1+s20], $0x40, s15, s20, $0xb8;
	[tilespmem:$0x1DC40] =	vst v63  }
0xd3: {  	_ =	swait.ge [sflag:s8], $0x1400  }
0xd4: {  	[sflag:s8] =	ssyncset.done $0x0  }
0xd5: {  	s15 =	sadd.s32 $0x5000, s7;
	[sflag:s8] =	ssyncadd.s32 $0xFFFFEC00  }
0xd6: {  	[spmem:s3] =	stream.indirect.scatter.add.f32 [tilespmem:s0], [sflag:$0xF], $0x40, s15, s20, $0xb8;
	[tilespmem:$0x1DC40] =	vst v63  }
0xd7: {  	_ =	swait.ge [sflag:s9], $0x1400  }
0xd8: {  	[sflag:s9] =	ssyncset.done $0x0  }
0xd9: {  	s15 =	sadd.s32 $0x320, s7;
	[sflag:s9] =	ssyncadd.s32 $0xFFFFEC00  }
0xda: {  	[tilespmem:s23], [sflag:$0x3] =	stream.indirect.gather [hbm4b:s1+s20], $0x40, s15, s20, $0xb8;
	[tilespmem:$0x1DC40] =	vst v63  }
0xdb: {  	_ =	swait.ge [sflag:s10], $0x1400  }
0xdc: {  	[sflag:s10] =	ssyncset.done $0x0  }
0xdd: {  	s15 =	sadd.s32 $0x5050, s7;
	[sflag:s10] =	ssyncadd.s32 $0xFFFFEC00  }
0xde: {  	[spmem:s3] =	stream.indirect.scatter.add.f32 [tilespmem:s31], [sflag:$0x10], $0x40, s15, s20, $0xb8;
	[tilespmem:$0x1DC40] =	vst v63  }
0xdf: {  	_ =	swait.ge [sflag:s18], $0x1400  }
0xe0: {  	[sflag:s18] =	ssyncset.done $0x0  }
0xe1: {  	s15 =	sadd.s32 $0x370, s7;
	[sflag:s18] =	ssyncadd.s32 $0xFFFFEC00  }
0xe2: {  	[tilespmem:s25], [sflag:$0x4] =	stream.indirect.gather [hbm4b:s1+s20], $0x40, s15, s20, $0xb8;
	[tilespmem:$0x1DC40] =	vst v63  }
0xe3: {  	_ =	swait.ge [sflag:s26], $0x1400  }
0xe4: {  	[sflag:s26] =	ssyncset.done $0x0  }
0xe5: {  	s15 =	sadd.s32 $0x50A0, s7;
	[sflag:s26] =	ssyncadd.s32 $0xFFFFEC00  }
0xe6: {  	[spmem:s3] =	stream.indirect.scatter.add.f32 [tilespmem:s19], [sflag:$0x9], $0x40, s15, s20, $0xb8;
	[tilespmem:$0x1DC40] =	vst v63  }
0xe7: {  	_ =	swait.ge [sflag:s11], $0x1400  }
0xe8: {  	[sflag:s11] =	ssyncset.done $0x0  }
0xe9: {  	s15 =	sadd.s32 $0x3C0, s7;
	[sflag:s11] =	ssyncadd.s32 $0xFFFFEC00  }
0xea: {  	[tilespmem:s29], [sflag:$0x5] =	stream.indirect.gather [hbm4b:s1+s20], $0x40, s15, s20, $0xb8;
	[tilespmem:$0x1DC40] =	vst v63  }
0xeb: {  	_ =	swait.ge [sflag:s30], $0x1400  }
0xec: {  	[sflag:s30] =	ssyncset.done $0x0  }
0xed: {  	s15 =	sadd.s32 $0x50F0, s7;
	[sflag:s30] =	ssyncadd.s32 $0xFFFFEC00  }
0xee: {  	[spmem:s3] =	stream.indirect.scatter.add.f32 [tilespmem:s21], [sflag:$0xA], $0x40, s15, s20, $0xb8;
	[tilespmem:$0x1DC40] =	vst v63  }
0xef: {  	_ =	swait.ge [sflag:s12], $0x1400  }
0xf0: {  	[sflag:s12] =	ssyncset.done $0x0  }
0xf1: {  	s15 =	sadd.s32 $0x410, s7;
	[sflag:s12] =	ssyncadd.s32 $0xFFFFEC00  }
0xf2: {  	[tilespmem:s22], [sflag:$0x6] =	stream.indirect.gather [hbm4b:s1+s20], $0x40, s15, s20, $0xb8;
	[tilespmem:$0x1DC40] =	vst v63  }
0xf3: {  	_ =	swait.ge [sflag:s24], $0x1400  }
0xf4: {  	[sflag:s24] =	ssyncset.done $0x0  }
0xf5: {  	s15 =	sadd.s32 $0x5140, s7;
	[sflag:s24] =	ssyncadd.s32 $0xFFFFEC00  }
0xf6: {  	[spmem:s3] =	stream.indirect.scatter.add.f32 [tilespmem:s23], [sflag:$0xB], $0x40, s15, s20, $0xb8;
	[tilespmem:$0x1DC40] =	vst v63  }
0xf7: {  	_ =	swait.ge [sflag:s13], $0x1400  }
0xf8: {  	[sflag:s13] =	ssyncset.done $0x0  }
0xf9: {  	s15 =	sadd.s32 $0x460, s7;
	[sflag:s13] =	ssyncadd.s32 $0xFFFFEC00  }
0xfa: {  	[tilespmem:s0], [sflag:$0x7] =	stream.indirect.gather [hbm4b:s1+s20], $0x40, s15, s20, $0xb8;
	[tilespmem:$0x1DC40] =	vst v63  }
0xfb: {  	_ =	swait.ge [sflag:s28], $0x1400  }
0xfc: {  	[sflag:s28] =	ssyncset.done $0x0  }
.Ltmp2:
0xfd: {  	s15 =	sadd.s32 $0x5190, s7;
	[sflag:s28] =	ssyncadd.s32 $0xFFFFEC00;
	(pc) =	sbr.rel @p0 .LBB2_6-.Ltmp2, $4  }
0xfe: {  	[spmem:s3] =	stream.indirect.scatter.add.f32 [tilespmem:s25], [sflag:$0xC], $0x40, s15, s20, $0xb8;
	[tilespmem:$0x1DC40] =	vst v63  }
0xff: {  	_ =	swait.ge [sflag:s14], $0x1400  }
0x100: {  	[sflag:s14] =	ssyncset.done $0x0  }
0x101: {  	s7 =	sadd.s32 $0x4B0, s7;
	[sflag:s14] =	ssyncadd.s32 $0xFFFFEC00  }
0x102: {  	[tilespmem:s31], [sflag:$0x8] =	stream.indirect.gather [hbm4b:s1+s20], $0x40, s7, s20, $0xb8;
	[tilespmem:$0x1DC40] =	vst v63  }
0x103: {  	_ =	swait.ge [sflag:s2], $0x1400  }
0x104: {  	[sflag:s2] =	ssyncset.done $0x0  }
0x105: {  	s16 =	simm.s32 $0x9A60;
	[sflag:s2] =	ssyncadd.s32 $0xFFFFEC00  }
0x106: {  	[spmem:s3] =	stream.indirect.scatter.add.f32 [tilespmem:s29], [sflag:$0xD], $0x40, s16, s20, $0xb8;
	[tilespmem:$0x1DC40] =	vst v63  }
0x107: {  	_ =	swait.ge [sflag:s4], $0x1400  }
0x108: {  	[sflag:s4] =	ssyncset.done $0x0  }
0x109: {  	s15 =	simm.s32 $0x4D80;
	[sflag:s4] =	ssyncadd.s32 $0xFFFFEC00  }
0x10a: {  	[tilespmem:s19], [sflag:$0x1] =	stream.indirect.gather [hbm4b:s1+s20], $0x40, s15, s20, $0xb8;
	[tilespmem:$0x1DC40] =	vst v63  }
0x10b: {  	_ =	swait.ge [sflag:s5], $0x1400  }
0x10c: {  	[sflag:s5] =	ssyncset.done $0x0  }
0x10d: {  	s16 =	simm.s32 $0x9AB0;
	[sflag:s5] =	ssyncadd.s32 $0xFFFFEC00  }
0x10e: {  	[spmem:s3] =	stream.indirect.scatter.add.f32 [tilespmem:s22], [sflag:$0xE], $0x40, s16, s20, $0xb8;
	[tilespmem:$0x1DC40] =	vst v63  }
0x10f: {  	_ =	swait.ge [sflag:s6], $0x1400  }
0x110: {  	[sflag:s6] =	ssyncset.done $0x0  }
0x111: {  	s15 =	simm.s32 $0x4DD0;
	[sflag:s6] =	ssyncadd.s32 $0xFFFFEC00  }
0x112: {  	[tilespmem:s21], [sflag:$0x2] =	stream.indirect.gather [hbm4b:s1+s20], $0x40, s15, s20, $0xb8;
	[tilespmem:$0x1DC40] =	vst v63  }
0x113: {  	_ =	swait.ge [sflag:s8], $0x1400  }
0x114: {  	[sflag:s8] =	ssyncset.done $0x0  }
0x115: {  	s16 =	simm.s32 $0x9B00;
	[sflag:s8] =	ssyncadd.s32 $0xFFFFEC00  }
0x116: {  	[spmem:s3] =	stream.indirect.scatter.add.f32 [tilespmem:s0], [sflag:$0xF], $0x40, s16, s20, $0xb8;
	[tilespmem:$0x1DC40] =	vst v63  }
0x117: {  	_ =	swait.ge [sflag:s10], $0x1400  }
0x118: {  	[sflag:s10] =	ssyncset.done $0x0  }
0x119: {  	s15 =	simm.s32 $0x9B50;
	[sflag:s10] =	ssyncadd.s32 $0xFFFFEC00  }
0x11a: {  	[spmem:s3] =	stream.indirect.scatter.add.f32 [tilespmem:s31], [sflag:$0x10], $0x40, s15, s20, $0xb8;
	[tilespmem:$0x1DC40] =	vst v63  }
0x11b: {  	_ =	swait.ge [sflag:s26], $0x1400  }
0x11c: {  	[sflag:s26] =	ssyncset.done $0x0  }
0x11d: {  	s16 =	simm.s32 $0x9BA0;
	[sflag:s26] =	ssyncadd.s32 $0xFFFFEC00  }
0x11e: {  	[spmem:s3] =	stream.indirect.scatter.add.f32 [tilespmem:s19], [sflag:$0x9], $0x40, s16, s20, $0xb8;
	[tilespmem:$0x1DC40] =	vst v63  }
0x11f: {  	_ =	swait.ge [sflag:s30], $0x1400  }
0x120: {  	[sflag:s30] =	ssyncset.done $0x0  }
0x121: {  	s15 =	simm.s32 $0x9BF0;
	[sflag:s30] =	ssyncadd.s32 $0xFFFFEC00  }
0x122: {  	[spmem:s3] =	stream.indirect.scatter.add.f32 [tilespmem:s21], [sflag:$0xA], $0x40, s15, s20, $0xb8;
	[tilespmem:$0x1DC40] =	vst v63  }
0x123: {  	_ =	swait.ge [sflag:s9], $0x1400  }
0x124: {  	[sflag:s9] =	ssyncset.done $0x0  }
0x125: {  	[sflag:s9] =	ssyncadd.s32 $0xFFFFEC00  }
0x126: {  	_ =	swait.ge [sflag:s18], $0x1400  }
0x127: {  	[sflag:s18] =	ssyncset.done $0x0  }
0x128: {  	[sflag:s18] =	ssyncadd.s32 $0xFFFFEC00  }
0x129: {  	_ =	swait.ge [sflag:s11], $0x1400  }
0x12a: {  	[sflag:s11] =	ssyncset.done $0x0  }
0x12b: {  	[sflag:s11] =	ssyncadd.s32 $0xFFFFEC00  }
0x12c: {  	_ =	swait.ge [sflag:s12], $0x1400  }
0x12d: {  	[sflag:s12] =	ssyncset.done $0x0  }
0x12e: {  	[sflag:s12] =	ssyncadd.s32 $0xFFFFEC00  }
0x12f: {  	_ =	swait.ge [sflag:s13], $0x1400  }
0x130: {  	[sflag:s13] =	ssyncset.done $0x0  }
0x131: {  	[sflag:s13] =	ssyncadd.s32 $0xFFFFEC00  }
0x132: {  	_ =	swait.ge [sflag:s14], $0x1400  }
0x133: {  	[sflag:s14] =	ssyncset.done $0x0  }
0x134: {  	[sflag:s14] =	ssyncadd.s32 $0xFFFFEC00  }
0x135: {  	_ =	swait.ge [sflag:s4], $0x1400  }
0x136: {  	[sflag:s4] =	ssyncset.done $0x0  }
0x137: {  	[sflag:s4] =	ssyncadd.s32 $0xFFFFEC00  }
0x138: {  	_ =	swait.ge [sflag:s6], $0x1400  }
0x139: {  	[sflag:s6] =	ssyncset.done $0x0  }
0x13a: {  	[sflag:s6] =	ssyncadd.s32 $0xFFFFEC00  }
0x13b: {  	s16 =	stileid.u32;
	[bflag:$0x0] =	sbarrier.arrive $0xFFFF  }
0x13c: {  	s7 =	sshll.u32 s16, $0x6;
	s15 =	rddreg [dreg:$0x6]  }
0x13d: {  	s7 =	sor.u32 $0x1C11, s7;
	s16 =	rddreg [dreg:$0xe];
	s15 =	sshrl.u32 s15, $0x3  }
0x13e: {  	[hbm:s16@s14], [sflag:s7] =	dma.strided [spmem:s15@s10], $0x1400, s26, $0x8   }
0x13f: {  	_ =	swait.ge [sflag:s17], $0x1400  }
0x140: {  	s7 =	rddreg [dreg:$0x10]  }
0x141: {  	s16 =	rddreg [dreg:$0xf];
	s15 =	sadd.s32 $0x1, s7  }
0x142: {  	p0 =	sne.s32 s15, s16  }
.Ltmp3:
0x143: {  	_ = 	snop;
	(pc) =	sbr.rel @p0 .LBB2_1-.Ltmp3, $3  }
0x144: {  	_ =	sdelay $0x1  }
0x145: {  	[sflag:s17] =	ssyncset.done $0x0  }
0x146: {  	[sflag:s17] =	ssyncadd.s32 $0xFFFFEC00  }
0x147: {  	_ =	sfence.sel $0x180000  }
0x148: {  	[bflag:$0x0] =	sbarrier.arrive $0xFFFF  }
0x149: {  	_ =	strace $0x9000004A  }
0x14a: {  	s0 =	stileid.u32;
	[bflag:$0x2] =	sbarrier.arrive $0xFFFF  }
0x14b: {  	p0 =	sne.s32 s0, $0x0;
	s0 =	rddreg [dreg:$0x3]  }
0x14c: {  	s0 =	sadd.s32 @!p0 $0x100000, s0  }
0x14d: {  	[sflag:s0] =	ssyncadd.tile.s32 @!p0 $0x1;
	_ =	shalt  }
.Lfunc_end2:
_tile_overlayer_lowered:
.L_overlay_start_2:
0x14e: {  	(tag) =	ssettag $0x2  }
0x14f: {  	s0 =	rddreg [dreg:$0x0];
	s2 =	stileid.u32  }
0x150: {  	s1 =	rddreg [dreg:$0x1];
	p0 =	sne.s32 s2, $0x0  }
0x151: {  	s3 =	rddreg [dreg:$0x2];
	[bflag:$0x3] =	sbarrier.arrive $0xFFFF;
	s2 =	simm.s32 @!p0 $0x1C11  }
0x152: {  	[timem:s3], [sflag:s2] =	dma.local @!p0 [hbm:s0], s1  }
0x153: {  	s0 =	simm.s32 @!p0 $0x11  }
0x154: {  	_ =	swait.ge @!p0 [sflag:s0], s1  }
0x155: {  	s1 =	ssub.s32 @!p0 $0x0, s1;
	[sflag:s0] =	ssyncset.done @!p0 $0x0  }
0x156: {  	[sflag:s0] =	ssyncadd.s32 @!p0 s1  }
0x157: {  	[bflag:$0x3] =	sbarrier.arrive $0xFFFF  }
0x158: {  	_ =	shalt  }

</sc_bundles>
